<compile_context>
chip_gen: v7x
topology: tpu7x:2x2x1
jax: 0.10.2.dev20260603
libtpu: 0.0.44.dev20260713+nightly
codegen_flags: <defaults>
</compile_context>

<pallas_src>
import functools

import jax
import jax.numpy as jnp
from jax import lax
from jax.experimental import pallas as pl
from jax.experimental.pallas import tpu as pltpu
from jax.experimental.pallas import tpu_sc as plsc

_PREC = jax.lax.Precision.DEFAULT


def _ln_rows(x, g, b):
    m = jnp.mean(x, axis=-1, keepdims=True)
    v = jnp.mean((x - m) * (x - m), axis=-1, keepdims=True)
    return (x - m) / jnp.sqrt(v + 1e-5) * g + b


def _gi_kernel(tok_ref, wih_ref, bih_ref, g_ref, bt_ref, out_ref):
    x = jnp.dot(tok_ref[:], wih_ref[:], preferred_element_type=jnp.float32,
                precision=_PREC) + bih_ref[:]
    out_ref[:] = _ln_rows(x, g_ref[:], bt_ref[:])


def _gru_kernel(S, D, CH, BLK, gi_ref, fa_ref, whh_ref, bhh_ref, g_ref,
                bt_ref, out_ref, h_scr, hp_scr):
    i = pl.program_id(0)

    @pl.when(i == 0)
    def _init():
        h_scr[pl.ds(S, 8), :] = jnp.zeros((8, D), jnp.float32)

    def gates(gh_pre, gi, hx):
        gh = _ln_rows(gh_pre, g_ref[:], bt_ref[:])
        i_r, i_z, i_n = gi[:, :D], gi[:, D:2 * D], gi[:, 2 * D:]
        h_r, h_z, h_n = gh[:, :D], gh[:, D:2 * D], gh[:, 2 * D:]
        r = jax.nn.sigmoid(i_r + h_r)
        z = jax.nn.sigmoid(i_z + h_z)
        n = jnp.tanh(i_n + r * h_n)
        return (1.0 - z) * n + z * hx

    def block(b, carry):
        bs = i * CH + b * BLK
        lb = b * BLK

        def g_step(j, c):
            row = bs + j
            idx = fa_ref[row]

            @pl.when(idx < row)
            def _copy():
                hp_scr[pl.ds(j, 1), :] = h_scr[pl.ds(idx, 1), :]

            @pl.when(idx >= row)
            def _zero():
                hp_scr[pl.ds(j, 1), :] = jnp.zeros((1, D), jnp.float32)

            return c

        lax.fori_loop(0, BLK, g_step, 0, unroll=8)

        hp = hp_scr[:]
        gh_pre = jnp.dot(hp, whh_ref[:], preferred_element_type=jnp.float32,
                         precision=_PREC) + bhh_ref[:]
        gi = gi_ref[pl.ds(lb, BLK), :]
        h_scr[pl.ds(bs, BLK), :] = gates(gh_pre, gi, hp)

        def f_step(j, c):
            row = bs + j
            idx = fa_ref[row]

            @pl.when(jnp.logical_and(idx >= bs, idx < row))
            def _fix():
                hx = h_scr[pl.ds(idx, 1), :]
                pre = jnp.dot(hx, whh_ref[:],
                              preferred_element_type=jnp.float32,
                              precision=_PREC) + bhh_ref[:]
                gi1 = gi_ref[pl.ds(lb + j, 1), :]
                h_scr[pl.ds(row, 1), :] = gates(pre, gi1, hx)

            return c

        lax.fori_loop(0, BLK, f_step, 0, unroll=False)
        return carry

    lax.fori_loop(0, CH // BLK, block, 0, unroll=False)
    out_ref[:] = h_scr[pl.ds(i * CH, CH), :]


def _mlp_kernel(gru_ref, w0_ref, b0_ref, w1_ref, b1_ref, out_ref):
    h = jnp.dot(gru_ref[:], w0_ref[:], preferred_element_type=jnp.float32,
                precision=_PREC) + b0_ref[:]
    h = 0.5 * h * (1.0 + lax.erf(h * 0.7071067811865476))
    out_ref[:] = jnp.dot(h, w1_ref[:], preferred_element_type=jnp.float32,
                         precision=_PREC) + b1_ref[:]


def _chain_sc_body(S, D, DSE, PT, g_hbm, pos_hbm, sh_hbm, out_hbm, tab_hbm,
                   idxs_v, rows_v, sem_g, sem_s, sem_i):
    nc = 2
    wid = lax.axis_index("s") * nc + lax.axis_index("c")
    base = wid * PT
    nk = D // DSE
    pltpu.sync_copy(pos_hbm.at[pl.ds(base, PT)], idxs_v.at[0])
    gathers = [pltpu.async_copy(sh_hbm.at[pl.ds(base, PT)], rows_v.at[0],
                                sem_g)]
    for k in range(1, nk):
        pltpu.async_copy(g_hbm.at[idxs_v.at[k - 1]], idxs_v.at[k],
                         sem_i).wait()
        gathers.append(
            pltpu.async_copy(sh_hbm.at[idxs_v.at[k]], rows_v.at[k], sem_g))
    stores = [pltpu.async_copy(idxs_v, tab_hbm.at[wid], sem_s)]
    for k in range(nk):
        gathers[k].wait()
        stores.append(
            pltpu.async_copy(rows_v.at[k], out_hbm.at[k, pl.ds(base, PT)],
                             sem_s))
    for st in stores:
        st.wait()


def _out_kernel(NK, tok_ref, emb_ref, mask_ref, wct_ref, wcb_ref, bc_ref,
                out_ref):
    acc = jnp.dot(tok_ref[:], wct_ref[:], preferred_element_type=jnp.float32,
                  precision=_PREC)
    for k in range(NK):
        ek = emb_ref[k] * mask_ref[k][:, None]
        acc = acc + jnp.dot(ek, wcb_ref[k],
                            preferred_element_type=jnp.float32,
                            precision=_PREC)
    out_ref[:] = acc + bc_ref[:]


def _row_block(CH, cols):
    return pl.BlockSpec((CH, cols), lambda i: (i, 0))


def _whole(shape):
    return pl.BlockSpec(shape, lambda i: tuple(0 for _ in shape))


def kernel(token, fa, W0, b0, W1, b1, Wc, bc, Wih, bih, Whh, bhh,
           g_ih, bt_ih, g_hh, bt_hh):
    B, S, D = token.shape
    DSE = W1.shape[1]
    tok = token[0]
    fa0 = fa[0].astype(jnp.int32)

    CH = 256
    grid = (S // CH,)

    gi = pl.pallas_call(
        _gi_kernel,
        grid=grid,
        in_specs=[_row_block(CH, D), _whole(Wih.shape), _whole(bih.shape),
                  _whole(g_ih.shape), _whole(bt_ih.shape)],
        out_specs=_row_block(CH, 3 * D),
        out_shape=jax.ShapeDtypeStruct((S, 3 * D), jnp.float32),
    )(tok, Wih, bih, g_ih, bt_ih)

    BLK = 64
    gru = pl.pallas_call(
        functools.partial(_gru_kernel, S, D, CH, BLK),
        grid=grid,
        in_specs=[
            _row_block(CH, 3 * D),
            pl.BlockSpec(memory_space=pltpu.SMEM),
            _whole(Whh.shape),
            _whole(bhh.shape),
            _whole(g_hh.shape),
            _whole(bt_hh.shape),
        ],
        out_specs=_row_block(CH, D),
        out_shape=jax.ShapeDtypeStruct((S, D), jnp.float32),
        scratch_shapes=[pltpu.VMEM((S + 8, D), jnp.float32),
                        pltpu.VMEM((BLK, D), jnp.float32)],
    )(gi, fa0, Whh, bhh, g_hh, bt_hh)

    W1p = jnp.zeros((D, 128), jnp.float32).at[:, :DSE].set(W1)
    b1p = jnp.zeros((128,), jnp.float32).at[:DSE].set(b1)
    shorted = pl.pallas_call(
        _mlp_kernel,
        grid=grid,
        in_specs=[_row_block(CH, D), _whole(W0.shape), _whole(b0.shape),
                  _whole(W1p.shape), _whole(b1p.shape)],
        out_specs=_row_block(CH, 128),
        out_shape=jax.ShapeDtypeStruct((S, 128), jnp.float32),
    )(gru, W0, b0, W1p, b1p)

    pos = jnp.arange(S, dtype=jnp.int32)
    g = jnp.where(fa0 < pos, fa0, pos)

    PT = S // 32
    NT = S // PT
    NK = D // DSE
    chain_sc = pl.kernel(
        functools.partial(_chain_sc_body, S, D, DSE, PT),
        mesh=plsc.VectorSubcoreMesh(core_axis_name="c", subcore_axis_name="s"),
        out_type=(jax.ShapeDtypeStruct((NK, S, 128), jnp.float32),
                  jax.ShapeDtypeStruct((NT, NK, PT), jnp.int32)),
        scratch_types=[
            pltpu.VMEM((NK, PT), jnp.int32),
            pltpu.VMEM((NK, PT, 128), jnp.float32),
            pltpu.SemaphoreType.DMA,
            pltpu.SemaphoreType.DMA,
            pltpu.SemaphoreType.DMA,
        ],
    )
    emb, tabm = chain_sc(g, pos, shorted)

    neq = (tabm[:, 1:, :] != tabm[:, :-1, :]).astype(jnp.float32)
    maskf = jnp.concatenate(
        [jnp.ones((NT, 1, PT), jnp.float32), neq], axis=1)
    maskf = maskf.transpose(1, 0, 2).reshape(NK, S)

    wcb = jnp.zeros((NK, 128, D), jnp.float32).at[:, :DSE, :].set(
        Wc[D:].reshape(NK, DSE, D))
    out = pl.pallas_call(
        functools.partial(_out_kernel, NK),
        grid=grid,
        in_specs=[_row_block(CH, D),
                  pl.BlockSpec((NK, CH, 128), lambda i: (0, i, 0)),
                  pl.BlockSpec((NK, CH), lambda i: (0, i)),
                  _whole((D, D)), _whole((NK, 128, D)), _whole(bc.shape)],
        out_specs=_row_block(CH, D),
        out_shape=jax.ShapeDtypeStruct((S, D), jnp.float32),
    )(tok, emb, maskf, Wc[:D], wcb, bc)

    return out[None]

# --- scband reference (transcript-rebuilt; emitter-appended) ---
"""Pipeline reference for scband-position-gruembedding-18545668784522 (READ-ONLY COPY).

The authoritative reference and input builder live on the scoring server;
editing this copy changes nothing except your own understanding.
"""

import jax, jax.numpy as jnp
import numpy as np

B = 1
S = 2048
D = 768
DSE = 64


def _ln(x, g, b):
    m = jnp.mean(x, axis=-1, keepdims=True)
    v = jnp.var(x, axis=-1, keepdims=True)
    return (x - m) / jnp.sqrt(v + 1e-5) * g + b


def setup_inputs(seed: int = 0) -> dict:
    key = jax.random.key(seed)
    ks = jax.random.split(key, 12)
    s = 0.02
    token = jax.random.normal(ks[0], (B, S, D), dtype=jnp.float32)
    fa = jax.random.randint(ks[1], (B, S), 0, S)
    W0 = jax.random.normal(ks[2], (D, D), dtype=jnp.float32) * s
    b0 = jnp.zeros((D,), dtype=jnp.float32)
    W1 = jax.random.normal(ks[3], (D, DSE), dtype=jnp.float32) * s
    b1 = jnp.zeros((DSE,), dtype=jnp.float32)
    Wc = jax.random.normal(ks[4], (2 * D, D), dtype=jnp.float32) * s
    bc = jnp.zeros((D,), dtype=jnp.float32)
    Wih = jax.random.normal(ks[5], (D, 3 * D), dtype=jnp.float32) * s
    bih = jnp.zeros((3 * D,), dtype=jnp.float32)
    Whh = jax.random.normal(ks[6], (D, 3 * D), dtype=jnp.float32) * s
    bhh = jnp.zeros((3 * D,), dtype=jnp.float32)
    g_ih = jnp.ones((3 * D,), dtype=jnp.float32)
    bt_ih = jnp.zeros((3 * D,), dtype=jnp.float32)
    g_hh = jnp.ones((3 * D,), dtype=jnp.float32)
    bt_hh = jnp.zeros((3 * D,), dtype=jnp.float32)
    return {"token": token, "fa": fa, "W0": W0, "b0": b0, "W1": W1, "b1": b1,
            "Wc": Wc, "bc": bc, "Wih": Wih, "bih": bih, "Whh": Whh, "bhh": bhh,
            "g_ih": g_ih, "bt_ih": bt_ih, "g_hh": g_hh, "bt_hh": bt_hh}


def reference(token, fa, W0, b0, W1, b1, Wc, bc, Wih, bih, Whh, bhh, g_ih, bt_ih, g_hh, bt_hh):
    B_, S_, D_ = token.shape
    bidx = jnp.arange(B_)

    def cell(x, h):
        gi = _ln(x @ Wih + bih, g_ih, bt_ih)
        gh = _ln(h @ Whh + bhh, g_hh, bt_hh)
        i_r, i_z, i_n = jnp.split(gi, 3, axis=-1)
        h_r, h_z, h_n = jnp.split(gh, 3, axis=-1)
        r = jax.nn.sigmoid(i_r + h_r)
        z = jax.nn.sigmoid(i_z + h_z)
        n = jnp.tanh(i_n + r * h_n)
        return (1.0 - z) * n + z * h

    tok_t = jnp.transpose(token, (1, 0, 2))
    fa_t = jnp.transpose(fa, (1, 0))
    pos = jnp.arange(S_)

    def step1(gru_emb, inp):
        x_p, fa_p, p = inp
        hx = gru_emb[bidx, fa_p]
        h_new = cell(x_p, hx)
        gru_emb = jax.lax.dynamic_update_slice(gru_emb, h_new[:, None, :], (0, p, 0))
        return gru_emb, None

    gru_emb0 = jnp.zeros((B_, S_, D_), dtype=token.dtype)
    gru_emb, _ = jax.lax.scan(step1, gru_emb0, (tok_t, fa_t, pos))

    # mlp_compress (dropout is identity in eval mode)
    shorted = jax.nn.gelu(gru_emb @ W0 + b0, approximate=False) @ W1 + b1
    short_t = jnp.transpose(shorted, (1, 0, 2))

    def step2(emb, inp):
        cur_p, fa_p, p = inp
        prev = emb[bidx, fa_p, : D_ - DSE]
        new = jnp.concatenate([cur_p, prev], axis=-1)
        emb = jax.lax.dynamic_update_slice(emb, new[:, None, :], (0, p, 0))
        return emb, None

    emb0 = jnp.zeros((B_, S_, D_), dtype=token.dtype)
    emb, _ = jax.lax.scan(step2, emb0, (short_t, fa_t, pos))

    out = jnp.concatenate([token, emb], axis=-1) @ Wc + bc
    return out

if __name__ == "__main__":
    import jax
    _d = setup_inputs()
    print(jax.jit(kernel)(*tuple(_d.values())))

</pallas_src>

<mosaic_0001>
#map = affine_map<(d0, d1) -> (0)>
#map1 = affine_map<(d0, d1) -> (0, 0)>
#map2 = affine_map<(d0, d1) -> (0, 0, 0)>
module attributes {stable_mosaic.version = 14 : i64} {
  func.func @_chain_sc_body(%arg0: i32, %arg1: i32, %arg2: memref<2048xi32, #tpu.memory_space<hbm>>, %arg3: memref<2048xi32, #tpu.memory_space<hbm>>, %arg4: memref<2048x128xf32, #tpu.memory_space<hbm>>, %arg5: memref<12x2048x128xf32, #tpu.memory_space<hbm>>, %arg6: memref<32x12x64xi32, #tpu.memory_space<hbm>>, %arg7: memref<12x64xi32, #tpu.memory_space<vmem>>, %arg8: memref<12x64x128xf32, #tpu.memory_space<vmem>>, %arg9: memref<!tpu.dma_semaphore, #tpu.memory_space<semaphore_mem>>, %arg10: memref<!tpu.dma_semaphore, #tpu.memory_space<semaphore_mem>>, %arg11: memref<!tpu.dma_semaphore, #tpu.memory_space<semaphore_mem>>) attributes {dimension_semantics = [#tpu.dimension_semantics<core_parallel>, #tpu.dimension_semantics<subcore_parallel>], iteration_bounds = array<i64: 2, 16>, scalar_prefetch = 0 : i64, scratch_operands = 5 : i64, tpu.core_type = #tpu.core_type<sc_vector_subcore>, window_params = [{transform_indices = #map}, {transform_indices = #map}, {transform_indices = #map1}, {transform_indices = #map2}, {transform_indices = #map2}]} {
    %mul3A = arith.constant 2 : i32
    %mul3A_0 = arith.muli %arg1, %mul3A : i32
    %add3A = arith.addi %mul3A_0, %arg0 : i32
    %mul3A_1 = arith.constant 64 : i32
    %mul3A_2 = arith.muli %add3A, %mul3A_1 : i32
    %run_scoped3A = arith.constant 0 : i32
    "tpu.region"() ({
      %run_scoped3A_911 = tpu.sem_alloc : memref<!tpu.dma_semaphore, #tpu.memory_space<semaphore_mem>>
      %dma_start3A_912 = arith.constant 0 : i32
      %dma_start3A_913 = tpu.memref_slice %arg7[%run_scoped3A, %dma_start3A_912] : memref<12x64xi32, #tpu.memory_space<vmem>> -> memref<1x64xi32, #tpu.memory_space<vmem>>
      %dma_start3A_914 = tpu.memref_squeeze %dma_start3A_913 : memref<1x64xi32, #tpu.memory_space<vmem>> -> memref<64xi32, #tpu.memory_space<vmem>>
      %dma_start3A_915 = tpu.memref_slice %arg3[%mul3A_2] : memref<2048xi32, #tpu.memory_space<hbm>> -> memref<64xi32, #tpu.memory_space<hbm>>
      %dma_start3A_916 = arith.constant 0 : i32
      %dma_start3A_917 = tpu.memref_slice %arg7[%run_scoped3A, %dma_start3A_916] : memref<12x64xi32, #tpu.memory_space<vmem>> -> memref<1x64xi32, #tpu.memory_space<vmem>>
      %dma_start3A_918 = tpu.memref_squeeze %dma_start3A_917 : memref<1x64xi32, #tpu.memory_space<vmem>> -> memref<64xi32, #tpu.memory_space<vmem>>
      %dma_start3A_919 = tpu.memref_slice %arg3[%mul3A_2] : memref<2048xi32, #tpu.memory_space<hbm>> -> memref<64xi32, #tpu.memory_space<hbm>>
      tpu.enqueue_dma source(%dma_start3A_919 : memref<64xi32, #tpu.memory_space<hbm>>) target(%dma_start3A_918 : memref<64xi32, #tpu.memory_space<vmem>>) target_semaphore(%run_scoped3A_911 : memref<!tpu.dma_semaphore, #tpu.memory_space<semaphore_mem>>)
      %dma_wait3A_920 = arith.constant 0 : i32
      %dma_wait3A_921 = tpu.memref_slice %arg7[%run_scoped3A, %dma_wait3A_920] : memref<12x64xi32, #tpu.memory_space<vmem>> -> memref<1x64xi32, #tpu.memory_space<vmem>>
      %dma_wait3A_922 = tpu.memref_squeeze %dma_wait3A_921 : memref<1x64xi32, #tpu.memory_space<vmem>> -> memref<64xi32, #tpu.memory_space<vmem>>
      %dma_wait3A_923 = tpu.memref_slice %arg3[%mul3A_2] : memref<2048xi32, #tpu.memory_space<hbm>> -> memref<64xi32, #tpu.memory_space<hbm>>
      %dma_wait3A_924 = arith.constant 0 : i32
      %dma_wait3A_925 = tpu.memref_slice %arg7[%run_scoped3A, %dma_wait3A_924] : memref<12x64xi32, #tpu.memory_space<vmem>> -> memref<1x64xi32, #tpu.memory_space<vmem>>
      %dma_wait3A_926 = tpu.memref_squeeze %dma_wait3A_925 : memref<1x64xi32, #tpu.memory_space<vmem>> -> memref<64xi32, #tpu.memory_space<vmem>>
      %dma_wait3A_927 = tpu.memref_slice %arg3[%mul3A_2] : memref<2048xi32, #tpu.memory_space<hbm>> -> memref<64xi32, #tpu.memory_space<hbm>>
      tpu.wait_dma2 semaphore(%run_scoped3A_911 : memref<!tpu.dma_semaphore, #tpu.memory_space<semaphore_mem>>) src(%dma_wait3A_927 : memref<64xi32, #tpu.memory_space<hbm>>) dst(%dma_wait3A_926 : memref<64xi32, #tpu.memory_space<vmem>>)
      tpu.yield
    }) : () -> ()
    %dma_start3A = arith.constant 0 : i32
    %dma_start3A_3 = arith.constant 0 : i32
    %dma_start3A_4 = arith.constant 0 : i32
    %dma_start3A_5 = tpu.memref_slice %arg8[%dma_start3A, %dma_start3A_3, %dma_start3A_4] : memref<12x64x128xf32, #tpu.memory_space<vmem>> -> memref<1x64x128xf32, #tpu.memory_space<vmem>>
    %dma_start3A_6 = tpu.memref_squeeze %dma_start3A_5 : memref<1x64x128xf32, #tpu.memory_space<vmem>> -> memref<64x128xf32, #tpu.memory_space<vmem>>
    %dma_start3A_7 = arith.constant 0 : i32
    %dma_start3A_8 = tpu.memref_slice %arg4[%mul3A_2, %dma_start3A_7] : memref<2048x128xf32, #tpu.memory_space<hbm>> -> memref<64x128xf32, #tpu.memory_space<hbm>>
    %dma_start3A_9 = arith.constant 0 : i32
    %dma_start3A_10 = arith.constant 0 : i32
    %dma_start3A_11 = tpu.memref_slice %arg8[%dma_start3A, %dma_start3A_9, %dma_start3A_10] : memref<12x64x128xf32, #tpu.memory_space<vmem>> -> memref<1x64x128xf32, #tpu.memory_space<vmem>>
    %dma_start3A_12 = tpu.memref_squeeze %dma_start3A_11 : memref<1x64x128xf32, #tpu.memory_space<vmem>> -> memref<64x128xf32, #tpu.memory_space<vmem>>
    %dma_start3A_13 = arith.constant 0 : i32
    %dma_start3A_14 = tpu.memref_slice %arg4[%mul3A_2, %dma_start3A_13] : memref<2048x128xf32, #tpu.memory_space<hbm>> -> memref<64x128xf32, #tpu.memory_space<hbm>>
    tpu.enqueue_dma source(%dma_start3A_14 : memref<64x128xf32, #tpu.memory_space<hbm>>) target(%dma_start3A_12 : memref<64x128xf32, #tpu.memory_space<vmem>>) target_semaphore(%arg9 : memref<!tpu.dma_semaphore, #tpu.memory_space<semaphore_mem>>)
    %dma_start3A_15 = arith.constant 0 : i32
    %dma_start3A_16 = arith.constant 1 : i32
    %dma_start3A_17 = arith.constant 0 : i32
    %dma_start3A_18 = tpu.memref_slice %arg7[%dma_start3A_16, %dma_start3A_17] : memref<12x64xi32, #tpu.memory_space<vmem>> -> memref<1x64xi32, #tpu.memory_space<vmem>>
    %dma_start3A_19 = tpu.memref_squeeze %dma_start3A_18 : memref<1x64xi32, #tpu.memory_space<vmem>> -> memref<64xi32, #tpu.memory_space<vmem>>
    %dma_start3A_20 = arith.constant 0 : i32
    %dma_start3A_21 = tpu.memref_slice %arg7[%dma_start3A_15, %dma_start3A_20] : memref<12x64xi32, #tpu.memory_space<vmem>> -> memref<1x64xi32, #tpu.memory_space<vmem>>
    %dma_start3A_22 = tpu.memref_squeeze %dma_start3A_21 : memref<1x64xi32, #tpu.memory_space<vmem>> -> memref<64xi32, #tpu.memory_space<vmem>>
    %dma_start3A_23 = arith.constant 0 : i32
    %dma_start3A_24 = tpu.memref_slice %arg2[%dma_start3A_23] : memref<2048xi32, #tpu.memory_space<hbm>> -> memref<2048xi32, #tpu.memory_space<hbm>>
    tpu.enqueue_indirect_dma source(%dma_start3A_24 : memref<2048xi32, #tpu.memory_space<hbm>>) target(%dma_start3A_19 : memref<64xi32, #tpu.memory_space<vmem>>) offsets(%dma_start3A_22 : memref<64xi32, #tpu.memory_space<vmem>>) semaphore(%arg11 : memref<!tpu.dma_semaphore, #tpu.memory_space<semaphore_mem>>)
    %dma_wait3A = arith.constant 0 : i32
    %dma_wait3A_25 = arith.constant 1 : i32
    %dma_wait3A_26 = arith.constant 0 : i32
    %dma_wait3A_27 = tpu.memref_slice %arg7[%dma_wait3A_25, %dma_wait3A_26] : memref<12x64xi32, #tpu.memory_space<vmem>> -> memref<1x64xi32, #tpu.memory_space<vmem>>
    %dma_wait3A_28 = tpu.memref_squeeze %dma_wait3A_27 : memref<1x64xi32, #tpu.memory_space<vmem>> -> memref<64xi32, #tpu.memory_space<vmem>>
    %dma_wait3A_29 = arith.constant 0 : i32
    %dma_wait3A_30 = tpu.memref_slice %arg7[%dma_wait3A, %dma_wait3A_29] : memref<12x64xi32, #tpu.memory_space<vmem>> -> memref<1x64xi32, #tpu.memory_space<vmem>>
    %dma_wait3A_31 = tpu.memref_squeeze %dma_wait3A_30 : memref<1x64xi32, #tpu.memory_space<vmem>> -> memref<64xi32, #tpu.memory_space<vmem>>
    %dma_wait3A_32 = arith.constant 0 : i32
    %dma_wait3A_33 = tpu.memref_slice %arg2[%dma_wait3A_32] : memref<2048xi32, #tpu.memory_space<hbm>> -> memref<2048xi32, #tpu.memory_space<hbm>>
    tpu.wait_indirect_dma semaphore(%arg11 : memref<!tpu.dma_semaphore, #tpu.memory_space<semaphore_mem>>) src(%dma_wait3A_33 : memref<2048xi32, #tpu.memory_space<hbm>>) dst(%dma_wait3A_28 : memref<64xi32, #tpu.memory_space<vmem>>)
    %dma_start3A_34 = arith.constant 1 : i32
    %dma_start3A_35 = arith.constant 1 : i32
    %dma_start3A_36 = arith.constant 0 : i32
    %dma_start3A_37 = arith.constant 0 : i32
    %dma_start3A_38 = tpu.memref_slice %arg8[%dma_start3A_35, %dma_start3A_36, %dma_start3A_37] : memref<12x64x128xf32, #tpu.memory_space<vmem>> -> memref<1x64x128xf32, #tpu.memory_space<vmem>>
    %dma_start3A_39 = tpu.memref_squeeze %dma_start3A_38 : memref<1x64x128xf32, #tpu.memory_space<vmem>> -> memref<64x128xf32, #tpu.memory_space<vmem>>
    %dma_start3A_40 = arith.constant 0 : i32
    %dma_start3A_41 = tpu.memref_slice %arg7[%dma_start3A_34, %dma_start3A_40] : memref<12x64xi32, #tpu.memory_space<vmem>> -> memref<1x64xi32, #tpu.memory_space<vmem>>
    %dma_start3A_42 = tpu.memref_squeeze %dma_start3A_41 : memref<1x64xi32, #tpu.memory_space<vmem>> -> memref<64xi32, #tpu.memory_space<vmem>>
    %dma_start3A_43 = arith.constant 0 : i32
    %dma_start3A_44 = arith.constant 0 : i32
    %dma_start3A_45 = tpu.memref_slice %arg4[%dma_start3A_43, %dma_start3A_44] : memref<2048x128xf32, #tpu.memory_space<hbm>> -> memref<2048x128xf32, #tpu.memory_space<hbm>>
    tpu.enqueue_indirect_dma source(%dma_start3A_45 : memref<2048x128xf32, #tpu.memory_space<hbm>>) target(%dma_start3A_39 : memref<64x128xf32, #tpu.memory_space<vmem>>) offsets(%dma_start3A_42 : memref<64xi32, #tpu.memory_space<vmem>>) semaphore(%arg9 : memref<!tpu.dma_semaphore, #tpu.memory_space<semaphore_mem>>)
    %dma_start3A_46 = arith.constant 1 : i32
    %dma_start3A_47 = arith.constant 2 : i32
    %dma_start3A_48 = arith.constant 0 : i32
    %dma_start3A_49 = tpu.memref_slice %arg7[%dma_start3A_47, %dma_start3A_48] : memref<12x64xi32, #tpu.memory_space<vmem>> -> memref<1x64xi32, #tpu.memory_space<vmem>>
    %dma_start3A_50 = tpu.memref_squeeze %dma_start3A_49 : memref<1x64xi32, #tpu.memory_space<vmem>> -> memref<64xi32, #tpu.memory_space<vmem>>
    %dma_start3A_51 = arith.constant 0 : i32
    %dma_start3A_52 = tpu.memref_slice %arg7[%dma_start3A_46, %dma_start3A_51] : memref<12x64xi32, #tpu.memory_space<vmem>> -> memref<1x64xi32, #tpu.memory_space<vmem>>
    %dma_start3A_53 = tpu.memref_squeeze %dma_start3A_52 : memref<1x64xi32, #tpu.memory_space<vmem>> -> memref<64xi32, #tpu.memory_space<vmem>>
    %dma_start3A_54 = arith.constant 0 : i32
    %dma_start3A_55 = tpu.memref_slice %arg2[%dma_start3A_54] : memref<2048xi32, #tpu.memory_space<hbm>> -> memref<2048xi32, #tpu.memory_space<hbm>>
    tpu.enqueue_indirect_dma source(%dma_start3A_55 : memref<2048xi32, #tpu.memory_space<hbm>>) target(%dma_start3A_50 : memref<64xi32, #tpu.memory_space<vmem>>) offsets(%dma_start3A_53 : memref<64xi32, #tpu.memory_space<vmem>>) semaphore(%arg11 : memref<!tpu.dma_semaphore, #tpu.memory_space<semaphore_mem>>)
    %dma_wait3A_56 = arith.constant 1 : i32
    %dma_wait3A_57 = arith.constant 2 : i32
    %dma_wait3A_58 = arith.constant 0 : i32
    %dma_wait3A_59 = tpu.memref_slice %arg7[%dma_wait3A_57, %dma_wait3A_58] : memref<12x64xi32, #tpu.memory_space<vmem>> -> memref<1x64xi32, #tpu.memory_space<vmem>>
    %dma_wait3A_60 = tpu.memref_squeeze %dma_wait3A_59 : memref<1x64xi32, #tpu.memory_space<vmem>> -> memref<64xi32, #tpu.memory_space<vmem>>
    %dma_wait3A_61 = arith.constant 0 : i32
    %dma_wait3A_62 = tpu.memref_slice %arg7[%dma_wait3A_56, %dma_wait3A_61] : memref<12x64xi32, #tpu.memory_space<vmem>> -> memref<1x64xi32, #tpu.memory_space<vmem>>
    %dma_wait3A_63 = tpu.memref_squeeze %dma_wait3A_62 : memref<1x64xi32, #tpu.memory_space<vmem>> -> memref<64xi32, #tpu.memory_space<vmem>>
    %dma_wait3A_64 = arith.constant 0 : i32
    %dma_wait3A_65 = tpu.memref_slice %arg2[%dma_wait3A_64] : memref<2048xi32, #tpu.memory_space<hbm>> -> memref<2048xi32, #tpu.memory_space<hbm>>
    tpu.wait_indirect_dma semaphore(%arg11 : memref<!tpu.dma_semaphore, #tpu.memory_space<semaphore_mem>>) src(%dma_wait3A_65 : memref<2048xi32, #tpu.memory_space<hbm>>) dst(%dma_wait3A_60 : memref<64xi32, #tpu.memory_space<vmem>>)
    %dma_start3A_66 = arith.constant 2 : i32
    %dma_start3A_67 = arith.constant 2 : i32
    %dma_start3A_68 = arith.constant 0 : i32
    %dma_start3A_69 = arith.constant 0 : i32
    %dma_start3A_70 = tpu.memref_slice %arg8[%dma_start3A_67, %dma_start3A_68, %dma_start3A_69] : memref<12x64x128xf32, #tpu.memory_space<vmem>> -> memref<1x64x128xf32, #tpu.memory_space<vmem>>
    %dma_start3A_71 = tpu.memref_squeeze %dma_start3A_70 : memref<1x64x128xf32, #tpu.memory_space<vmem>> -> memref<64x128xf32, #tpu.memory_space<vmem>>
    %dma_start3A_72 = arith.constant 0 : i32
    %dma_start3A_73 = tpu.memref_slice %arg7[%dma_start3A_66, %dma_start3A_72] : memref<12x64xi32, #tpu.memory_space<vmem>> -> memref<1x64xi32, #tpu.memory_space<vmem>>
    %dma_start3A_74 = tpu.memref_squeeze %dma_start3A_73 : memref<1x64xi32, #tpu.memory_space<vmem>> -> memref<64xi32, #tpu.memory_space<vmem>>
    %dma_start3A_75 = arith.constant 0 : i32
    %dma_start3A_76 = arith.constant 0 : i32
    %dma_start3A_77 = tpu.memref_slice %arg4[%dma_start3A_75, %dma_start3A_76] : memref<2048x128xf32, #tpu.memory_space<hbm>> -> memref<2048x128xf32, #tpu.memory_space<hbm>>
    tpu.enqueue_indirect_dma source(%dma_start3A_77 : memref<2048x128xf32, #tpu.memory_space<hbm>>) target(%dma_start3A_71 : memref<64x128xf32, #tpu.memory_space<vmem>>) offsets(%dma_start3A_74 : memref<64xi32, #tpu.memory_space<vmem>>) semaphore(%arg9 : memref<!tpu.dma_semaphore, #tpu.memory_space<semaphore_mem>>)
    %dma_start3A_78 = arith.constant 2 : i32
    %dma_start3A_79 = arith.constant 3 : i32
    %dma_start3A_80 = arith.constant 0 : i32
    %dma_start3A_81 = tpu.memref_slice %arg7[%dma_start3A_79, %dma_start3A_80] : memref<12x64xi32, #tpu.memory_space<vmem>> -> memref<1x64xi32, #tpu.memory_space<vmem>>
    %dma_start3A_82 = tpu.memref_squeeze %dma_start3A_81 : memref<1x64xi32, #tpu.memory_space<vmem>> -> memref<64xi32, #tpu.memory_space<vmem>>
    %dma_start3A_83 = arith.constant 0 : i32
    %dma_start3A_84 = tpu.memref_slice %arg7[%dma_start3A_78, %dma_start3A_83] : memref<12x64xi32, #tpu.memory_space<vmem>> -> memref<1x64xi32, #tpu.memory_space<vmem>>
    %dma_start3A_85 = tpu.memref_squeeze %dma_start3A_84 : memref<1x64xi32, #tpu.memory_space<vmem>> -> memref<64xi32, #tpu.memory_space<vmem>>
    %dma_start3A_86 = arith.constant 0 : i32
    %dma_start3A_87 = tpu.memref_slice %arg2[%dma_start3A_86] : memref<2048xi32, #tpu.memory_space<hbm>> -> memref<2048xi32, #tpu.memory_space<hbm>>
    tpu.enqueue_indirect_dma source(%dma_start3A_87 : memref<2048xi32, #tpu.memory_space<hbm>>) target(%dma_start3A_82 : memref<64xi32, #tpu.memory_space<vmem>>) offsets(%dma_start3A_85 : memref<64xi32, #tpu.memory_space<vmem>>) semaphore(%arg11 : memref<!tpu.dma_semaphore, #tpu.memory_space<semaphore_mem>>)
    %dma_wait3A_88 = arith.constant 2 : i32
    %dma_wait3A_89 = arith.constant 3 : i32
    %dma_wait3A_90 = arith.constant 0 : i32
    %dma_wait3A_91 = tpu.memref_slice %arg7[%dma_wait3A_89, %dma_wait3A_90] : memref<12x64xi32, #tpu.memory_space<vmem>> -> memref<1x64xi32, #tpu.memory_space<vmem>>
    %dma_wait3A_92 = tpu.memref_squeeze %dma_wait3A_91 : memref<1x64xi32, #tpu.memory_space<vmem>> -> memref<64xi32, #tpu.memory_space<vmem>>
    %dma_wait3A_93 = arith.constant 0 : i32
    %dma_wait3A_94 = tpu.memref_slice %arg7[%dma_wait3A_88, %dma_wait3A_93] : memref<12x64xi32, #tpu.memory_space<vmem>> -> memref<1x64xi32, #tpu.memory_space<vmem>>
    %dma_wait3A_95 = tpu.memref_squeeze %dma_wait3A_94 : memref<1x64xi32, #tpu.memory_space<vmem>> -> memref<64xi32, #tpu.memory_space<vmem>>
    %dma_wait3A_96 = arith.constant 0 : i32
    %dma_wait3A_97 = tpu.memref_slice %arg2[%dma_wait3A_96] : memref<2048xi32, #tpu.memory_space<hbm>> -> memref<2048xi32, #tpu.memory_space<hbm>>
    tpu.wait_indirect_dma semaphore(%arg11 : memref<!tpu.dma_semaphore, #tpu.memory_space<semaphore_mem>>) src(%dma_wait3A_97 : memref<2048xi32, #tpu.memory_space<hbm>>) dst(%dma_wait3A_92 : memref<64xi32, #tpu.memory_space<vmem>>)
    %dma_start3A_98 = arith.constant 3 : i32
    %dma_start3A_99 = arith.constant 3 : i32
    %dma_start3A_100 = arith.constant 0 : i32
    %dma_start3A_101 = arith.constant 0 : i32
    %dma_start3A_102 = tpu.memref_slice %arg8[%dma_start3A_99, %dma_start3A_100, %dma_start3A_101] : memref<12x64x128xf32, #tpu.memory_space<vmem>> -> memref<1x64x128xf32, #tpu.memory_space<vmem>>
    %dma_start3A_103 = tpu.memref_squeeze %dma_start3A_102 : memref<1x64x128xf32, #tpu.memory_space<vmem>> -> memref<64x128xf32, #tpu.memory_space<vmem>>
    %dma_start3A_104 = arith.constant 0 : i32
    %dma_start3A_105 = tpu.memref_slice %arg7[%dma_start3A_98, %dma_start3A_104] : memref<12x64xi32, #tpu.memory_space<vmem>> -> memref<1x64xi32, #tpu.memory_space<vmem>>
    %dma_start3A_106 = tpu.memref_squeeze %dma_start3A_105 : memref<1x64xi32, #tpu.memory_space<vmem>> -> memref<64xi32, #tpu.memory_space<vmem>>
    %dma_start3A_107 = arith.constant 0 : i32
    %dma_start3A_108 = arith.constant 0 : i32
    %dma_start3A_109 = tpu.memref_slice %arg4[%dma_start3A_107, %dma_start3A_108] : memref<2048x128xf32, #tpu.memory_space<hbm>> -> memref<2048x128xf32, #tpu.memory_space<hbm>>
    tpu.enqueue_indirect_dma source(%dma_start3A_109 : memref<2048x128xf32, #tpu.memory_space<hbm>>) target(%dma_start3A_103 : memref<64x128xf32, #tpu.memory_space<vmem>>) offsets(%dma_start3A_106 : memref<64xi32, #tpu.memory_space<vmem>>) semaphore(%arg9 : memref<!tpu.dma_semaphore, #tpu.memory_space<semaphore_mem>>)
    %dma_start3A_110 = arith.constant 3 : i32
    %dma_start3A_111 = arith.constant 4 : i32
    %dma_start3A_112 = arith.constant 0 : i32
    %dma_start3A_113 = tpu.memref_slice %arg7[%dma_start3A_111, %dma_start3A_112] : memref<12x64xi32, #tpu.memory_space<vmem>> -> memref<1x64xi32, #tpu.memory_space<vmem>>
    %dma_start3A_114 = tpu.memref_squeeze %dma_start3A_113 : memref<1x64xi32, #tpu.memory_space<vmem>> -> memref<64xi32, #tpu.memory_space<vmem>>
    %dma_start3A_115 = arith.constant 0 : i32
    %dma_start3A_116 = tpu.memref_slice %arg7[%dma_start3A_110, %dma_start3A_115] : memref<12x64xi32, #tpu.memory_space<vmem>> -> memref<1x64xi32, #tpu.memory_space<vmem>>
    %dma_start3A_117 = tpu.memref_squeeze %dma_start3A_116 : memref<1x64xi32, #tpu.memory_space<vmem>> -> memref<64xi32, #tpu.memory_space<vmem>>
    %dma_start3A_118 = arith.constant 0 : i32
    %dma_start3A_119 = tpu.memref_slice %arg2[%dma_start3A_118] : memref<2048xi32, #tpu.memory_space<hbm>> -> memref<2048xi32, #tpu.memory_space<hbm>>
    tpu.enqueue_indirect_dma source(%dma_start3A_119 : memref<2048xi32, #tpu.memory_space<hbm>>) target(%dma_start3A_114 : memref<64xi32, #tpu.memory_space<vmem>>) offsets(%dma_start3A_117 : memref<64xi32, #tpu.memory_space<vmem>>) semaphore(%arg11 : memref<!tpu.dma_semaphore, #tpu.memory_space<semaphore_mem>>)
    %dma_wait3A_120 = arith.constant 3 : i32
    %dma_wait3A_121 = arith.constant 4 : i32
    %dma_wait3A_122 = arith.constant 0 : i32
    %dma_wait3A_123 = tpu.memref_slice %arg7[%dma_wait3A_121, %dma_wait3A_122] : memref<12x64xi32, #tpu.memory_space<vmem>> -> memref<1x64xi32, #tpu.memory_space<vmem>>
    %dma_wait3A_124 = tpu.memref_squeeze %dma_wait3A_123 : memref<1x64xi32, #tpu.memory_space<vmem>> -> memref<64xi32, #tpu.memory_space<vmem>>
    %dma_wait3A_125 = arith.constant 0 : i32
    %dma_wait3A_126 = tpu.memref_slice %arg7[%dma_wait3A_120, %dma_wait3A_125] : memref<12x64xi32, #tpu.memory_space<vmem>> -> memref<1x64xi32, #tpu.memory_space<vmem>>
    %dma_wait3A_127 = tpu.memref_squeeze %dma_wait3A_126 : memref<1x64xi32, #tpu.memory_space<vmem>> -> memref<64xi32, #tpu.memory_space<vmem>>
    %dma_wait3A_128 = arith.constant 0 : i32
    %dma_wait3A_129 = tpu.memref_slice %arg2[%dma_wait3A_128] : memref<2048xi32, #tpu.memory_space<hbm>> -> memref<2048xi32, #tpu.memory_space<hbm>>
    tpu.wait_indirect_dma semaphore(%arg11 : memref<!tpu.dma_semaphore, #tpu.memory_space<semaphore_mem>>) src(%dma_wait3A_129 : memref<2048xi32, #tpu.memory_space<hbm>>) dst(%dma_wait3A_124 : memref<64xi32, #tpu.memory_space<vmem>>)
    %dma_start3A_130 = arith.constant 4 : i32
    %dma_start3A_131 = arith.constant 4 : i32
    %dma_start3A_132 = arith.constant 0 : i32
    %dma_start3A_133 = arith.constant 0 : i32
    %dma_start3A_134 = tpu.memref_slice %arg8[%dma_start3A_131, %dma_start3A_132, %dma_start3A_133] : memref<12x64x128xf32, #tpu.memory_space<vmem>> -> memref<1x64x128xf32, #tpu.memory_space<vmem>>
    %dma_start3A_135 = tpu.memref_squeeze %dma_start3A_134 : memref<1x64x128xf32, #tpu.memory_space<vmem>> -> memref<64x128xf32, #tpu.memory_space<vmem>>
    %dma_start3A_136 = arith.constant 0 : i32
    %dma_start3A_137 = tpu.memref_slice %arg7[%dma_start3A_130, %dma_start3A_136] : memref<12x64xi32, #tpu.memory_space<vmem>> -> memref<1x64xi32, #tpu.memory_space<vmem>>
    %dma_start3A_138 = tpu.memref_squeeze %dma_start3A_137 : memref<1x64xi32, #tpu.memory_space<vmem>> -> memref<64xi32, #tpu.memory_space<vmem>>
    %dma_start3A_139 = arith.constant 0 : i32
    %dma_start3A_140 = arith.constant 0 : i32
    %dma_start3A_141 = tpu.memref_slice %arg4[%dma_start3A_139, %dma_start3A_140] : memref<2048x128xf32, #tpu.memory_space<hbm>> -> memref<2048x128xf32, #tpu.memory_space<hbm>>
    tpu.enqueue_indirect_dma source(%dma_start3A_141 : memref<2048x128xf32, #tpu.memory_space<hbm>>) target(%dma_start3A_135 : memref<64x128xf32, #tpu.memory_space<vmem>>) offsets(%dma_start3A_138 : memref<64xi32, #tpu.memory_space<vmem>>) semaphore(%arg9 : memref<!tpu.dma_semaphore, #tpu.memory_space<semaphore_mem>>)
    %dma_start3A_142 = arith.constant 4 : i32
    %dma_start3A_143 = arith.constant 5 : i32
    %dma_start3A_144 = arith.constant 0 : i32
    %dma_start3A_145 = tpu.memref_slice %arg7[%dma_start3A_143, %dma_start3A_144] : memref<12x64xi32, #tpu.memory_space<vmem>> -> memref<1x64xi32, #tpu.memory_space<vmem>>
    %dma_start3A_146 = tpu.memref_squeeze %dma_start3A_145 : memref<1x64xi32, #tpu.memory_space<vmem>> -> memref<64xi32, #tpu.memory_space<vmem>>
    %dma_start3A_147 = arith.constant 0 : i32
    %dma_start3A_148 = tpu.memref_slice %arg7[%dma_start3A_142, %dma_start3A_147] : memref<12x64xi32, #tpu.memory_space<vmem>> -> memref<1x64xi32, #tpu.memory_space<vmem>>
    %dma_start3A_149 = tpu.memref_squeeze %dma_start3A_148 : memref<1x64xi32, #tpu.memory_space<vmem>> -> memref<64xi32, #tpu.memory_space<vmem>>
    %dma_start3A_150 = arith.constant 0 : i32
    %dma_start3A_151 = tpu.memref_slice %arg2[%dma_start3A_150] : memref<2048xi32, #tpu.memory_space<hbm>> -> memref<2048xi32, #tpu.memory_space<hbm>>
    tpu.enqueue_indirect_dma source(%dma_start3A_151 : memref<2048xi32, #tpu.memory_space<hbm>>) target(%dma_start3A_146 : memref<64xi32, #tpu.memory_space<vmem>>) offsets(%dma_start3A_149 : memref<64xi32, #tpu.memory_space<vmem>>) semaphore(%arg11 : memref<!tpu.dma_semaphore, #tpu.memory_space<semaphore_mem>>)
    %dma_wait3A_152 = arith.constant 4 : i32
    %dma_wait3A_153 = arith.constant 5 : i32
    %dma_wait3A_154 = arith.constant 0 : i32
    %dma_wait3A_155 = tpu.memref_slice %arg7[%dma_wait3A_153, %dma_wait3A_154] : memref<12x64xi32, #tpu.memory_space<vmem>> -> memref<1x64xi32, #tpu.memory_space<vmem>>
    %dma_wait3A_156 = tpu.memref_squeeze %dma_wait3A_155 : memref<1x64xi32, #tpu.memory_space<vmem>> -> memref<64xi32, #tpu.memory_space<vmem>>
    %dma_wait3A_157 = arith.constant 0 : i32
    %dma_wait3A_158 = tpu.memref_slice %arg7[%dma_wait3A_152, %dma_wait3A_157] : memref<12x64xi32, #tpu.memory_space<vmem>> -> memref<1x64xi32, #tpu.memory_space<vmem>>
    %dma_wait3A_159 = tpu.memref_squeeze %dma_wait3A_158 : memref<1x64xi32, #tpu.memory_space<vmem>> -> memref<64xi32, #tpu.memory_space<vmem>>
    %dma_wait3A_160 = arith.constant 0 : i32
    %dma_wait3A_161 = tpu.memref_slice %arg2[%dma_wait3A_160] : memref<2048xi32, #tpu.memory_space<hbm>> -> memref<2048xi32, #tpu.memory_space<hbm>>
    tpu.wait_indirect_dma semaphore(%arg11 : memref<!tpu.dma_semaphore, #tpu.memory_space<semaphore_mem>>) src(%dma_wait3A_161 : memref<2048xi32, #tpu.memory_space<hbm>>) dst(%dma_wait3A_156 : memref<64xi32, #tpu.memory_space<vmem>>)
    %dma_start3A_162 = arith.constant 5 : i32
    %dma_start3A_163 = arith.constant 5 : i32
    %dma_start3A_164 = arith.constant 0 : i32
    %dma_start3A_165 = arith.constant 0 : i32
    %dma_start3A_166 = tpu.memref_slice %arg8[%dma_start3A_163, %dma_start3A_164, %dma_start3A_165] : memref<12x64x128xf32, #tpu.memory_space<vmem>> -> memref<1x64x128xf32, #tpu.memory_space<vmem>>
    %dma_start3A_167 = tpu.memref_squeeze %dma_start3A_166 : memref<1x64x128xf32, #tpu.memory_space<vmem>> -> memref<64x128xf32, #tpu.memory_space<vmem>>
    %dma_start3A_168 = arith.constant 0 : i32
    %dma_start3A_169 = tpu.memref_slice %arg7[%dma_start3A_162, %dma_start3A_168] : memref<12x64xi32, #tpu.memory_space<vmem>> -> memref<1x64xi32, #tpu.memory_space<vmem>>
    %dma_start3A_170 = tpu.memref_squeeze %dma_start3A_169 : memref<1x64xi32, #tpu.memory_space<vmem>> -> memref<64xi32, #tpu.memory_space<vmem>>
    %dma_start3A_171 = arith.constant 0 : i32
    %dma_start3A_172 = arith.constant 0 : i32
    %dma_start3A_173 = tpu.memref_slice %arg4[%dma_start3A_171, %dma_start3A_172] : memref<2048x128xf32, #tpu.memory_space<hbm>> -> memref<2048x128xf32, #tpu.memory_space<hbm>>
    tpu.enqueue_indirect_dma source(%dma_start3A_173 : memref<2048x128xf32, #tpu.memory_space<hbm>>) target(%dma_start3A_167 : memref<64x128xf32, #tpu.memory_space<vmem>>) offsets(%dma_start3A_170 : memref<64xi32, #tpu.memory_space<vmem>>) semaphore(%arg9 : memref<!tpu.dma_semaphore, #tpu.memory_space<semaphore_mem>>)
    %dma_start3A_174 = arith.constant 5 : i32
    %dma_start3A_175 = arith.constant 6 : i32
    %dma_start3A_176 = arith.constant 0 : i32
    %dma_start3A_177 = tpu.memref_slice %arg7[%dma_start3A_175, %dma_start3A_176] : memref<12x64xi32, #tpu.memory_space<vmem>> -> memref<1x64xi32, #tpu.memory_space<vmem>>
    %dma_start3A_178 = tpu.memref_squeeze %dma_start3A_177 : memref<1x64xi32, #tpu.memory_space<vmem>> -> memref<64xi32, #tpu.memory_space<vmem>>
    %dma_start3A_179 = arith.constant 0 : i32
    %dma_start3A_180 = tpu.memref_slice %arg7[%dma_start3A_174, %dma_start3A_179] : memref<12x64xi32, #tpu.memory_space<vmem>> -> memref<1x64xi32, #tpu.memory_space<vmem>>
    %dma_start3A_181 = tpu.memref_squeeze %dma_start3A_180 : memref<1x64xi32, #tpu.memory_space<vmem>> -> memref<64xi32, #tpu.memory_space<vmem>>
    %dma_start3A_182 = arith.constant 0 : i32
    %dma_start3A_183 = tpu.memref_slice %arg2[%dma_start3A_182] : memref<2048xi32, #tpu.memory_space<hbm>> -> memref<2048xi32, #tpu.memory_space<hbm>>
    tpu.enqueue_indirect_dma source(%dma_start3A_183 : memref<2048xi32, #tpu.memory_space<hbm>>) target(%dma_start3A_178 : memref<64xi32, #tpu.memory_space<vmem>>) offsets(%dma_start3A_181 : memref<64xi32, #tpu.memory_space<vmem>>) semaphore(%arg11 : memref<!tpu.dma_semaphore, #tpu.memory_space<semaphore_mem>>)
    %dma_wait3A_184 = arith.constant 5 : i32
    %dma_wait3A_185 = arith.constant 6 : i32
    %dma_wait3A_186 = arith.constant 0 : i32
    %dma_wait3A_187 = tpu.memref_slice %arg7[%dma_wait3A_185, %dma_wait3A_186] : memref<12x64xi32, #tpu.memory_space<vmem>> -> memref<1x64xi32, #tpu.memory_space<vmem>>
    %dma_wait3A_188 = tpu.memref_squeeze %dma_wait3A_187 : memref<1x64xi32, #tpu.memory_space<vmem>> -> memref<64xi32, #tpu.memory_space<vmem>>
    %dma_wait3A_189 = arith.constant 0 : i32
    %dma_wait3A_190 = tpu.memref_slice %arg7[%dma_wait3A_184, %dma_wait3A_189] : memref<12x64xi32, #tpu.memory_space<vmem>> -> memref<1x64xi32, #tpu.memory_space<vmem>>
    %dma_wait3A_191 = tpu.memref_squeeze %dma_wait3A_190 : memref<1x64xi32, #tpu.memory_space<vmem>> -> memref<64xi32, #tpu.memory_space<vmem>>
    %dma_wait3A_192 = arith.constant 0 : i32
    %dma_wait3A_193 = tpu.memref_slice %arg2[%dma_wait3A_192] : memref<2048xi32, #tpu.memory_space<hbm>> -> memref<2048xi32, #tpu.memory_space<hbm>>
    tpu.wait_indirect_dma semaphore(%arg11 : memref<!tpu.dma_semaphore, #tpu.memory_space<semaphore_mem>>) src(%dma_wait3A_193 : memref<2048xi32, #tpu.memory_space<hbm>>) dst(%dma_wait3A_188 : memref<64xi32, #tpu.memory_space<vmem>>)
    %dma_start3A_194 = arith.constant 6 : i32
    %dma_start3A_195 = arith.constant 6 : i32
    %dma_start3A_196 = arith.constant 0 : i32
    %dma_start3A_197 = arith.constant 0 : i32
    %dma_start3A_198 = tpu.memref_slice %arg8[%dma_start3A_195, %dma_start3A_196, %dma_start3A_197] : memref<12x64x128xf32, #tpu.memory_space<vmem>> -> memref<1x64x128xf32, #tpu.memory_space<vmem>>
    %dma_start3A_199 = tpu.memref_squeeze %dma_start3A_198 : memref<1x64x128xf32, #tpu.memory_space<vmem>> -> memref<64x128xf32, #tpu.memory_space<vmem>>
    %dma_start3A_200 = arith.constant 0 : i32
    %dma_start3A_201 = tpu.memref_slice %arg7[%dma_start3A_194, %dma_start3A_200] : memref<12x64xi32, #tpu.memory_space<vmem>> -> memref<1x64xi32, #tpu.memory_space<vmem>>
    %dma_start3A_202 = tpu.memref_squeeze %dma_start3A_201 : memref<1x64xi32, #tpu.memory_space<vmem>> -> memref<64xi32, #tpu.memory_space<vmem>>
    %dma_start3A_203 = arith.constant 0 : i32
    %dma_start3A_204 = arith.constant 0 : i32
    %dma_start3A_205 = tpu.memref_slice %arg4[%dma_start3A_203, %dma_start3A_204] : memref<2048x128xf32, #tpu.memory_space<hbm>> -> memref<2048x128xf32, #tpu.memory_space<hbm>>
    tpu.enqueue_indirect_dma source(%dma_start3A_205 : memref<2048x128xf32, #tpu.memory_space<hbm>>) target(%dma_start3A_199 : memref<64x128xf32, #tpu.memory_space<vmem>>) offsets(%dma_start3A_202 : memref<64xi32, #tpu.memory_space<vmem>>) semaphore(%arg9 : memref<!tpu.dma_semaphore, #tpu.memory_space<semaphore_mem>>)
    %dma_start3A_206 = arith.constant 6 : i32
    %dma_start3A_207 = arith.constant 7 : i32
    %dma_start3A_208 = arith.constant 0 : i32
    %dma_start3A_209 = tpu.memref_slice %arg7[%dma_start3A_207, %dma_start3A_208] : memref<12x64xi32, #tpu.memory_space<vmem>> -> memref<1x64xi32, #tpu.memory_space<vmem>>
    %dma_start3A_210 = tpu.memref_squeeze %dma_start3A_209 : memref<1x64xi32, #tpu.memory_space<vmem>> -> memref<64xi32, #tpu.memory_space<vmem>>
    %dma_start3A_211 = arith.constant 0 : i32
    %dma_start3A_212 = tpu.memref_slice %arg7[%dma_start3A_206, %dma_start3A_211] : memref<12x64xi32, #tpu.memory_space<vmem>> -> memref<1x64xi32, #tpu.memory_space<vmem>>
    %dma_start3A_213 = tpu.memref_squeeze %dma_start3A_212 : memref<1x64xi32, #tpu.memory_space<vmem>> -> memref<64xi32, #tpu.memory_space<vmem>>
    %dma_start3A_214 = arith.constant 0 : i32
    %dma_start3A_215 = tpu.memref_slice %arg2[%dma_start3A_214] : memref<2048xi32, #tpu.memory_space<hbm>> -> memref<2048xi32, #tpu.memory_space<hbm>>
    tpu.enqueue_indirect_dma source(%dma_start3A_215 : memref<2048xi32, #tpu.memory_space<hbm>>) target(%dma_start3A_210 : memref<64xi32, #tpu.memory_space<vmem>>) offsets(%dma_start3A_213 : memref<64xi32, #tpu.memory_space<vmem>>) semaphore(%arg11 : memref<!tpu.dma_semaphore, #tpu.memory_space<semaphore_mem>>)
    %dma_wait3A_216 = arith.constant 6 : i32
    %dma_wait3A_217 = arith.constant 7 : i32
    %dma_wait3A_218 = arith.constant 0 : i32
    %dma_wait3A_219 = tpu.memref_slice %arg7[%dma_wait3A_217, %dma_wait3A_218] : memref<12x64xi32, #tpu.memory_space<vmem>> -> memref<1x64xi32, #tpu.memory_space<vmem>>
    %dma_wait3A_220 = tpu.memref_squeeze %dma_wait3A_219 : memref<1x64xi32, #tpu.memory_space<vmem>> -> memref<64xi32, #tpu.memory_space<vmem>>
    %dma_wait3A_221 = arith.constant 0 : i32
    %dma_wait3A_222 = tpu.memref_slice %arg7[%dma_wait3A_216, %dma_wait3A_221] : memref<12x64xi32, #tpu.memory_space<vmem>> -> memref<1x64xi32, #tpu.memory_space<vmem>>
    %dma_wait3A_223 = tpu.memref_squeeze %dma_wait3A_222 : memref<1x64xi32, #tpu.memory_space<vmem>> -> memref<64xi32, #tpu.memory_space<vmem>>
    %dma_wait3A_224 = arith.constant 0 : i32
    %dma_wait3A_225 = tpu.memref_slice %arg2[%dma_wait3A_224] : memref<2048xi32, #tpu.memory_space<hbm>> -> memref<2048xi32, #tpu.memory_space<hbm>>
    tpu.wait_indirect_dma semaphore(%arg11 : memref<!tpu.dma_semaphore, #tpu.memory_space<semaphore_mem>>) src(%dma_wait3A_225 : memref<2048xi32, #tpu.memory_space<hbm>>) dst(%dma_wait3A_220 : memref<64xi32, #tpu.memory_space<vmem>>)
    %dma_start3A_226 = arith.constant 7 : i32
    %dma_start3A_227 = arith.constant 7 : i32
    %dma_start3A_228 = arith.constant 0 : i32
    %dma_start3A_229 = arith.constant 0 : i32
    %dma_start3A_230 = tpu.memref_slice %arg8[%dma_start3A_227, %dma_start3A_228, %dma_start3A_229] : memref<12x64x128xf32, #tpu.memory_space<vmem>> -> memref<1x64x128xf32, #tpu.memory_space<vmem>>
    %dma_start3A_231 = tpu.memref_squeeze %dma_start3A_230 : memref<1x64x128xf32, #tpu.memory_space<vmem>> -> memref<64x128xf32, #tpu.memory_space<vmem>>
    %dma_start3A_232 = arith.constant 0 : i32
    %dma_start3A_233 = tpu.memref_slice %arg7[%dma_start3A_226, %dma_start3A_232] : memref<12x64xi32, #tpu.memory_space<vmem>> -> memref<1x64xi32, #tpu.memory_space<vmem>>
    %dma_start3A_234 = tpu.memref_squeeze %dma_start3A_233 : memref<1x64xi32, #tpu.memory_space<vmem>> -> memref<64xi32, #tpu.memory_space<vmem>>
    %dma_start3A_235 = arith.constant 0 : i32
    %dma_start3A_236 = arith.constant 0 : i32
    %dma_start3A_237 = tpu.memref_slice %arg4[%dma_start3A_235, %dma_start3A_236] : memref<2048x128xf32, #tpu.memory_space<hbm>> -> memref<2048x128xf32, #tpu.memory_space<hbm>>
    tpu.enqueue_indirect_dma source(%dma_start3A_237 : memref<2048x128xf32, #tpu.memory_space<hbm>>) target(%dma_start3A_231 : memref<64x128xf32, #tpu.memory_space<vmem>>) offsets(%dma_start3A_234 : memref<64xi32, #tpu.memory_space<vmem>>) semaphore(%arg9 : memref<!tpu.dma_semaphore, #tpu.memory_space<semaphore_mem>>)
    %dma_start3A_238 = arith.constant 7 : i32
    %dma_start3A_239 = arith.constant 8 : i32
    %dma_start3A_240 = arith.constant 0 : i32
    %dma_start3A_241 = tpu.memref_slice %arg7[%dma_start3A_239, %dma_start3A_240] : memref<12x64xi32, #tpu.memory_space<vmem>> -> memref<1x64xi32, #tpu.memory_space<vmem>>
    %dma_start3A_242 = tpu.memref_squeeze %dma_start3A_241 : memref<1x64xi32, #tpu.memory_space<vmem>> -> memref<64xi32, #tpu.memory_space<vmem>>
    %dma_start3A_243 = arith.constant 0 : i32
    %dma_start3A_244 = tpu.memref_slice %arg7[%dma_start3A_238, %dma_start3A_243] : memref<12x64xi32, #tpu.memory_space<vmem>> -> memref<1x64xi32, #tpu.memory_space<vmem>>
    %dma_start3A_245 = tpu.memref_squeeze %dma_start3A_244 : memref<1x64xi32, #tpu.memory_space<vmem>> -> memref<64xi32, #tpu.memory_space<vmem>>
    %dma_start3A_246 = arith.constant 0 : i32
    %dma_start3A_247 = tpu.memref_slice %arg2[%dma_start3A_246] : memref<2048xi32, #tpu.memory_space<hbm>> -> memref<2048xi32, #tpu.memory_space<hbm>>
    tpu.enqueue_indirect_dma source(%dma_start3A_247 : memref<2048xi32, #tpu.memory_space<hbm>>) target(%dma_start3A_242 : memref<64xi32, #tpu.memory_space<vmem>>) offsets(%dma_start3A_245 : memref<64xi32, #tpu.memory_space<vmem>>) semaphore(%arg11 : memref<!tpu.dma_semaphore, #tpu.memory_space<semaphore_mem>>)
    %dma_wait3A_248 = arith.constant 7 : i32
    %dma_wait3A_249 = arith.constant 8 : i32
    %dma_wait3A_250 = arith.constant 0 : i32
    %dma_wait3A_251 = tpu.memref_slice %arg7[%dma_wait3A_249, %dma_wait3A_250] : memref<12x64xi32, #tpu.memory_space<vmem>> -> memref<1x64xi32, #tpu.memory_space<vmem>>
    %dma_wait3A_252 = tpu.memref_squeeze %dma_wait3A_251 : memref<1x64xi32, #tpu.memory_space<vmem>> -> memref<64xi32, #tpu.memory_space<vmem>>
    %dma_wait3A_253 = arith.constant 0 : i32
    %dma_wait3A_254 = tpu.memref_slice %arg7[%dma_wait3A_248, %dma_wait3A_253] : memref<12x64xi32, #tpu.memory_space<vmem>> -> memref<1x64xi32, #tpu.memory_space<vmem>>
    %dma_wait3A_255 = tpu.memref_squeeze %dma_wait3A_254 : memref<1x64xi32, #tpu.memory_space<vmem>> -> memref<64xi32, #tpu.memory_space<vmem>>
    %dma_wait3A_256 = arith.constant 0 : i32
    %dma_wait3A_257 = tpu.memref_slice %arg2[%dma_wait3A_256] : memref<2048xi32, #tpu.memory_space<hbm>> -> memref<2048xi32, #tpu.memory_space<hbm>>
    tpu.wait_indirect_dma semaphore(%arg11 : memref<!tpu.dma_semaphore, #tpu.memory_space<semaphore_mem>>) src(%dma_wait3A_257 : memref<2048xi32, #tpu.memory_space<hbm>>) dst(%dma_wait3A_252 : memref<64xi32, #tpu.memory_space<vmem>>)
    %dma_start3A_258 = arith.constant 8 : i32
    %dma_start3A_259 = arith.constant 8 : i32
    %dma_start3A_260 = arith.constant 0 : i32
    %dma_start3A_261 = arith.constant 0 : i32
    %dma_start3A_262 = tpu.memref_slice %arg8[%dma_start3A_259, %dma_start3A_260, %dma_start3A_261] : memref<12x64x128xf32, #tpu.memory_space<vmem>> -> memref<1x64x128xf32, #tpu.memory_space<vmem>>
    %dma_start3A_263 = tpu.memref_squeeze %dma_start3A_262 : memref<1x64x128xf32, #tpu.memory_space<vmem>> -> memref<64x128xf32, #tpu.memory_space<vmem>>
    %dma_start3A_264 = arith.constant 0 : i32
    %dma_start3A_265 = tpu.memref_slice %arg7[%dma_start3A_258, %dma_start3A_264] : memref<12x64xi32, #tpu.memory_space<vmem>> -> memref<1x64xi32, #tpu.memory_space<vmem>>
    %dma_start3A_266 = tpu.memref_squeeze %dma_start3A_265 : memref<1x64xi32, #tpu.memory_space<vmem>> -> memref<64xi32, #tpu.memory_space<vmem>>
    %dma_start3A_267 = arith.constant 0 : i32
    %dma_start3A_268 = arith.constant 0 : i32
    %dma_start3A_269 = tpu.memref_slice %arg4[%dma_start3A_267, %dma_start3A_268] : memref<2048x128xf32, #tpu.memory_space<hbm>> -> memref<2048x128xf32, #tpu.memory_space<hbm>>
    tpu.enqueue_indirect_dma source(%dma_start3A_269 : memref<2048x128xf32, #tpu.memory_space<hbm>>) target(%dma_start3A_263 : memref<64x128xf32, #tpu.memory_space<vmem>>) offsets(%dma_start3A_266 : memref<64xi32, #tpu.memory_space<vmem>>) semaphore(%arg9 : memref<!tpu.dma_semaphore, #tpu.memory_space<semaphore_mem>>)
    %dma_start3A_270 = arith.constant 8 : i32
    %dma_start3A_271 = arith.constant 9 : i32
    %dma_start3A_272 = arith.constant 0 : i32
    %dma_start3A_273 = tpu.memref_slice %arg7[%dma_start3A_271, %dma_start3A_272] : memref<12x64xi32, #tpu.memory_space<vmem>> -> memref<1x64xi32, #tpu.memory_space<vmem>>
    %dma_start3A_274 = tpu.memref_squeeze %dma_start3A_273 : memref<1x64xi32, #tpu.memory_space<vmem>> -> memref<64xi32, #tpu.memory_space<vmem>>
    %dma_start3A_275 = arith.constant 0 : i32
    %dma_start3A_276 = tpu.memref_slice %arg7[%dma_start3A_270, %dma_start3A_275] : memref<12x64xi32, #tpu.memory_space<vmem>> -> memref<1x64xi32, #tpu.memory_space<vmem>>
    %dma_start3A_277 = tpu.memref_squeeze %dma_start3A_276 : memref<1x64xi32, #tpu.memory_space<vmem>> -> memref<64xi32, #tpu.memory_space<vmem>>
    %dma_start3A_278 = arith.constant 0 : i32
    %dma_start3A_279 = tpu.memref_slice %arg2[%dma_start3A_278] : memref<2048xi32, #tpu.memory_space<hbm>> -> memref<2048xi32, #tpu.memory_space<hbm>>
    tpu.enqueue_indirect_dma source(%dma_start3A_279 : memref<2048xi32, #tpu.memory_space<hbm>>) target(%dma_start3A_274 : memref<64xi32, #tpu.memory_space<vmem>>) offsets(%dma_start3A_277 : memref<64xi32, #tpu.memory_space<vmem>>) semaphore(%arg11 : memref<!tpu.dma_semaphore, #tpu.memory_space<semaphore_mem>>)
    %dma_wait3A_280 = arith.constant 8 : i32
    %dma_wait3A_281 = arith.constant 9 : i32
    %dma_wait3A_282 = arith.constant 0 : i32
    %dma_wait3A_283 = tpu.memref_slice %arg7[%dma_wait3A_281, %dma_wait3A_282] : memref<12x64xi32, #tpu.memory_space<vmem>> -> memref<1x64xi32, #tpu.memory_space<vmem>>
    %dma_wait3A_284 = tpu.memref_squeeze %dma_wait3A_283 : memref<1x64xi32, #tpu.memory_space<vmem>> -> memref<64xi32, #tpu.memory_space<vmem>>
    %dma_wait3A_285 = arith.constant 0 : i32
    %dma_wait3A_286 = tpu.memref_slice %arg7[%dma_wait3A_280, %dma_wait3A_285] : memref<12x64xi32, #tpu.memory_space<vmem>> -> memref<1x64xi32, #tpu.memory_space<vmem>>
    %dma_wait3A_287 = tpu.memref_squeeze %dma_wait3A_286 : memref<1x64xi32, #tpu.memory_space<vmem>> -> memref<64xi32, #tpu.memory_space<vmem>>
    %dma_wait3A_288 = arith.constant 0 : i32
    %dma_wait3A_289 = tpu.memref_slice %arg2[%dma_wait3A_288] : memref<2048xi32, #tpu.memory_space<hbm>> -> memref<2048xi32, #tpu.memory_space<hbm>>
    tpu.wait_indirect_dma semaphore(%arg11 : memref<!tpu.dma_semaphore, #tpu.memory_space<semaphore_mem>>) src(%dma_wait3A_289 : memref<2048xi32, #tpu.memory_space<hbm>>) dst(%dma_wait3A_284 : memref<64xi32, #tpu.memory_space<vmem>>)
    %dma_start3A_290 = arith.constant 9 : i32
    %dma_start3A_291 = arith.constant 9 : i32
    %dma_start3A_292 = arith.constant 0 : i32
    %dma_start3A_293 = arith.constant 0 : i32
    %dma_start3A_294 = tpu.memref_slice %arg8[%dma_start3A_291, %dma_start3A_292, %dma_start3A_293] : memref<12x64x128xf32, #tpu.memory_space<vmem>> -> memref<1x64x128xf32, #tpu.memory_space<vmem>>
    %dma_start3A_295 = tpu.memref_squeeze %dma_start3A_294 : memref<1x64x128xf32, #tpu.memory_space<vmem>> -> memref<64x128xf32, #tpu.memory_space<vmem>>
    %dma_start3A_296 = arith.constant 0 : i32
    %dma_start3A_297 = tpu.memref_slice %arg7[%dma_start3A_290, %dma_start3A_296] : memref<12x64xi32, #tpu.memory_space<vmem>> -> memref<1x64xi32, #tpu.memory_space<vmem>>
    %dma_start3A_298 = tpu.memref_squeeze %dma_start3A_297 : memref<1x64xi32, #tpu.memory_space<vmem>> -> memref<64xi32, #tpu.memory_space<vmem>>
    %dma_start3A_299 = arith.constant 0 : i32
    %dma_start3A_300 = arith.constant 0 : i32
    %dma_start3A_301 = tpu.memref_slice %arg4[%dma_start3A_299, %dma_start3A_300] : memref<2048x128xf32, #tpu.memory_space<hbm>> -> memref<2048x128xf32, #tpu.memory_space<hbm>>
    tpu.enqueue_indirect_dma source(%dma_start3A_301 : memref<2048x128xf32, #tpu.memory_space<hbm>>) target(%dma_start3A_295 : memref<64x128xf32, #tpu.memory_space<vmem>>) offsets(%dma_start3A_298 : memref<64xi32, #tpu.memory_space<vmem>>) semaphore(%arg9 : memref<!tpu.dma_semaphore, #tpu.memory_space<semaphore_mem>>)
    %dma_start3A_302 = arith.constant 9 : i32
    %dma_start3A_303 = arith.constant 10 : i32
    %dma_start3A_304 = arith.constant 0 : i32
    %dma_start3A_305 = tpu.memref_slice %arg7[%dma_start3A_303, %dma_start3A_304] : memref<12x64xi32, #tpu.memory_space<vmem>> -> memref<1x64xi32, #tpu.memory_space<vmem>>
    %dma_start3A_306 = tpu.memref_squeeze %dma_start3A_305 : memref<1x64xi32, #tpu.memory_space<vmem>> -> memref<64xi32, #tpu.memory_space<vmem>>
    %dma_start3A_307 = arith.constant 0 : i32
    %dma_start3A_308 = tpu.memref_slice %arg7[%dma_start3A_302, %dma_start3A_307] : memref<12x64xi32, #tpu.memory_space<vmem>> -> memref<1x64xi32, #tpu.memory_space<vmem>>
    %dma_start3A_309 = tpu.memref_squeeze %dma_start3A_308 : memref<1x64xi32, #tpu.memory_space<vmem>> -> memref<64xi32, #tpu.memory_space<vmem>>
    %dma_start3A_310 = arith.constant 0 : i32
    %dma_start3A_311 = tpu.memref_slice %arg2[%dma_start3A_310] : memref<2048xi32, #tpu.memory_space<hbm>> -> memref<2048xi32, #tpu.memory_space<hbm>>
    tpu.enqueue_indirect_dma source(%dma_start3A_311 : memref<2048xi32, #tpu.memory_space<hbm>>) target(%dma_start3A_306 : memref<64xi32, #tpu.memory_space<vmem>>) offsets(%dma_start3A_309 : memref<64xi32, #tpu.memory_space<vmem>>) semaphore(%arg11 : memref<!tpu.dma_semaphore, #tpu.memory_space<semaphore_mem>>)
    %dma_wait3A_312 = arith.constant 9 : i32
    %dma_wait3A_313 = arith.constant 10 : i32
    %dma_wait3A_314 = arith.constant 0 : i32
    %dma_wait3A_315 = tpu.memref_slice %arg7[%dma_wait3A_313, %dma_wait3A_314] : memref<12x64xi32, #tpu.memory_space<vmem>> -> memref<1x64xi32, #tpu.memory_space<vmem>>
    %dma_wait3A_316 = tpu.memref_squeeze %dma_wait3A_315 : memref<1x64xi32, #tpu.memory_space<vmem>> -> memref<64xi32, #tpu.memory_space<vmem>>
    %dma_wait3A_317 = arith.constant 0 : i32
    %dma_wait3A_318 = tpu.memref_slice %arg7[%dma_wait3A_312, %dma_wait3A_317] : memref<12x64xi32, #tpu.memory_space<vmem>> -> memref<1x64xi32, #tpu.memory_space<vmem>>
    %dma_wait3A_319 = tpu.memref_squeeze %dma_wait3A_318 : memref<1x64xi32, #tpu.memory_space<vmem>> -> memref<64xi32, #tpu.memory_space<vmem>>
    %dma_wait3A_320 = arith.constant 0 : i32
    %dma_wait3A_321 = tpu.memref_slice %arg2[%dma_wait3A_320] : memref<2048xi32, #tpu.memory_space<hbm>> -> memref<2048xi32, #tpu.memory_space<hbm>>
    tpu.wait_indirect_dma semaphore(%arg11 : memref<!tpu.dma_semaphore, #tpu.memory_space<semaphore_mem>>) src(%dma_wait3A_321 : memref<2048xi32, #tpu.memory_space<hbm>>) dst(%dma_wait3A_316 : memref<64xi32, #tpu.memory_space<vmem>>)
    %dma_start3A_322 = arith.constant 10 : i32
    %dma_start3A_323 = arith.constant 10 : i32
    %dma_start3A_324 = arith.constant 0 : i32
    %dma_start3A_325 = arith.constant 0 : i32
    %dma_start3A_326 = tpu.memref_slice %arg8[%dma_start3A_323, %dma_start3A_324, %dma_start3A_325] : memref<12x64x128xf32, #tpu.memory_space<vmem>> -> memref<1x64x128xf32, #tpu.memory_space<vmem>>
    %dma_start3A_327 = tpu.memref_squeeze %dma_start3A_326 : memref<1x64x128xf32, #tpu.memory_space<vmem>> -> memref<64x128xf32, #tpu.memory_space<vmem>>
    %dma_start3A_328 = arith.constant 0 : i32
    %dma_start3A_329 = tpu.memref_slice %arg7[%dma_start3A_322, %dma_start3A_328] : memref<12x64xi32, #tpu.memory_space<vmem>> -> memref<1x64xi32, #tpu.memory_space<vmem>>
    %dma_start3A_330 = tpu.memref_squeeze %dma_start3A_329 : memref<1x64xi32, #tpu.memory_space<vmem>> -> memref<64xi32, #tpu.memory_space<vmem>>
    %dma_start3A_331 = arith.constant 0 : i32
    %dma_start3A_332 = arith.constant 0 : i32
    %dma_start3A_333 = tpu.memref_slice %arg4[%dma_start3A_331, %dma_start3A_332] : memref<2048x128xf32, #tpu.memory_space<hbm>> -> memref<2048x128xf32, #tpu.memory_space<hbm>>
    tpu.enqueue_indirect_dma source(%dma_start3A_333 : memref<2048x128xf32, #tpu.memory_space<hbm>>) target(%dma_start3A_327 : memref<64x128xf32, #tpu.memory_space<vmem>>) offsets(%dma_start3A_330 : memref<64xi32, #tpu.memory_space<vmem>>) semaphore(%arg9 : memref<!tpu.dma_semaphore, #tpu.memory_space<semaphore_mem>>)
    %dma_start3A_334 = arith.constant 10 : i32
    %dma_start3A_335 = arith.constant 11 : i32
    %dma_start3A_336 = arith.constant 0 : i32
    %dma_start3A_337 = tpu.memref_slice %arg7[%dma_start3A_335, %dma_start3A_336] : memref<12x64xi32, #tpu.memory_space<vmem>> -> memref<1x64xi32, #tpu.memory_space<vmem>>
    %dma_start3A_338 = tpu.memref_squeeze %dma_start3A_337 : memref<1x64xi32, #tpu.memory_space<vmem>> -> memref<64xi32, #tpu.memory_space<vmem>>
    %dma_start3A_339 = arith.constant 0 : i32
    %dma_start3A_340 = tpu.memref_slice %arg7[%dma_start3A_334, %dma_start3A_339] : memref<12x64xi32, #tpu.memory_space<vmem>> -> memref<1x64xi32, #tpu.memory_space<vmem>>
    %dma_start3A_341 = tpu.memref_squeeze %dma_start3A_340 : memref<1x64xi32, #tpu.memory_space<vmem>> -> memref<64xi32, #tpu.memory_space<vmem>>
    %dma_start3A_342 = arith.constant 0 : i32
    %dma_start3A_343 = tpu.memref_slice %arg2[%dma_start3A_342] : memref<2048xi32, #tpu.memory_space<hbm>> -> memref<2048xi32, #tpu.memory_space<hbm>>
    tpu.enqueue_indirect_dma source(%dma_start3A_343 : memref<2048xi32, #tpu.memory_space<hbm>>) target(%dma_start3A_338 : memref<64xi32, #tpu.memory_space<vmem>>) offsets(%dma_start3A_341 : memref<64xi32, #tpu.memory_space<vmem>>) semaphore(%arg11 : memref<!tpu.dma_semaphore, #tpu.memory_space<semaphore_mem>>)
    %dma_wait3A_344 = arith.constant 10 : i32
    %dma_wait3A_345 = arith.constant 11 : i32
    %dma_wait3A_346 = arith.constant 0 : i32
    %dma_wait3A_347 = tpu.memref_slice %arg7[%dma_wait3A_345, %dma_wait3A_346] : memref<12x64xi32, #tpu.memory_space<vmem>> -> memref<1x64xi32, #tpu.memory_space<vmem>>
    %dma_wait3A_348 = tpu.memref_squeeze %dma_wait3A_347 : memref<1x64xi32, #tpu.memory_space<vmem>> -> memref<64xi32, #tpu.memory_space<vmem>>
    %dma_wait3A_349 = arith.constant 0 : i32
    %dma_wait3A_350 = tpu.memref_slice %arg7[%dma_wait3A_344, %dma_wait3A_349] : memref<12x64xi32, #tpu.memory_space<vmem>> -> memref<1x64xi32, #tpu.memory_space<vmem>>
    %dma_wait3A_351 = tpu.memref_squeeze %dma_wait3A_350 : memref<1x64xi32, #tpu.memory_space<vmem>> -> memref<64xi32, #tpu.memory_space<vmem>>
    %dma_wait3A_352 = arith.constant 0 : i32
    %dma_wait3A_353 = tpu.memref_slice %arg2[%dma_wait3A_352] : memref<2048xi32, #tpu.memory_space<hbm>> -> memref<2048xi32, #tpu.memory_space<hbm>>
    tpu.wait_indirect_dma semaphore(%arg11 : memref<!tpu.dma_semaphore, #tpu.memory_space<semaphore_mem>>) src(%dma_wait3A_353 : memref<2048xi32, #tpu.memory_space<hbm>>) dst(%dma_wait3A_348 : memref<64xi32, #tpu.memory_space<vmem>>)
    %dma_start3A_354 = arith.constant 11 : i32
    %dma_start3A_355 = arith.constant 11 : i32
    %dma_start3A_356 = arith.constant 0 : i32
    %dma_start3A_357 = arith.constant 0 : i32
    %dma_start3A_358 = tpu.memref_slice %arg8[%dma_start3A_355, %dma_start3A_356, %dma_start3A_357] : memref<12x64x128xf32, #tpu.memory_space<vmem>> -> memref<1x64x128xf32, #tpu.memory_space<vmem>>
    %dma_start3A_359 = tpu.memref_squeeze %dma_start3A_358 : memref<1x64x128xf32, #tpu.memory_space<vmem>> -> memref<64x128xf32, #tpu.memory_space<vmem>>
    %dma_start3A_360 = arith.constant 0 : i32
    %dma_start3A_361 = tpu.memref_slice %arg7[%dma_start3A_354, %dma_start3A_360] : memref<12x64xi32, #tpu.memory_space<vmem>> -> memref<1x64xi32, #tpu.memory_space<vmem>>
    %dma_start3A_362 = tpu.memref_squeeze %dma_start3A_361 : memref<1x64xi32, #tpu.memory_space<vmem>> -> memref<64xi32, #tpu.memory_space<vmem>>
    %dma_start3A_363 = arith.constant 0 : i32
    %dma_start3A_364 = arith.constant 0 : i32
    %dma_start3A_365 = tpu.memref_slice %arg4[%dma_start3A_363, %dma_start3A_364] : memref<2048x128xf32, #tpu.memory_space<hbm>> -> memref<2048x128xf32, #tpu.memory_space<hbm>>
    tpu.enqueue_indirect_dma source(%dma_start3A_365 : memref<2048x128xf32, #tpu.memory_space<hbm>>) target(%dma_start3A_359 : memref<64x128xf32, #tpu.memory_space<vmem>>) offsets(%dma_start3A_362 : memref<64xi32, #tpu.memory_space<vmem>>) semaphore(%arg9 : memref<!tpu.dma_semaphore, #tpu.memory_space<semaphore_mem>>)
    %dma_start3A_366 = arith.constant 0 : i32
    %dma_start3A_367 = arith.constant 0 : i32
    %dma_start3A_368 = tpu.memref_slice %arg6[%add3A, %dma_start3A_366, %dma_start3A_367] : memref<32x12x64xi32, #tpu.memory_space<hbm>> -> memref<1x12x64xi32, #tpu.memory_space<hbm>>
    %dma_start3A_369 = tpu.memref_squeeze %dma_start3A_368 : memref<1x12x64xi32, #tpu.memory_space<hbm>> -> memref<12x64xi32, #tpu.memory_space<hbm>>
    %dma_start3A_370 = arith.constant 0 : i32
    %dma_start3A_371 = arith.constant 0 : i32
    %dma_start3A_372 = tpu.memref_slice %arg6[%add3A, %dma_start3A_370, %dma_start3A_371] : memref<32x12x64xi32, #tpu.memory_space<hbm>> -> memref<1x12x64xi32, #tpu.memory_space<hbm>>
    %dma_start3A_373 = tpu.memref_squeeze %dma_start3A_372 : memref<1x12x64xi32, #tpu.memory_space<hbm>> -> memref<12x64xi32, #tpu.memory_space<hbm>>
    tpu.enqueue_dma source(%arg7 : memref<12x64xi32, #tpu.memory_space<vmem>>) target(%dma_start3A_373 : memref<12x64xi32, #tpu.memory_space<hbm>>) target_semaphore(%arg10 : memref<!tpu.dma_semaphore, #tpu.memory_space<semaphore_mem>>)
    %dma_wait3A_374 = arith.constant 0 : i32
    %dma_wait3A_375 = arith.constant 0 : i32
    %dma_wait3A_376 = arith.constant 0 : i32
    %dma_wait3A_377 = tpu.memref_slice %arg8[%dma_wait3A_374, %dma_wait3A_375, %dma_wait3A_376] : memref<12x64x128xf32, #tpu.memory_space<vmem>> -> memref<1x64x128xf32, #tpu.memory_space<vmem>>
    %dma_wait3A_378 = tpu.memref_squeeze %dma_wait3A_377 : memref<1x64x128xf32, #tpu.memory_space<vmem>> -> memref<64x128xf32, #tpu.memory_space<vmem>>
    %dma_wait3A_379 = arith.constant 0 : i32
    %dma_wait3A_380 = tpu.memref_slice %arg4[%mul3A_2, %dma_wait3A_379] : memref<2048x128xf32, #tpu.memory_space<hbm>> -> memref<64x128xf32, #tpu.memory_space<hbm>>
    %dma_wait3A_381 = arith.constant 0 : i32
    %dma_wait3A_382 = arith.constant 0 : i32
    %dma_wait3A_383 = tpu.memref_slice %arg8[%dma_wait3A_374, %dma_wait3A_381, %dma_wait3A_382] : memref<12x64x128xf32, #tpu.memory_space<vmem>> -> memref<1x64x128xf32, #tpu.memory_space<vmem>>
    %dma_wait3A_384 = tpu.memref_squeeze %dma_wait3A_383 : memref<1x64x128xf32, #tpu.memory_space<vmem>> -> memref<64x128xf32, #tpu.memory_space<vmem>>
    %dma_wait3A_385 = arith.constant 0 : i32
    %dma_wait3A_386 = tpu.memref_slice %arg4[%mul3A_2, %dma_wait3A_385] : memref<2048x128xf32, #tpu.memory_space<hbm>> -> memref<64x128xf32, #tpu.memory_space<hbm>>
    tpu.wait_dma2 semaphore(%arg9 : memref<!tpu.dma_semaphore, #tpu.memory_space<semaphore_mem>>) src(%dma_wait3A_386 : memref<64x128xf32, #tpu.memory_space<hbm>>) dst(%dma_wait3A_384 : memref<64x128xf32, #tpu.memory_space<vmem>>)
    %dma_start3A_387 = arith.constant 0 : i32
    %dma_start3A_388 = arith.constant 0 : i32
    %dma_start3A_389 = arith.constant 0 : i32
    %dma_start3A_390 = arith.constant 0 : i32
    %dma_start3A_391 = tpu.memref_slice %arg8[%dma_start3A_387, %dma_start3A_389, %dma_start3A_390] : memref<12x64x128xf32, #tpu.memory_space<vmem>> -> memref<1x64x128xf32, #tpu.memory_space<vmem>>
    %dma_start3A_392 = tpu.memref_squeeze %dma_start3A_391 : memref<1x64x128xf32, #tpu.memory_space<vmem>> -> memref<64x128xf32, #tpu.memory_space<vmem>>
    %dma_start3A_393 = arith.constant 0 : i32
    %dma_start3A_394 = tpu.memref_slice %arg5[%dma_start3A_388, %mul3A_2, %dma_start3A_393] : memref<12x2048x128xf32, #tpu.memory_space<hbm>> -> memref<1x64x128xf32, #tpu.memory_space<hbm>>
    %dma_start3A_395 = tpu.memref_squeeze %dma_start3A_394 : memref<1x64x128xf32, #tpu.memory_space<hbm>> -> memref<64x128xf32, #tpu.memory_space<hbm>>
    %dma_start3A_396 = arith.constant 0 : i32
    %dma_start3A_397 = tpu.memref_slice %arg5[%dma_start3A_388, %mul3A_2, %dma_start3A_396] : memref<12x2048x128xf32, #tpu.memory_space<hbm>> -> memref<1x64x128xf32, #tpu.memory_space<hbm>>
    %dma_start3A_398 = tpu.memref_squeeze %dma_start3A_397 : memref<1x64x128xf32, #tpu.memory_space<hbm>> -> memref<64x128xf32, #tpu.memory_space<hbm>>
    %dma_start3A_399 = arith.constant 0 : i32
    %dma_start3A_400 = arith.constant 0 : i32
    %dma_start3A_401 = tpu.memref_slice %arg8[%dma_start3A_387, %dma_start3A_399, %dma_start3A_400] : memref<12x64x128xf32, #tpu.memory_space<vmem>> -> memref<1x64x128xf32, #tpu.memory_space<vmem>>
    %dma_start3A_402 = tpu.memref_squeeze %dma_start3A_401 : memref<1x64x128xf32, #tpu.memory_space<vmem>> -> memref<64x128xf32, #tpu.memory_space<vmem>>
    tpu.enqueue_dma source(%dma_start3A_402 : memref<64x128xf32, #tpu.memory_space<vmem>>) target(%dma_start3A_398 : memref<64x128xf32, #tpu.memory_space<hbm>>) target_semaphore(%arg10 : memref<!tpu.dma_semaphore, #tpu.memory_space<semaphore_mem>>)
    %dma_wait3A_403 = arith.constant 1 : i32
    %dma_wait3A_404 = arith.constant 1 : i32
    %dma_wait3A_405 = arith.constant 0 : i32
    %dma_wait3A_406 = arith.constant 0 : i32
    %dma_wait3A_407 = tpu.memref_slice %arg8[%dma_wait3A_404, %dma_wait3A_405, %dma_wait3A_406] : memref<12x64x128xf32, #tpu.memory_space<vmem>> -> memref<1x64x128xf32, #tpu.memory_space<vmem>>
    %dma_wait3A_408 = tpu.memref_squeeze %dma_wait3A_407 : memref<1x64x128xf32, #tpu.memory_space<vmem>> -> memref<64x128xf32, #tpu.memory_space<vmem>>
    %dma_wait3A_409 = arith.constant 0 : i32
    %dma_wait3A_410 = tpu.memref_slice %arg7[%dma_wait3A_403, %dma_wait3A_409] : memref<12x64xi32, #tpu.memory_space<vmem>> -> memref<1x64xi32, #tpu.memory_space<vmem>>
    %dma_wait3A_411 = tpu.memref_squeeze %dma_wait3A_410 : memref<1x64xi32, #tpu.memory_space<vmem>> -> memref<64xi32, #tpu.memory_space<vmem>>
    %dma_wait3A_412 = arith.constant 0 : i32
    %dma_wait3A_413 = arith.constant 0 : i32
    %dma_wait3A_414 = tpu.memref_slice %arg4[%dma_wait3A_412, %dma_wait3A_413] : memref<2048x128xf32, #tpu.memory_space<hbm>> -> memref<2048x128xf32, #tpu.memory_space<hbm>>
    tpu.wait_indirect_dma semaphore(%arg9 : memref<!tpu.dma_semaphore, #tpu.memory_space<semaphore_mem>>) src(%dma_wait3A_414 : memref<2048x128xf32, #tpu.memory_space<hbm>>) dst(%dma_wait3A_408 : memref<64x128xf32, #tpu.memory_space<vmem>>)
    %dma_start3A_415 = arith.constant 1 : i32
    %dma_start3A_416 = arith.constant 1 : i32
    %dma_start3A_417 = arith.constant 0 : i32
    %dma_start3A_418 = arith.constant 0 : i32
    %dma_start3A_419 = tpu.memref_slice %arg8[%dma_start3A_415, %dma_start3A_417, %dma_start3A_418] : memref<12x64x128xf32, #tpu.memory_space<vmem>> -> memref<1x64x128xf32, #tpu.memory_space<vmem>>
    %dma_start3A_420 = tpu.memref_squeeze %dma_start3A_419 : memref<1x64x128xf32, #tpu.memory_space<vmem>> -> memref<64x128xf32, #tpu.memory_space<vmem>>
    %dma_start3A_421 = arith.constant 0 : i32
    %dma_start3A_422 = tpu.memref_slice %arg5[%dma_start3A_416, %mul3A_2, %dma_start3A_421] : memref<12x2048x128xf32, #tpu.memory_space<hbm>> -> memref<1x64x128xf32, #tpu.memory_space<hbm>>
    %dma_start3A_423 = tpu.memref_squeeze %dma_start3A_422 : memref<1x64x128xf32, #tpu.memory_space<hbm>> -> memref<64x128xf32, #tpu.memory_space<hbm>>
    %dma_start3A_424 = arith.constant 0 : i32
    %dma_start3A_425 = tpu.memref_slice %arg5[%dma_start3A_416, %mul3A_2, %dma_start3A_424] : memref<12x2048x128xf32, #tpu.memory_space<hbm>> -> memref<1x64x128xf32, #tpu.memory_space<hbm>>
    %dma_start3A_426 = tpu.memref_squeeze %dma_start3A_425 : memref<1x64x128xf32, #tpu.memory_space<hbm>> -> memref<64x128xf32, #tpu.memory_space<hbm>>
    %dma_start3A_427 = arith.constant 0 : i32
    %dma_start3A_428 = arith.constant 0 : i32
    %dma_start3A_429 = tpu.memref_slice %arg8[%dma_start3A_415, %dma_start3A_427, %dma_start3A_428] : memref<12x64x128xf32, #tpu.memory_space<vmem>> -> memref<1x64x128xf32, #tpu.memory_space<vmem>>
    %dma_start3A_430 = tpu.memref_squeeze %dma_start3A_429 : memref<1x64x128xf32, #tpu.memory_space<vmem>> -> memref<64x128xf32, #tpu.memory_space<vmem>>
    tpu.enqueue_dma source(%dma_start3A_430 : memref<64x128xf32, #tpu.memory_space<vmem>>) target(%dma_start3A_426 : memref<64x128xf32, #tpu.memory_space<hbm>>) target_semaphore(%arg10 : memref<!tpu.dma_semaphore, #tpu.memory_space<semaphore_mem>>)
    %dma_wait3A_431 = arith.constant 2 : i32
    %dma_wait3A_432 = arith.constant 2 : i32
    %dma_wait3A_433 = arith.constant 0 : i32
    %dma_wait3A_434 = arith.constant 0 : i32
    %dma_wait3A_435 = tpu.memref_slice %arg8[%dma_wait3A_432, %dma_wait3A_433, %dma_wait3A_434] : memref<12x64x128xf32, #tpu.memory_space<vmem>> -> memref<1x64x128xf32, #tpu.memory_space<vmem>>
    %dma_wait3A_436 = tpu.memref_squeeze %dma_wait3A_435 : memref<1x64x128xf32, #tpu.memory_space<vmem>> -> memref<64x128xf32, #tpu.memory_space<vmem>>
    %dma_wait3A_437 = arith.constant 0 : i32
    %dma_wait3A_438 = tpu.memref_slice %arg7[%dma_wait3A_431, %dma_wait3A_437] : memref<12x64xi32, #tpu.memory_space<vmem>> -> memref<1x64xi32, #tpu.memory_space<vmem>>
    %dma_wait3A_439 = tpu.memref_squeeze %dma_wait3A_438 : memref<1x64xi32, #tpu.memory_space<vmem>> -> memref<64xi32, #tpu.memory_space<vmem>>
    %dma_wait3A_440 = arith.constant 0 : i32
    %dma_wait3A_441 = arith.constant 0 : i32
    %dma_wait3A_442 = tpu.memref_slice %arg4[%dma_wait3A_440, %dma_wait3A_441] : memref<2048x128xf32, #tpu.memory_space<hbm>> -> memref<2048x128xf32, #tpu.memory_space<hbm>>
    tpu.wait_indirect_dma semaphore(%arg9 : memref<!tpu.dma_semaphore, #tpu.memory_space<semaphore_mem>>) src(%dma_wait3A_442 : memref<2048x128xf32, #tpu.memory_space<hbm>>) dst(%dma_wait3A_436 : memref<64x128xf32, #tpu.memory_space<vmem>>)
    %dma_start3A_443 = arith.constant 2 : i32
    %dma_start3A_444 = arith.constant 2 : i32
    %dma_start3A_445 = arith.constant 0 : i32
    %dma_start3A_446 = arith.constant 0 : i32
    %dma_start3A_447 = tpu.memref_slice %arg8[%dma_start3A_443, %dma_start3A_445, %dma_start3A_446] : memref<12x64x128xf32, #tpu.memory_space<vmem>> -> memref<1x64x128xf32, #tpu.memory_space<vmem>>
    %dma_start3A_448 = tpu.memref_squeeze %dma_start3A_447 : memref<1x64x128xf32, #tpu.memory_space<vmem>> -> memref<64x128xf32, #tpu.memory_space<vmem>>
    %dma_start3A_449 = arith.constant 0 : i32
    %dma_start3A_450 = tpu.memref_slice %arg5[%dma_start3A_444, %mul3A_2, %dma_start3A_449] : memref<12x2048x128xf32, #tpu.memory_space<hbm>> -> memref<1x64x128xf32, #tpu.memory_space<hbm>>
    %dma_start3A_451 = tpu.memref_squeeze %dma_start3A_450 : memref<1x64x128xf32, #tpu.memory_space<hbm>> -> memref<64x128xf32, #tpu.memory_space<hbm>>
    %dma_start3A_452 = arith.constant 0 : i32
    %dma_start3A_453 = tpu.memref_slice %arg5[%dma_start3A_444, %mul3A_2, %dma_start3A_452] : memref<12x2048x128xf32, #tpu.memory_space<hbm>> -> memref<1x64x128xf32, #tpu.memory_space<hbm>>
    %dma_start3A_454 = tpu.memref_squeeze %dma_start3A_453 : memref<1x64x128xf32, #tpu.memory_space<hbm>> -> memref<64x128xf32, #tpu.memory_space<hbm>>
    %dma_start3A_455 = arith.constant 0 : i32
    %dma_start3A_456 = arith.constant 0 : i32
    %dma_start3A_457 = tpu.memref_slice %arg8[%dma_start3A_443, %dma_start3A_455, %dma_start3A_456] : memref<12x64x128xf32, #tpu.memory_space<vmem>> -> memref<1x64x128xf32, #tpu.memory_space<vmem>>
    %dma_start3A_458 = tpu.memref_squeeze %dma_start3A_457 : memref<1x64x128xf32, #tpu.memory_space<vmem>> -> memref<64x128xf32, #tpu.memory_space<vmem>>
    tpu.enqueue_dma source(%dma_start3A_458 : memref<64x128xf32, #tpu.memory_space<vmem>>) target(%dma_start3A_454 : memref<64x128xf32, #tpu.memory_space<hbm>>) target_semaphore(%arg10 : memref<!tpu.dma_semaphore, #tpu.memory_space<semaphore_mem>>)
    %dma_wait3A_459 = arith.constant 3 : i32
    %dma_wait3A_460 = arith.constant 3 : i32
    %dma_wait3A_461 = arith.constant 0 : i32
    %dma_wait3A_462 = arith.constant 0 : i32
    %dma_wait3A_463 = tpu.memref_slice %arg8[%dma_wait3A_460, %dma_wait3A_461, %dma_wait3A_462] : memref<12x64x128xf32, #tpu.memory_space<vmem>> -> memref<1x64x128xf32, #tpu.memory_space<vmem>>
    %dma_wait3A_464 = tpu.memref_squeeze %dma_wait3A_463 : memref<1x64x128xf32, #tpu.memory_space<vmem>> -> memref<64x128xf32, #tpu.memory_space<vmem>>
    %dma_wait3A_465 = arith.constant 0 : i32
    %dma_wait3A_466 = tpu.memref_slice %arg7[%dma_wait3A_459, %dma_wait3A_465] : memref<12x64xi32, #tpu.memory_space<vmem>> -> memref<1x64xi32, #tpu.memory_space<vmem>>
    %dma_wait3A_467 = tpu.memref_squeeze %dma_wait3A_466 : memref<1x64xi32, #tpu.memory_space<vmem>> -> memref<64xi32, #tpu.memory_space<vmem>>
    %dma_wait3A_468 = arith.constant 0 : i32
    %dma_wait3A_469 = arith.constant 0 : i32
    %dma_wait3A_470 = tpu.memref_slice %arg4[%dma_wait3A_468, %dma_wait3A_469] : memref<2048x128xf32, #tpu.memory_space<hbm>> -> memref<2048x128xf32, #tpu.memory_space<hbm>>
    tpu.wait_indirect_dma semaphore(%arg9 : memref<!tpu.dma_semaphore, #tpu.memory_space<semaphore_mem>>) src(%dma_wait3A_470 : memref<2048x128xf32, #tpu.memory_space<hbm>>) dst(%dma_wait3A_464 : memref<64x128xf32, #tpu.memory_space<vmem>>)
    %dma_start3A_471 = arith.constant 3 : i32
    %dma_start3A_472 = arith.constant 3 : i32
    %dma_start3A_473 = arith.constant 0 : i32
    %dma_start3A_474 = arith.constant 0 : i32
    %dma_start3A_475 = tpu.memref_slice %arg8[%dma_start3A_471, %dma_start3A_473, %dma_start3A_474] : memref<12x64x128xf32, #tpu.memory_space<vmem>> -> memref<1x64x128xf32, #tpu.memory_space<vmem>>
    %dma_start3A_476 = tpu.memref_squeeze %dma_start3A_475 : memref<1x64x128xf32, #tpu.memory_space<vmem>> -> memref<64x128xf32, #tpu.memory_space<vmem>>
    %dma_start3A_477 = arith.constant 0 : i32
    %dma_start3A_478 = tpu.memref_slice %arg5[%dma_start3A_472, %mul3A_2, %dma_start3A_477] : memref<12x2048x128xf32, #tpu.memory_space<hbm>> -> memref<1x64x128xf32, #tpu.memory_space<hbm>>
    %dma_start3A_479 = tpu.memref_squeeze %dma_start3A_478 : memref<1x64x128xf32, #tpu.memory_space<hbm>> -> memref<64x128xf32, #tpu.memory_space<hbm>>
    %dma_start3A_480 = arith.constant 0 : i32
    %dma_start3A_481 = tpu.memref_slice %arg5[%dma_start3A_472, %mul3A_2, %dma_start3A_480] : memref<12x2048x128xf32, #tpu.memory_space<hbm>> -> memref<1x64x128xf32, #tpu.memory_space<hbm>>
    %dma_start3A_482 = tpu.memref_squeeze %dma_start3A_481 : memref<1x64x128xf32, #tpu.memory_space<hbm>> -> memref<64x128xf32, #tpu.memory_space<hbm>>
    %dma_start3A_483 = arith.constant 0 : i32
    %dma_start3A_484 = arith.constant 0 : i32
    %dma_start3A_485 = tpu.memref_slice %arg8[%dma_start3A_471, %dma_start3A_483, %dma_start3A_484] : memref<12x64x128xf32, #tpu.memory_space<vmem>> -> memref<1x64x128xf32, #tpu.memory_space<vmem>>
    %dma_start3A_486 = tpu.memref_squeeze %dma_start3A_485 : memref<1x64x128xf32, #tpu.memory_space<vmem>> -> memref<64x128xf32, #tpu.memory_space<vmem>>
    tpu.enqueue_dma source(%dma_start3A_486 : memref<64x128xf32, #tpu.memory_space<vmem>>) target(%dma_start3A_482 : memref<64x128xf32, #tpu.memory_space<hbm>>) target_semaphore(%arg10 : memref<!tpu.dma_semaphore, #tpu.memory_space<semaphore_mem>>)
    %dma_wait3A_487 = arith.constant 4 : i32
    %dma_wait3A_488 = arith.constant 4 : i32
    %dma_wait3A_489 = arith.constant 0 : i32
    %dma_wait3A_490 = arith.constant 0 : i32
    %dma_wait3A_491 = tpu.memref_slice %arg8[%dma_wait3A_488, %dma_wait3A_489, %dma_wait3A_490] : memref<12x64x128xf32, #tpu.memory_space<vmem>> -> memref<1x64x128xf32, #tpu.memory_space<vmem>>
    %dma_wait3A_492 = tpu.memref_squeeze %dma_wait3A_491 : memref<1x64x128xf32, #tpu.memory_space<vmem>> -> memref<64x128xf32, #tpu.memory_space<vmem>>
    %dma_wait3A_493 = arith.constant 0 : i32
    %dma_wait3A_494 = tpu.memref_slice %arg7[%dma_wait3A_487, %dma_wait3A_493] : memref<12x64xi32, #tpu.memory_space<vmem>> -> memref<1x64xi32, #tpu.memory_space<vmem>>
    %dma_wait3A_495 = tpu.memref_squeeze %dma_wait3A_494 : memref<1x64xi32, #tpu.memory_space<vmem>> -> memref<64xi32, #tpu.memory_space<vmem>>
    %dma_wait3A_496 = arith.constant 0 : i32
    %dma_wait3A_497 = arith.constant 0 : i32
    %dma_wait3A_498 = tpu.memref_slice %arg4[%dma_wait3A_496, %dma_wait3A_497] : memref<2048x128xf32, #tpu.memory_space<hbm>> -> memref<2048x128xf32, #tpu.memory_space<hbm>>
    tpu.wait_indirect_dma semaphore(%arg9 : memref<!tpu.dma_semaphore, #tpu.memory_space<semaphore_mem>>) src(%dma_wait3A_498 : memref<2048x128xf32, #tpu.memory_space<hbm>>) dst(%dma_wait3A_492 : memref<64x128xf32, #tpu.memory_space<vmem>>)
    %dma_start3A_499 = arith.constant 4 : i32
    %dma_start3A_500 = arith.constant 4 : i32
    %dma_start3A_501 = arith.constant 0 : i32
    %dma_start3A_502 = arith.constant 0 : i32
    %dma_start3A_503 = tpu.memref_slice %arg8[%dma_start3A_499, %dma_start3A_501, %dma_start3A_502] : memref<12x64x128xf32, #tpu.memory_space<vmem>> -> memref<1x64x128xf32, #tpu.memory_space<vmem>>
    %dma_start3A_504 = tpu.memref_squeeze %dma_start3A_503 : memref<1x64x128xf32, #tpu.memory_space<vmem>> -> memref<64x128xf32, #tpu.memory_space<vmem>>
    %dma_start3A_505 = arith.constant 0 : i32
    %dma_start3A_506 = tpu.memref_slice %arg5[%dma_start3A_500, %mul3A_2, %dma_start3A_505] : memref<12x2048x128xf32, #tpu.memory_space<hbm>> -> memref<1x64x128xf32, #tpu.memory_space<hbm>>
    %dma_start3A_507 = tpu.memref_squeeze %dma_start3A_506 : memref<1x64x128xf32, #tpu.memory_space<hbm>> -> memref<64x128xf32, #tpu.memory_space<hbm>>
    %dma_start3A_508 = arith.constant 0 : i32
    %dma_start3A_509 = tpu.memref_slice %arg5[%dma_start3A_500, %mul3A_2, %dma_start3A_508] : memref<12x2048x128xf32, #tpu.memory_space<hbm>> -> memref<1x64x128xf32, #tpu.memory_space<hbm>>
    %dma_start3A_510 = tpu.memref_squeeze %dma_start3A_509 : memref<1x64x128xf32, #tpu.memory_space<hbm>> -> memref<64x128xf32, #tpu.memory_space<hbm>>
    %dma_start3A_511 = arith.constant 0 : i32
    %dma_start3A_512 = arith.constant 0 : i32
    %dma_start3A_513 = tpu.memref_slice %arg8[%dma_start3A_499, %dma_start3A_511, %dma_start3A_512] : memref<12x64x128xf32, #tpu.memory_space<vmem>> -> memref<1x64x128xf32, #tpu.memory_space<vmem>>
    %dma_start3A_514 = tpu.memref_squeeze %dma_start3A_513 : memref<1x64x128xf32, #tpu.memory_space<vmem>> -> memref<64x128xf32, #tpu.memory_space<vmem>>
    tpu.enqueue_dma source(%dma_start3A_514 : memref<64x128xf32, #tpu.memory_space<vmem>>) target(%dma_start3A_510 : memref<64x128xf32, #tpu.memory_space<hbm>>) target_semaphore(%arg10 : memref<!tpu.dma_semaphore, #tpu.memory_space<semaphore_mem>>)
    %dma_wait3A_515 = arith.constant 5 : i32
    %dma_wait3A_516 = arith.constant 5 : i32
    %dma_wait3A_517 = arith.constant 0 : i32
    %dma_wait3A_518 = arith.constant 0 : i32
    %dma_wait3A_519 = tpu.memref_slice %arg8[%dma_wait3A_516, %dma_wait3A_517, %dma_wait3A_518] : memref<12x64x128xf32, #tpu.memory_space<vmem>> -> memref<1x64x128xf32, #tpu.memory_space<vmem>>
    %dma_wait3A_520 = tpu.memref_squeeze %dma_wait3A_519 : memref<1x64x128xf32, #tpu.memory_space<vmem>> -> memref<64x128xf32, #tpu.memory_space<vmem>>
    %dma_wait3A_521 = arith.constant 0 : i32
    %dma_wait3A_522 = tpu.memref_slice %arg7[%dma_wait3A_515, %dma_wait3A_521] : memref<12x64xi32, #tpu.memory_space<vmem>> -> memref<1x64xi32, #tpu.memory_space<vmem>>
    %dma_wait3A_523 = tpu.memref_squeeze %dma_wait3A_522 : memref<1x64xi32, #tpu.memory_space<vmem>> -> memref<64xi32, #tpu.memory_space<vmem>>
    %dma_wait3A_524 = arith.constant 0 : i32
    %dma_wait3A_525 = arith.constant 0 : i32
    %dma_wait3A_526 = tpu.memref_slice %arg4[%dma_wait3A_524, %dma_wait3A_525] : memref<2048x128xf32, #tpu.memory_space<hbm>> -> memref<2048x128xf32, #tpu.memory_space<hbm>>
    tpu.wait_indirect_dma semaphore(%arg9 : memref<!tpu.dma_semaphore, #tpu.memory_space<semaphore_mem>>) src(%dma_wait3A_526 : memref<2048x128xf32, #tpu.memory_space<hbm>>) dst(%dma_wait3A_520 : memref<64x128xf32, #tpu.memory_space<vmem>>)
    %dma_start3A_527 = arith.constant 5 : i32
    %dma_start3A_528 = arith.constant 5 : i32
    %dma_start3A_529 = arith.constant 0 : i32
    %dma_start3A_530 = arith.constant 0 : i32
    %dma_start3A_531 = tpu.memref_slice %arg8[%dma_start3A_527, %dma_start3A_529, %dma_start3A_530] : memref<12x64x128xf32, #tpu.memory_space<vmem>> -> memref<1x64x128xf32, #tpu.memory_space<vmem>>
    %dma_start3A_532 = tpu.memref_squeeze %dma_start3A_531 : memref<1x64x128xf32, #tpu.memory_space<vmem>> -> memref<64x128xf32, #tpu.memory_space<vmem>>
    %dma_start3A_533 = arith.constant 0 : i32
    %dma_start3A_534 = tpu.memref_slice %arg5[%dma_start3A_528, %mul3A_2, %dma_start3A_533] : memref<12x2048x128xf32, #tpu.memory_space<hbm>> -> memref<1x64x128xf32, #tpu.memory_space<hbm>>
    %dma_start3A_535 = tpu.memref_squeeze %dma_start3A_534 : memref<1x64x128xf32, #tpu.memory_space<hbm>> -> memref<64x128xf32, #tpu.memory_space<hbm>>
    %dma_start3A_536 = arith.constant 0 : i32
    %dma_start3A_537 = tpu.memref_slice %arg5[%dma_start3A_528, %mul3A_2, %dma_start3A_536] : memref<12x2048x128xf32, #tpu.memory_space<hbm>> -> memref<1x64x128xf32, #tpu.memory_space<hbm>>
    %dma_start3A_538 = tpu.memref_squeeze %dma_start3A_537 : memref<1x64x128xf32, #tpu.memory_space<hbm>> -> memref<64x128xf32, #tpu.memory_space<hbm>>
    %dma_start3A_539 = arith.constant 0 : i32
    %dma_start3A_540 = arith.constant 0 : i32
    %dma_start3A_541 = tpu.memref_slice %arg8[%dma_start3A_527, %dma_start3A_539, %dma_start3A_540] : memref<12x64x128xf32, #tpu.memory_space<vmem>> -> memref<1x64x128xf32, #tpu.memory_space<vmem>>
    %dma_start3A_542 = tpu.memref_squeeze %dma_start3A_541 : memref<1x64x128xf32, #tpu.memory_space<vmem>> -> memref<64x128xf32, #tpu.memory_space<vmem>>
    tpu.enqueue_dma source(%dma_start3A_542 : memref<64x128xf32, #tpu.memory_space<vmem>>) target(%dma_start3A_538 : memref<64x128xf32, #tpu.memory_space<hbm>>) target_semaphore(%arg10 : memref<!tpu.dma_semaphore, #tpu.memory_space<semaphore_mem>>)
    %dma_wait3A_543 = arith.constant 6 : i32
    %dma_wait3A_544 = arith.constant 6 : i32
    %dma_wait3A_545 = arith.constant 0 : i32
    %dma_wait3A_546 = arith.constant 0 : i32
    %dma_wait3A_547 = tpu.memref_slice %arg8[%dma_wait3A_544, %dma_wait3A_545, %dma_wait3A_546] : memref<12x64x128xf32, #tpu.memory_space<vmem>> -> memref<1x64x128xf32, #tpu.memory_space<vmem>>
    %dma_wait3A_548 = tpu.memref_squeeze %dma_wait3A_547 : memref<1x64x128xf32, #tpu.memory_space<vmem>> -> memref<64x128xf32, #tpu.memory_space<vmem>>
    %dma_wait3A_549 = arith.constant 0 : i32
    %dma_wait3A_550 = tpu.memref_slice %arg7[%dma_wait3A_543, %dma_wait3A_549] : memref<12x64xi32, #tpu.memory_space<vmem>> -> memref<1x64xi32, #tpu.memory_space<vmem>>
    %dma_wait3A_551 = tpu.memref_squeeze %dma_wait3A_550 : memref<1x64xi32, #tpu.memory_space<vmem>> -> memref<64xi32, #tpu.memory_space<vmem>>
    %dma_wait3A_552 = arith.constant 0 : i32
    %dma_wait3A_553 = arith.constant 0 : i32
    %dma_wait3A_554 = tpu.memref_slice %arg4[%dma_wait3A_552, %dma_wait3A_553] : memref<2048x128xf32, #tpu.memory_space<hbm>> -> memref<2048x128xf32, #tpu.memory_space<hbm>>
    tpu.wait_indirect_dma semaphore(%arg9 : memref<!tpu.dma_semaphore, #tpu.memory_space<semaphore_mem>>) src(%dma_wait3A_554 : memref<2048x128xf32, #tpu.memory_space<hbm>>) dst(%dma_wait3A_548 : memref<64x128xf32, #tpu.memory_space<vmem>>)
    %dma_start3A_555 = arith.constant 6 : i32
    %dma_start3A_556 = arith.constant 6 : i32
    %dma_start3A_557 = arith.constant 0 : i32
    %dma_start3A_558 = arith.constant 0 : i32
    %dma_start3A_559 = tpu.memref_slice %arg8[%dma_start3A_555, %dma_start3A_557, %dma_start3A_558] : memref<12x64x128xf32, #tpu.memory_space<vmem>> -> memref<1x64x128xf32, #tpu.memory_space<vmem>>
    %dma_start3A_560 = tpu.memref_squeeze %dma_start3A_559 : memref<1x64x128xf32, #tpu.memory_space<vmem>> -> memref<64x128xf32, #tpu.memory_space<vmem>>
    %dma_start3A_561 = arith.constant 0 : i32
    %dma_start3A_562 = tpu.memref_slice %arg5[%dma_start3A_556, %mul3A_2, %dma_start3A_561] : memref<12x2048x128xf32, #tpu.memory_space<hbm>> -> memref<1x64x128xf32, #tpu.memory_space<hbm>>
    %dma_start3A_563 = tpu.memref_squeeze %dma_start3A_562 : memref<1x64x128xf32, #tpu.memory_space<hbm>> -> memref<64x128xf32, #tpu.memory_space<hbm>>
    %dma_start3A_564 = arith.constant 0 : i32
    %dma_start3A_565 = tpu.memref_slice %arg5[%dma_start3A_556, %mul3A_2, %dma_start3A_564] : memref<12x2048x128xf32, #tpu.memory_space<hbm>> -> memref<1x64x128xf32, #tpu.memory_space<hbm>>
    %dma_start3A_566 = tpu.memref_squeeze %dma_start3A_565 : memref<1x64x128xf32, #tpu.memory_space<hbm>> -> memref<64x128xf32, #tpu.memory_space<hbm>>
    %dma_start3A_567 = arith.constant 0 : i32
    %dma_start3A_568 = arith.constant 0 : i32
    %dma_start3A_569 = tpu.memref_slice %arg8[%dma_start3A_555, %dma_start3A_567, %dma_start3A_568] : memref<12x64x128xf32, #tpu.memory_space<vmem>> -> memref<1x64x128xf32, #tpu.memory_space<vmem>>
    %dma_start3A_570 = tpu.memref_squeeze %dma_start3A_569 : memref<1x64x128xf32, #tpu.memory_space<vmem>> -> memref<64x128xf32, #tpu.memory_space<vmem>>
    tpu.enqueue_dma source(%dma_start3A_570 : memref<64x128xf32, #tpu.memory_space<vmem>>) target(%dma_start3A_566 : memref<64x128xf32, #tpu.memory_space<hbm>>) target_semaphore(%arg10 : memref<!tpu.dma_semaphore, #tpu.memory_space<semaphore_mem>>)
    %dma_wait3A_571 = arith.constant 7 : i32
    %dma_wait3A_572 = arith.constant 7 : i32
    %dma_wait3A_573 = arith.constant 0 : i32
    %dma_wait3A_574 = arith.constant 0 : i32
    %dma_wait3A_575 = tpu.memref_slice %arg8[%dma_wait3A_572, %dma_wait3A_573, %dma_wait3A_574] : memref<12x64x128xf32, #tpu.memory_space<vmem>> -> memref<1x64x128xf32, #tpu.memory_space<vmem>>
    %dma_wait3A_576 = tpu.memref_squeeze %dma_wait3A_575 : memref<1x64x128xf32, #tpu.memory_space<vmem>> -> memref<64x128xf32, #tpu.memory_space<vmem>>
    %dma_wait3A_577 = arith.constant 0 : i32
    %dma_wait3A_578 = tpu.memref_slice %arg7[%dma_wait3A_571, %dma_wait3A_577] : memref<12x64xi32, #tpu.memory_space<vmem>> -> memref<1x64xi32, #tpu.memory_space<vmem>>
    %dma_wait3A_579 = tpu.memref_squeeze %dma_wait3A_578 : memref<1x64xi32, #tpu.memory_space<vmem>> -> memref<64xi32, #tpu.memory_space<vmem>>
    %dma_wait3A_580 = arith.constant 0 : i32
    %dma_wait3A_581 = arith.constant 0 : i32
    %dma_wait3A_582 = tpu.memref_slice %arg4[%dma_wait3A_580, %dma_wait3A_581] : memref<2048x128xf32, #tpu.memory_space<hbm>> -> memref<2048x128xf32, #tpu.memory_space<hbm>>
    tpu.wait_indirect_dma semaphore(%arg9 : memref<!tpu.dma_semaphore, #tpu.memory_space<semaphore_mem>>) src(%dma_wait3A_582 : memref<2048x128xf32, #tpu.memory_space<hbm>>) dst(%dma_wait3A_576 : memref<64x128xf32, #tpu.memory_space<vmem>>)
    %dma_start3A_583 = arith.constant 7 : i32
    %dma_start3A_584 = arith.constant 7 : i32
    %dma_start3A_585 = arith.constant 0 : i32
    %dma_start3A_586 = arith.constant 0 : i32
    %dma_start3A_587 = tpu.memref_slice %arg8[%dma_start3A_583, %dma_start3A_585, %dma_start3A_586] : memref<12x64x128xf32, #tpu.memory_space<vmem>> -> memref<1x64x128xf32, #tpu.memory_space<vmem>>
    %dma_start3A_588 = tpu.memref_squeeze %dma_start3A_587 : memref<1x64x128xf32, #tpu.memory_space<vmem>> -> memref<64x128xf32, #tpu.memory_space<vmem>>
    %dma_start3A_589 = arith.constant 0 : i32
    %dma_start3A_590 = tpu.memref_slice %arg5[%dma_start3A_584, %mul3A_2, %dma_start3A_589] : memref<12x2048x128xf32, #tpu.memory_space<hbm>> -> memref<1x64x128xf32, #tpu.memory_space<hbm>>
    %dma_start3A_591 = tpu.memref_squeeze %dma_start3A_590 : memref<1x64x128xf32, #tpu.memory_space<hbm>> -> memref<64x128xf32, #tpu.memory_space<hbm>>
    %dma_start3A_592 = arith.constant 0 : i32
    %dma_start3A_593 = tpu.memref_slice %arg5[%dma_start3A_584, %mul3A_2, %dma_start3A_592] : memref<12x2048x128xf32, #tpu.memory_space<hbm>> -> memref<1x64x128xf32, #tpu.memory_space<hbm>>
    %dma_start3A_594 = tpu.memref_squeeze %dma_start3A_593 : memref<1x64x128xf32, #tpu.memory_space<hbm>> -> memref<64x128xf32, #tpu.memory_space<hbm>>
    %dma_start3A_595 = arith.constant 0 : i32
    %dma_start3A_596 = arith.constant 0 : i32
    %dma_start3A_597 = tpu.memref_slice %arg8[%dma_start3A_583, %dma_start3A_595, %dma_start3A_596] : memref<12x64x128xf32, #tpu.memory_space<vmem>> -> memref<1x64x128xf32, #tpu.memory_space<vmem>>
    %dma_start3A_598 = tpu.memref_squeeze %dma_start3A_597 : memref<1x64x128xf32, #tpu.memory_space<vmem>> -> memref<64x128xf32, #tpu.memory_space<vmem>>
    tpu.enqueue_dma source(%dma_start3A_598 : memref<64x128xf32, #tpu.memory_space<vmem>>) target(%dma_start3A_594 : memref<64x128xf32, #tpu.memory_space<hbm>>) target_semaphore(%arg10 : memref<!tpu.dma_semaphore, #tpu.memory_space<semaphore_mem>>)
    %dma_wait3A_599 = arith.constant 8 : i32
    %dma_wait3A_600 = arith.constant 8 : i32
    %dma_wait3A_601 = arith.constant 0 : i32
    %dma_wait3A_602 = arith.constant 0 : i32
    %dma_wait3A_603 = tpu.memref_slice %arg8[%dma_wait3A_600, %dma_wait3A_601, %dma_wait3A_602] : memref<12x64x128xf32, #tpu.memory_space<vmem>> -> memref<1x64x128xf32, #tpu.memory_space<vmem>>
    %dma_wait3A_604 = tpu.memref_squeeze %dma_wait3A_603 : memref<1x64x128xf32, #tpu.memory_space<vmem>> -> memref<64x128xf32, #tpu.memory_space<vmem>>
    %dma_wait3A_605 = arith.constant 0 : i32
    %dma_wait3A_606 = tpu.memref_slice %arg7[%dma_wait3A_599, %dma_wait3A_605] : memref<12x64xi32, #tpu.memory_space<vmem>> -> memref<1x64xi32, #tpu.memory_space<vmem>>
    %dma_wait3A_607 = tpu.memref_squeeze %dma_wait3A_606 : memref<1x64xi32, #tpu.memory_space<vmem>> -> memref<64xi32, #tpu.memory_space<vmem>>
    %dma_wait3A_608 = arith.constant 0 : i32
    %dma_wait3A_609 = arith.constant 0 : i32
    %dma_wait3A_610 = tpu.memref_slice %arg4[%dma_wait3A_608, %dma_wait3A_609] : memref<2048x128xf32, #tpu.memory_space<hbm>> -> memref<2048x128xf32, #tpu.memory_space<hbm>>
    tpu.wait_indirect_dma semaphore(%arg9 : memref<!tpu.dma_semaphore, #tpu.memory_space<semaphore_mem>>) src(%dma_wait3A_610 : memref<2048x128xf32, #tpu.memory_space<hbm>>) dst(%dma_wait3A_604 : memref<64x128xf32, #tpu.memory_space<vmem>>)
    %dma_start3A_611 = arith.constant 8 : i32
    %dma_start3A_612 = arith.constant 8 : i32
    %dma_start3A_613 = arith.constant 0 : i32
    %dma_start3A_614 = arith.constant 0 : i32
    %dma_start3A_615 = tpu.memref_slice %arg8[%dma_start3A_611, %dma_start3A_613, %dma_start3A_614] : memref<12x64x128xf32, #tpu.memory_space<vmem>> -> memref<1x64x128xf32, #tpu.memory_space<vmem>>
    %dma_start3A_616 = tpu.memref_squeeze %dma_start3A_615 : memref<1x64x128xf32, #tpu.memory_space<vmem>> -> memref<64x128xf32, #tpu.memory_space<vmem>>
    %dma_start3A_617 = arith.constant 0 : i32
    %dma_start3A_618 = tpu.memref_slice %arg5[%dma_start3A_612, %mul3A_2, %dma_start3A_617] : memref<12x2048x128xf32, #tpu.memory_space<hbm>> -> memref<1x64x128xf32, #tpu.memory_space<hbm>>
    %dma_start3A_619 = tpu.memref_squeeze %dma_start3A_618 : memref<1x64x128xf32, #tpu.memory_space<hbm>> -> memref<64x128xf32, #tpu.memory_space<hbm>>
    %dma_start3A_620 = arith.constant 0 : i32
    %dma_start3A_621 = tpu.memref_slice %arg5[%dma_start3A_612, %mul3A_2, %dma_start3A_620] : memref<12x2048x128xf32, #tpu.memory_space<hbm>> -> memref<1x64x128xf32, #tpu.memory_space<hbm>>
    %dma_start3A_622 = tpu.memref_squeeze %dma_start3A_621 : memref<1x64x128xf32, #tpu.memory_space<hbm>> -> memref<64x128xf32, #tpu.memory_space<hbm>>
    %dma_start3A_623 = arith.constant 0 : i32
    %dma_start3A_624 = arith.constant 0 : i32
    %dma_start3A_625 = tpu.memref_slice %arg8[%dma_start3A_611, %dma_start3A_623, %dma_start3A_624] : memref<12x64x128xf32, #tpu.memory_space<vmem>> -> memref<1x64x128xf32, #tpu.memory_space<vmem>>
    %dma_start3A_626 = tpu.memref_squeeze %dma_start3A_625 : memref<1x64x128xf32, #tpu.memory_space<vmem>> -> memref<64x128xf32, #tpu.memory_space<vmem>>
    tpu.enqueue_dma source(%dma_start3A_626 : memref<64x128xf32, #tpu.memory_space<vmem>>) target(%dma_start3A_622 : memref<64x128xf32, #tpu.memory_space<hbm>>) target_semaphore(%arg10 : memref<!tpu.dma_semaphore, #tpu.memory_space<semaphore_mem>>)
    %dma_wait3A_627 = arith.constant 9 : i32
    %dma_wait3A_628 = arith.constant 9 : i32
    %dma_wait3A_629 = arith.constant 0 : i32
    %dma_wait3A_630 = arith.constant 0 : i32
    %dma_wait3A_631 = tpu.memref_slice %arg8[%dma_wait3A_628, %dma_wait3A_629, %dma_wait3A_630] : memref<12x64x128xf32, #tpu.memory_space<vmem>> -> memref<1x64x128xf32, #tpu.memory_space<vmem>>
    %dma_wait3A_632 = tpu.memref_squeeze %dma_wait3A_631 : memref<1x64x128xf32, #tpu.memory_space<vmem>> -> memref<64x128xf32, #tpu.memory_space<vmem>>
    %dma_wait3A_633 = arith.constant 0 : i32
    %dma_wait3A_634 = tpu.memref_slice %arg7[%dma_wait3A_627, %dma_wait3A_633] : memref<12x64xi32, #tpu.memory_space<vmem>> -> memref<1x64xi32, #tpu.memory_space<vmem>>
    %dma_wait3A_635 = tpu.memref_squeeze %dma_wait3A_634 : memref<1x64xi32, #tpu.memory_space<vmem>> -> memref<64xi32, #tpu.memory_space<vmem>>
    %dma_wait3A_636 = arith.constant 0 : i32
    %dma_wait3A_637 = arith.constant 0 : i32
    %dma_wait3A_638 = tpu.memref_slice %arg4[%dma_wait3A_636, %dma_wait3A_637] : memref<2048x128xf32, #tpu.memory_space<hbm>> -> memref<2048x128xf32, #tpu.memory_space<hbm>>
    tpu.wait_indirect_dma semaphore(%arg9 : memref<!tpu.dma_semaphore, #tpu.memory_space<semaphore_mem>>) src(%dma_wait3A_638 : memref<2048x128xf32, #tpu.memory_space<hbm>>) dst(%dma_wait3A_632 : memref<64x128xf32, #tpu.memory_space<vmem>>)
    %dma_start3A_639 = arith.constant 9 : i32
    %dma_start3A_640 = arith.constant 9 : i32
    %dma_start3A_641 = arith.constant 0 : i32
    %dma_start3A_642 = arith.constant 0 : i32
    %dma_start3A_643 = tpu.memref_slice %arg8[%dma_start3A_639, %dma_start3A_641, %dma_start3A_642] : memref<12x64x128xf32, #tpu.memory_space<vmem>> -> memref<1x64x128xf32, #tpu.memory_space<vmem>>
    %dma_start3A_644 = tpu.memref_squeeze %dma_start3A_643 : memref<1x64x128xf32, #tpu.memory_space<vmem>> -> memref<64x128xf32, #tpu.memory_space<vmem>>
    %dma_start3A_645 = arith.constant 0 : i32
    %dma_start3A_646 = tpu.memref_slice %arg5[%dma_start3A_640, %mul3A_2, %dma_start3A_645] : memref<12x2048x128xf32, #tpu.memory_space<hbm>> -> memref<1x64x128xf32, #tpu.memory_space<hbm>>
    %dma_start3A_647 = tpu.memref_squeeze %dma_start3A_646 : memref<1x64x128xf32, #tpu.memory_space<hbm>> -> memref<64x128xf32, #tpu.memory_space<hbm>>
    %dma_start3A_648 = arith.constant 0 : i32
    %dma_start3A_649 = tpu.memref_slice %arg5[%dma_start3A_640, %mul3A_2, %dma_start3A_648] : memref<12x2048x128xf32, #tpu.memory_space<hbm>> -> memref<1x64x128xf32, #tpu.memory_space<hbm>>
    %dma_start3A_650 = tpu.memref_squeeze %dma_start3A_649 : memref<1x64x128xf32, #tpu.memory_space<hbm>> -> memref<64x128xf32, #tpu.memory_space<hbm>>
    %dma_start3A_651 = arith.constant 0 : i32
    %dma_start3A_652 = arith.constant 0 : i32
    %dma_start3A_653 = tpu.memref_slice %arg8[%dma_start3A_639, %dma_start3A_651, %dma_start3A_652] : memref<12x64x128xf32, #tpu.memory_space<vmem>> -> memref<1x64x128xf32, #tpu.memory_space<vmem>>
    %dma_start3A_654 = tpu.memref_squeeze %dma_start3A_653 : memref<1x64x128xf32, #tpu.memory_space<vmem>> -> memref<64x128xf32, #tpu.memory_space<vmem>>
    tpu.enqueue_dma source(%dma_start3A_654 : memref<64x128xf32, #tpu.memory_space<vmem>>) target(%dma_start3A_650 : memref<64x128xf32, #tpu.memory_space<hbm>>) target_semaphore(%arg10 : memref<!tpu.dma_semaphore, #tpu.memory_space<semaphore_mem>>)
    %dma_wait3A_655 = arith.constant 10 : i32
    %dma_wait3A_656 = arith.constant 10 : i32
    %dma_wait3A_657 = arith.constant 0 : i32
    %dma_wait3A_658 = arith.constant 0 : i32
    %dma_wait3A_659 = tpu.memref_slice %arg8[%dma_wait3A_656, %dma_wait3A_657, %dma_wait3A_658] : memref<12x64x128xf32, #tpu.memory_space<vmem>> -> memref<1x64x128xf32, #tpu.memory_space<vmem>>
    %dma_wait3A_660 = tpu.memref_squeeze %dma_wait3A_659 : memref<1x64x128xf32, #tpu.memory_space<vmem>> -> memref<64x128xf32, #tpu.memory_space<vmem>>
    %dma_wait3A_661 = arith.constant 0 : i32
    %dma_wait3A_662 = tpu.memref_slice %arg7[%dma_wait3A_655, %dma_wait3A_661] : memref<12x64xi32, #tpu.memory_space<vmem>> -> memref<1x64xi32, #tpu.memory_space<vmem>>
    %dma_wait3A_663 = tpu.memref_squeeze %dma_wait3A_662 : memref<1x64xi32, #tpu.memory_space<vmem>> -> memref<64xi32, #tpu.memory_space<vmem>>
    %dma_wait3A_664 = arith.constant 0 : i32
    %dma_wait3A_665 = arith.constant 0 : i32
    %dma_wait3A_666 = tpu.memref_slice %arg4[%dma_wait3A_664, %dma_wait3A_665] : memref<2048x128xf32, #tpu.memory_space<hbm>> -> memref<2048x128xf32, #tpu.memory_space<hbm>>
    tpu.wait_indirect_dma semaphore(%arg9 : memref<!tpu.dma_semaphore, #tpu.memory_space<semaphore_mem>>) src(%dma_wait3A_666 : memref<2048x128xf32, #tpu.memory_space<hbm>>) dst(%dma_wait3A_660 : memref<64x128xf32, #tpu.memory_space<vmem>>)
    %dma_start3A_667 = arith.constant 10 : i32
    %dma_start3A_668 = arith.constant 10 : i32
    %dma_start3A_669 = arith.constant 0 : i32
    %dma_start3A_670 = arith.constant 0 : i32
    %dma_start3A_671 = tpu.memref_slice %arg8[%dma_start3A_667, %dma_start3A_669, %dma_start3A_670] : memref<12x64x128xf32, #tpu.memory_space<vmem>> -> memref<1x64x128xf32, #tpu.memory_space<vmem>>
    %dma_start3A_672 = tpu.memref_squeeze %dma_start3A_671 : memref<1x64x128xf32, #tpu.memory_space<vmem>> -> memref<64x128xf32, #tpu.memory_space<vmem>>
    %dma_start3A_673 = arith.constant 0 : i32
    %dma_start3A_674 = tpu.memref_slice %arg5[%dma_start3A_668, %mul3A_2, %dma_start3A_673] : memref<12x2048x128xf32, #tpu.memory_space<hbm>> -> memref<1x64x128xf32, #tpu.memory_space<hbm>>
    %dma_start3A_675 = tpu.memref_squeeze %dma_start3A_674 : memref<1x64x128xf32, #tpu.memory_space<hbm>> -> memref<64x128xf32, #tpu.memory_space<hbm>>
    %dma_start3A_676 = arith.constant 0 : i32
    %dma_start3A_677 = tpu.memref_slice %arg5[%dma_start3A_668, %mul3A_2, %dma_start3A_676] : memref<12x2048x128xf32, #tpu.memory_space<hbm>> -> memref<1x64x128xf32, #tpu.memory_space<hbm>>
    %dma_start3A_678 = tpu.memref_squeeze %dma_start3A_677 : memref<1x64x128xf32, #tpu.memory_space<hbm>> -> memref<64x128xf32, #tpu.memory_space<hbm>>
    %dma_start3A_679 = arith.constant 0 : i32
    %dma_start3A_680 = arith.constant 0 : i32
    %dma_start3A_681 = tpu.memref_slice %arg8[%dma_start3A_667, %dma_start3A_679, %dma_start3A_680] : memref<12x64x128xf32, #tpu.memory_space<vmem>> -> memref<1x64x128xf32, #tpu.memory_space<vmem>>
    %dma_start3A_682 = tpu.memref_squeeze %dma_start3A_681 : memref<1x64x128xf32, #tpu.memory_space<vmem>> -> memref<64x128xf32, #tpu.memory_space<vmem>>
    tpu.enqueue_dma source(%dma_start3A_682 : memref<64x128xf32, #tpu.memory_space<vmem>>) target(%dma_start3A_678 : memref<64x128xf32, #tpu.memory_space<hbm>>) target_semaphore(%arg10 : memref<!tpu.dma_semaphore, #tpu.memory_space<semaphore_mem>>)
    %dma_wait3A_683 = arith.constant 11 : i32
    %dma_wait3A_684 = arith.constant 11 : i32
    %dma_wait3A_685 = arith.constant 0 : i32
    %dma_wait3A_686 = arith.constant 0 : i32
    %dma_wait3A_687 = tpu.memref_slice %arg8[%dma_wait3A_684, %dma_wait3A_685, %dma_wait3A_686] : memref<12x64x128xf32, #tpu.memory_space<vmem>> -> memref<1x64x128xf32, #tpu.memory_space<vmem>>
    %dma_wait3A_688 = tpu.memref_squeeze %dma_wait3A_687 : memref<1x64x128xf32, #tpu.memory_space<vmem>> -> memref<64x128xf32, #tpu.memory_space<vmem>>
    %dma_wait3A_689 = arith.constant 0 : i32
    %dma_wait3A_690 = tpu.memref_slice %arg7[%dma_wait3A_683, %dma_wait3A_689] : memref<12x64xi32, #tpu.memory_space<vmem>> -> memref<1x64xi32, #tpu.memory_space<vmem>>
    %dma_wait3A_691 = tpu.memref_squeeze %dma_wait3A_690 : memref<1x64xi32, #tpu.memory_space<vmem>> -> memref<64xi32, #tpu.memory_space<vmem>>
    %dma_wait3A_692 = arith.constant 0 : i32
    %dma_wait3A_693 = arith.constant 0 : i32
    %dma_wait3A_694 = tpu.memref_slice %arg4[%dma_wait3A_692, %dma_wait3A_693] : memref<2048x128xf32, #tpu.memory_space<hbm>> -> memref<2048x128xf32, #tpu.memory_space<hbm>>
    tpu.wait_indirect_dma semaphore(%arg9 : memref<!tpu.dma_semaphore, #tpu.memory_space<semaphore_mem>>) src(%dma_wait3A_694 : memref<2048x128xf32, #tpu.memory_space<hbm>>) dst(%dma_wait3A_688 : memref<64x128xf32, #tpu.memory_space<vmem>>)
    %dma_start3A_695 = arith.constant 11 : i32
    %dma_start3A_696 = arith.constant 11 : i32
    %dma_start3A_697 = arith.constant 0 : i32
    %dma_start3A_698 = arith.constant 0 : i32
    %dma_start3A_699 = tpu.memref_slice %arg8[%dma_start3A_695, %dma_start3A_697, %dma_start3A_698] : memref<12x64x128xf32, #tpu.memory_space<vmem>> -> memref<1x64x128xf32, #tpu.memory_space<vmem>>
    %dma_start3A_700 = tpu.memref_squeeze %dma_start3A_699 : memref<1x64x128xf32, #tpu.memory_space<vmem>> -> memref<64x128xf32, #tpu.memory_space<vmem>>
    %dma_start3A_701 = arith.constant 0 : i32
    %dma_start3A_702 = tpu.memref_slice %arg5[%dma_start3A_696, %mul3A_2, %dma_start3A_701] : memref<12x2048x128xf32, #tpu.memory_space<hbm>> -> memref<1x64x128xf32, #tpu.memory_space<hbm>>
    %dma_start3A_703 = tpu.memref_squeeze %dma_start3A_702 : memref<1x64x128xf32, #tpu.memory_space<hbm>> -> memref<64x128xf32, #tpu.memory_space<hbm>>
    %dma_start3A_704 = arith.constant 0 : i32
    %dma_start3A_705 = tpu.memref_slice %arg5[%dma_start3A_696, %mul3A_2, %dma_start3A_704] : memref<12x2048x128xf32, #tpu.memory_space<hbm>> -> memref<1x64x128xf32, #tpu.memory_space<hbm>>
    %dma_start3A_706 = tpu.memref_squeeze %dma_start3A_705 : memref<1x64x128xf32, #tpu.memory_space<hbm>> -> memref<64x128xf32, #tpu.memory_space<hbm>>
    %dma_start3A_707 = arith.constant 0 : i32
    %dma_start3A_708 = arith.constant 0 : i32
    %dma_start3A_709 = tpu.memref_slice %arg8[%dma_start3A_695, %dma_start3A_707, %dma_start3A_708] : memref<12x64x128xf32, #tpu.memory_space<vmem>> -> memref<1x64x128xf32, #tpu.memory_space<vmem>>
    %dma_start3A_710 = tpu.memref_squeeze %dma_start3A_709 : memref<1x64x128xf32, #tpu.memory_space<vmem>> -> memref<64x128xf32, #tpu.memory_space<vmem>>
    tpu.enqueue_dma source(%dma_start3A_710 : memref<64x128xf32, #tpu.memory_space<vmem>>) target(%dma_start3A_706 : memref<64x128xf32, #tpu.memory_space<hbm>>) target_semaphore(%arg10 : memref<!tpu.dma_semaphore, #tpu.memory_space<semaphore_mem>>)
    %dma_wait3A_711 = arith.constant 0 : i32
    %dma_wait3A_712 = arith.constant 0 : i32
    %dma_wait3A_713 = tpu.memref_slice %arg6[%add3A, %dma_wait3A_711, %dma_wait3A_712] : memref<32x12x64xi32, #tpu.memory_space<hbm>> -> memref<1x12x64xi32, #tpu.memory_space<hbm>>
    %dma_wait3A_714 = tpu.memref_squeeze %dma_wait3A_713 : memref<1x12x64xi32, #tpu.memory_space<hbm>> -> memref<12x64xi32, #tpu.memory_space<hbm>>
    %dma_wait3A_715 = arith.constant 0 : i32
    %dma_wait3A_716 = arith.constant 0 : i32
    %dma_wait3A_717 = tpu.memref_slice %arg6[%add3A, %dma_wait3A_715, %dma_wait3A_716] : memref<32x12x64xi32, #tpu.memory_space<hbm>> -> memref<1x12x64xi32, #tpu.memory_space<hbm>>
    %dma_wait3A_718 = tpu.memref_squeeze %dma_wait3A_717 : memref<1x12x64xi32, #tpu.memory_space<hbm>> -> memref<12x64xi32, #tpu.memory_space<hbm>>
    tpu.wait_dma2 semaphore(%arg10 : memref<!tpu.dma_semaphore, #tpu.memory_space<semaphore_mem>>) src(%arg7 : memref<12x64xi32, #tpu.memory_space<vmem>>) dst(%dma_wait3A_718 : memref<12x64xi32, #tpu.memory_space<hbm>>)
    %dma_wait3A_719 = arith.constant 0 : i32
    %dma_wait3A_720 = arith.constant 0 : i32
    %dma_wait3A_721 = arith.constant 0 : i32
    %dma_wait3A_722 = arith.constant 0 : i32
    %dma_wait3A_723 = tpu.memref_slice %arg8[%dma_wait3A_719, %dma_wait3A_721, %dma_wait3A_722] : memref<12x64x128xf32, #tpu.memory_space<vmem>> -> memref<1x64x128xf32, #tpu.memory_space<vmem>>
    %dma_wait3A_724 = tpu.memref_squeeze %dma_wait3A_723 : memref<1x64x128xf32, #tpu.memory_space<vmem>> -> memref<64x128xf32, #tpu.memory_space<vmem>>
    %dma_wait3A_725 = arith.constant 0 : i32
    %dma_wait3A_726 = tpu.memref_slice %arg5[%dma_wait3A_720, %mul3A_2, %dma_wait3A_725] : memref<12x2048x128xf32, #tpu.memory_space<hbm>> -> memref<1x64x128xf32, #tpu.memory_space<hbm>>
    %dma_wait3A_727 = tpu.memref_squeeze %dma_wait3A_726 : memref<1x64x128xf32, #tpu.memory_space<hbm>> -> memref<64x128xf32, #tpu.memory_space<hbm>>
    %dma_wait3A_728 = arith.constant 0 : i32
    %dma_wait3A_729 = tpu.memref_slice %arg5[%dma_wait3A_720, %mul3A_2, %dma_wait3A_728] : memref<12x2048x128xf32, #tpu.memory_space<hbm>> -> memref<1x64x128xf32, #tpu.memory_space<hbm>>
    %dma_wait3A_730 = tpu.memref_squeeze %dma_wait3A_729 : memref<1x64x128xf32, #tpu.memory_space<hbm>> -> memref<64x128xf32, #tpu.memory_space<hbm>>
    %dma_wait3A_731 = arith.constant 0 : i32
    %dma_wait3A_732 = arith.constant 0 : i32
    %dma_wait3A_733 = tpu.memref_slice %arg8[%dma_wait3A_719, %dma_wait3A_731, %dma_wait3A_732] : memref<12x64x128xf32, #tpu.memory_space<vmem>> -> memref<1x64x128xf32, #tpu.memory_space<vmem>>
    %dma_wait3A_734 = tpu.memref_squeeze %dma_wait3A_733 : memref<1x64x128xf32, #tpu.memory_space<vmem>> -> memref<64x128xf32, #tpu.memory_space<vmem>>
    tpu.wait_dma2 semaphore(%arg10 : memref<!tpu.dma_semaphore, #tpu.memory_space<semaphore_mem>>) src(%dma_wait3A_734 : memref<64x128xf32, #tpu.memory_space<vmem>>) dst(%dma_wait3A_730 : memref<64x128xf32, #tpu.memory_space<hbm>>)
    %dma_wait3A_735 = arith.constant 1 : i32
    %dma_wait3A_736 = arith.constant 1 : i32
    %dma_wait3A_737 = arith.constant 0 : i32
    %dma_wait3A_738 = arith.constant 0 : i32
    %dma_wait3A_739 = tpu.memref_slice %arg8[%dma_wait3A_735, %dma_wait3A_737, %dma_wait3A_738] : memref<12x64x128xf32, #tpu.memory_space<vmem>> -> memref<1x64x128xf32, #tpu.memory_space<vmem>>
    %dma_wait3A_740 = tpu.memref_squeeze %dma_wait3A_739 : memref<1x64x128xf32, #tpu.memory_space<vmem>> -> memref<64x128xf32, #tpu.memory_space<vmem>>
    %dma_wait3A_741 = arith.constant 0 : i32
    %dma_wait3A_742 = tpu.memref_slice %arg5[%dma_wait3A_736, %mul3A_2, %dma_wait3A_741] : memref<12x2048x128xf32, #tpu.memory_space<hbm>> -> memref<1x64x128xf32, #tpu.memory_space<hbm>>
    %dma_wait3A_743 = tpu.memref_squeeze %dma_wait3A_742 : memref<1x64x128xf32, #tpu.memory_space<hbm>> -> memref<64x128xf32, #tpu.memory_space<hbm>>
    %dma_wait3A_744 = arith.constant 0 : i32
    %dma_wait3A_745 = tpu.memref_slice %arg5[%dma_wait3A_736, %mul3A_2, %dma_wait3A_744] : memref<12x2048x128xf32, #tpu.memory_space<hbm>> -> memref<1x64x128xf32, #tpu.memory_space<hbm>>
    %dma_wait3A_746 = tpu.memref_squeeze %dma_wait3A_745 : memref<1x64x128xf32, #tpu.memory_space<hbm>> -> memref<64x128xf32, #tpu.memory_space<hbm>>
    %dma_wait3A_747 = arith.constant 0 : i32
    %dma_wait3A_748 = arith.constant 0 : i32
    %dma_wait3A_749 = tpu.memref_slice %arg8[%dma_wait3A_735, %dma_wait3A_747, %dma_wait3A_748] : memref<12x64x128xf32, #tpu.memory_space<vmem>> -> memref<1x64x128xf32, #tpu.memory_space<vmem>>
    %dma_wait3A_750 = tpu.memref_squeeze %dma_wait3A_749 : memref<1x64x128xf32, #tpu.memory_space<vmem>> -> memref<64x128xf32, #tpu.memory_space<vmem>>
    tpu.wait_dma2 semaphore(%arg10 : memref<!tpu.dma_semaphore, #tpu.memory_space<semaphore_mem>>) src(%dma_wait3A_750 : memref<64x128xf32, #tpu.memory_space<vmem>>) dst(%dma_wait3A_746 : memref<64x128xf32, #tpu.memory_space<hbm>>)
    %dma_wait3A_751 = arith.constant 2 : i32
    %dma_wait3A_752 = arith.constant 2 : i32
    %dma_wait3A_753 = arith.constant 0 : i32
    %dma_wait3A_754 = arith.constant 0 : i32
    %dma_wait3A_755 = tpu.memref_slice %arg8[%dma_wait3A_751, %dma_wait3A_753, %dma_wait3A_754] : memref<12x64x128xf32, #tpu.memory_space<vmem>> -> memref<1x64x128xf32, #tpu.memory_space<vmem>>
    %dma_wait3A_756 = tpu.memref_squeeze %dma_wait3A_755 : memref<1x64x128xf32, #tpu.memory_space<vmem>> -> memref<64x128xf32, #tpu.memory_space<vmem>>
    %dma_wait3A_757 = arith.constant 0 : i32
    %dma_wait3A_758 = tpu.memref_slice %arg5[%dma_wait3A_752, %mul3A_2, %dma_wait3A_757] : memref<12x2048x128xf32, #tpu.memory_space<hbm>> -> memref<1x64x128xf32, #tpu.memory_space<hbm>>
    %dma_wait3A_759 = tpu.memref_squeeze %dma_wait3A_758 : memref<1x64x128xf32, #tpu.memory_space<hbm>> -> memref<64x128xf32, #tpu.memory_space<hbm>>
    %dma_wait3A_760 = arith.constant 0 : i32
    %dma_wait3A_761 = tpu.memref_slice %arg5[%dma_wait3A_752, %mul3A_2, %dma_wait3A_760] : memref<12x2048x128xf32, #tpu.memory_space<hbm>> -> memref<1x64x128xf32, #tpu.memory_space<hbm>>
    %dma_wait3A_762 = tpu.memref_squeeze %dma_wait3A_761 : memref<1x64x128xf32, #tpu.memory_space<hbm>> -> memref<64x128xf32, #tpu.memory_space<hbm>>
    %dma_wait3A_763 = arith.constant 0 : i32
    %dma_wait3A_764 = arith.constant 0 : i32
    %dma_wait3A_765 = tpu.memref_slice %arg8[%dma_wait3A_751, %dma_wait3A_763, %dma_wait3A_764] : memref<12x64x128xf32, #tpu.memory_space<vmem>> -> memref<1x64x128xf32, #tpu.memory_space<vmem>>
    %dma_wait3A_766 = tpu.memref_squeeze %dma_wait3A_765 : memref<1x64x128xf32, #tpu.memory_space<vmem>> -> memref<64x128xf32, #tpu.memory_space<vmem>>
    tpu.wait_dma2 semaphore(%arg10 : memref<!tpu.dma_semaphore, #tpu.memory_space<semaphore_mem>>) src(%dma_wait3A_766 : memref<64x128xf32, #tpu.memory_space<vmem>>) dst(%dma_wait3A_762 : memref<64x128xf32, #tpu.memory_space<hbm>>)
    %dma_wait3A_767 = arith.constant 3 : i32
    %dma_wait3A_768 = arith.constant 3 : i32
    %dma_wait3A_769 = arith.constant 0 : i32
    %dma_wait3A_770 = arith.constant 0 : i32
    %dma_wait3A_771 = tpu.memref_slice %arg8[%dma_wait3A_767, %dma_wait3A_769, %dma_wait3A_770] : memref<12x64x128xf32, #tpu.memory_space<vmem>> -> memref<1x64x128xf32, #tpu.memory_space<vmem>>
    %dma_wait3A_772 = tpu.memref_squeeze %dma_wait3A_771 : memref<1x64x128xf32, #tpu.memory_space<vmem>> -> memref<64x128xf32, #tpu.memory_space<vmem>>
    %dma_wait3A_773 = arith.constant 0 : i32
    %dma_wait3A_774 = tpu.memref_slice %arg5[%dma_wait3A_768, %mul3A_2, %dma_wait3A_773] : memref<12x2048x128xf32, #tpu.memory_space<hbm>> -> memref<1x64x128xf32, #tpu.memory_space<hbm>>
    %dma_wait3A_775 = tpu.memref_squeeze %dma_wait3A_774 : memref<1x64x128xf32, #tpu.memory_space<hbm>> -> memref<64x128xf32, #tpu.memory_space<hbm>>
    %dma_wait3A_776 = arith.constant 0 : i32
    %dma_wait3A_777 = tpu.memref_slice %arg5[%dma_wait3A_768, %mul3A_2, %dma_wait3A_776] : memref<12x2048x128xf32, #tpu.memory_space<hbm>> -> memref<1x64x128xf32, #tpu.memory_space<hbm>>
    %dma_wait3A_778 = tpu.memref_squeeze %dma_wait3A_777 : memref<1x64x128xf32, #tpu.memory_space<hbm>> -> memref<64x128xf32, #tpu.memory_space<hbm>>
    %dma_wait3A_779 = arith.constant 0 : i32
    %dma_wait3A_780 = arith.constant 0 : i32
    %dma_wait3A_781 = tpu.memref_slice %arg8[%dma_wait3A_767, %dma_wait3A_779, %dma_wait3A_780] : memref<12x64x128xf32, #tpu.memory_space<vmem>> -> memref<1x64x128xf32, #tpu.memory_space<vmem>>
    %dma_wait3A_782 = tpu.memref_squeeze %dma_wait3A_781 : memref<1x64x128xf32, #tpu.memory_space<vmem>> -> memref<64x128xf32, #tpu.memory_space<vmem>>
    tpu.wait_dma2 semaphore(%arg10 : memref<!tpu.dma_semaphore, #tpu.memory_space<semaphore_mem>>) src(%dma_wait3A_782 : memref<64x128xf32, #tpu.memory_space<vmem>>) dst(%dma_wait3A_778 : memref<64x128xf32, #tpu.memory_space<hbm>>)
    %dma_wait3A_783 = arith.constant 4 : i32
    %dma_wait3A_784 = arith.constant 4 : i32
    %dma_wait3A_785 = arith.constant 0 : i32
    %dma_wait3A_786 = arith.constant 0 : i32
    %dma_wait3A_787 = tpu.memref_slice %arg8[%dma_wait3A_783, %dma_wait3A_785, %dma_wait3A_786] : memref<12x64x128xf32, #tpu.memory_space<vmem>> -> memref<1x64x128xf32, #tpu.memory_space<vmem>>
    %dma_wait3A_788 = tpu.memref_squeeze %dma_wait3A_787 : memref<1x64x128xf32, #tpu.memory_space<vmem>> -> memref<64x128xf32, #tpu.memory_space<vmem>>
    %dma_wait3A_789 = arith.constant 0 : i32
    %dma_wait3A_790 = tpu.memref_slice %arg5[%dma_wait3A_784, %mul3A_2, %dma_wait3A_789] : memref<12x2048x128xf32, #tpu.memory_space<hbm>> -> memref<1x64x128xf32, #tpu.memory_space<hbm>>
    %dma_wait3A_791 = tpu.memref_squeeze %dma_wait3A_790 : memref<1x64x128xf32, #tpu.memory_space<hbm>> -> memref<64x128xf32, #tpu.memory_space<hbm>>
    %dma_wait3A_792 = arith.constant 0 : i32
    %dma_wait3A_793 = tpu.memref_slice %arg5[%dma_wait3A_784, %mul3A_2, %dma_wait3A_792] : memref<12x2048x128xf32, #tpu.memory_space<hbm>> -> memref<1x64x128xf32, #tpu.memory_space<hbm>>
    %dma_wait3A_794 = tpu.memref_squeeze %dma_wait3A_793 : memref<1x64x128xf32, #tpu.memory_space<hbm>> -> memref<64x128xf32, #tpu.memory_space<hbm>>
    %dma_wait3A_795 = arith.constant 0 : i32
    %dma_wait3A_796 = arith.constant 0 : i32
    %dma_wait3A_797 = tpu.memref_slice %arg8[%dma_wait3A_783, %dma_wait3A_795, %dma_wait3A_796] : memref<12x64x128xf32, #tpu.memory_space<vmem>> -> memref<1x64x128xf32, #tpu.memory_space<vmem>>
    %dma_wait3A_798 = tpu.memref_squeeze %dma_wait3A_797 : memref<1x64x128xf32, #tpu.memory_space<vmem>> -> memref<64x128xf32, #tpu.memory_space<vmem>>
    tpu.wait_dma2 semaphore(%arg10 : memref<!tpu.dma_semaphore, #tpu.memory_space<semaphore_mem>>) src(%dma_wait3A_798 : memref<64x128xf32, #tpu.memory_space<vmem>>) dst(%dma_wait3A_794 : memref<64x128xf32, #tpu.memory_space<hbm>>)
    %dma_wait3A_799 = arith.constant 5 : i32
    %dma_wait3A_800 = arith.constant 5 : i32
    %dma_wait3A_801 = arith.constant 0 : i32
    %dma_wait3A_802 = arith.constant 0 : i32
    %dma_wait3A_803 = tpu.memref_slice %arg8[%dma_wait3A_799, %dma_wait3A_801, %dma_wait3A_802] : memref<12x64x128xf32, #tpu.memory_space<vmem>> -> memref<1x64x128xf32, #tpu.memory_space<vmem>>
    %dma_wait3A_804 = tpu.memref_squeeze %dma_wait3A_803 : memref<1x64x128xf32, #tpu.memory_space<vmem>> -> memref<64x128xf32, #tpu.memory_space<vmem>>
    %dma_wait3A_805 = arith.constant 0 : i32
    %dma_wait3A_806 = tpu.memref_slice %arg5[%dma_wait3A_800, %mul3A_2, %dma_wait3A_805] : memref<12x2048x128xf32, #tpu.memory_space<hbm>> -> memref<1x64x128xf32, #tpu.memory_space<hbm>>
    %dma_wait3A_807 = tpu.memref_squeeze %dma_wait3A_806 : memref<1x64x128xf32, #tpu.memory_space<hbm>> -> memref<64x128xf32, #tpu.memory_space<hbm>>
    %dma_wait3A_808 = arith.constant 0 : i32
    %dma_wait3A_809 = tpu.memref_slice %arg5[%dma_wait3A_800, %mul3A_2, %dma_wait3A_808] : memref<12x2048x128xf32, #tpu.memory_space<hbm>> -> memref<1x64x128xf32, #tpu.memory_space<hbm>>
    %dma_wait3A_810 = tpu.memref_squeeze %dma_wait3A_809 : memref<1x64x128xf32, #tpu.memory_space<hbm>> -> memref<64x128xf32, #tpu.memory_space<hbm>>
    %dma_wait3A_811 = arith.constant 0 : i32
    %dma_wait3A_812 = arith.constant 0 : i32
    %dma_wait3A_813 = tpu.memref_slice %arg8[%dma_wait3A_799, %dma_wait3A_811, %dma_wait3A_812] : memref<12x64x128xf32, #tpu.memory_space<vmem>> -> memref<1x64x128xf32, #tpu.memory_space<vmem>>
    %dma_wait3A_814 = tpu.memref_squeeze %dma_wait3A_813 : memref<1x64x128xf32, #tpu.memory_space<vmem>> -> memref<64x128xf32, #tpu.memory_space<vmem>>
    tpu.wait_dma2 semaphore(%arg10 : memref<!tpu.dma_semaphore, #tpu.memory_space<semaphore_mem>>) src(%dma_wait3A_814 : memref<64x128xf32, #tpu.memory_space<vmem>>) dst(%dma_wait3A_810 : memref<64x128xf32, #tpu.memory_space<hbm>>)
    %dma_wait3A_815 = arith.constant 6 : i32
    %dma_wait3A_816 = arith.constant 6 : i32
    %dma_wait3A_817 = arith.constant 0 : i32
    %dma_wait3A_818 = arith.constant 0 : i32
    %dma_wait3A_819 = tpu.memref_slice %arg8[%dma_wait3A_815, %dma_wait3A_817, %dma_wait3A_818] : memref<12x64x128xf32, #tpu.memory_space<vmem>> -> memref<1x64x128xf32, #tpu.memory_space<vmem>>
    %dma_wait3A_820 = tpu.memref_squeeze %dma_wait3A_819 : memref<1x64x128xf32, #tpu.memory_space<vmem>> -> memref<64x128xf32, #tpu.memory_space<vmem>>
    %dma_wait3A_821 = arith.constant 0 : i32
    %dma_wait3A_822 = tpu.memref_slice %arg5[%dma_wait3A_816, %mul3A_2, %dma_wait3A_821] : memref<12x2048x128xf32, #tpu.memory_space<hbm>> -> memref<1x64x128xf32, #tpu.memory_space<hbm>>
    %dma_wait3A_823 = tpu.memref_squeeze %dma_wait3A_822 : memref<1x64x128xf32, #tpu.memory_space<hbm>> -> memref<64x128xf32, #tpu.memory_space<hbm>>
    %dma_wait3A_824 = arith.constant 0 : i32
    %dma_wait3A_825 = tpu.memref_slice %arg5[%dma_wait3A_816, %mul3A_2, %dma_wait3A_824] : memref<12x2048x128xf32, #tpu.memory_space<hbm>> -> memref<1x64x128xf32, #tpu.memory_space<hbm>>
    %dma_wait3A_826 = tpu.memref_squeeze %dma_wait3A_825 : memref<1x64x128xf32, #tpu.memory_space<hbm>> -> memref<64x128xf32, #tpu.memory_space<hbm>>
    %dma_wait3A_827 = arith.constant 0 : i32
    %dma_wait3A_828 = arith.constant 0 : i32
    %dma_wait3A_829 = tpu.memref_slice %arg8[%dma_wait3A_815, %dma_wait3A_827, %dma_wait3A_828] : memref<12x64x128xf32, #tpu.memory_space<vmem>> -> memref<1x64x128xf32, #tpu.memory_space<vmem>>
    %dma_wait3A_830 = tpu.memref_squeeze %dma_wait3A_829 : memref<1x64x128xf32, #tpu.memory_space<vmem>> -> memref<64x128xf32, #tpu.memory_space<vmem>>
    tpu.wait_dma2 semaphore(%arg10 : memref<!tpu.dma_semaphore, #tpu.memory_space<semaphore_mem>>) src(%dma_wait3A_830 : memref<64x128xf32, #tpu.memory_space<vmem>>) dst(%dma_wait3A_826 : memref<64x128xf32, #tpu.memory_space<hbm>>)
    %dma_wait3A_831 = arith.constant 7 : i32
    %dma_wait3A_832 = arith.constant 7 : i32
    %dma_wait3A_833 = arith.constant 0 : i32
    %dma_wait3A_834 = arith.constant 0 : i32
    %dma_wait3A_835 = tpu.memref_slice %arg8[%dma_wait3A_831, %dma_wait3A_833, %dma_wait3A_834] : memref<12x64x128xf32, #tpu.memory_space<vmem>> -> memref<1x64x128xf32, #tpu.memory_space<vmem>>
    %dma_wait3A_836 = tpu.memref_squeeze %dma_wait3A_835 : memref<1x64x128xf32, #tpu.memory_space<vmem>> -> memref<64x128xf32, #tpu.memory_space<vmem>>
    %dma_wait3A_837 = arith.constant 0 : i32
    %dma_wait3A_838 = tpu.memref_slice %arg5[%dma_wait3A_832, %mul3A_2, %dma_wait3A_837] : memref<12x2048x128xf32, #tpu.memory_space<hbm>> -> memref<1x64x128xf32, #tpu.memory_space<hbm>>
    %dma_wait3A_839 = tpu.memref_squeeze %dma_wait3A_838 : memref<1x64x128xf32, #tpu.memory_space<hbm>> -> memref<64x128xf32, #tpu.memory_space<hbm>>
    %dma_wait3A_840 = arith.constant 0 : i32
    %dma_wait3A_841 = tpu.memref_slice %arg5[%dma_wait3A_832, %mul3A_2, %dma_wait3A_840] : memref<12x2048x128xf32, #tpu.memory_space<hbm>> -> memref<1x64x128xf32, #tpu.memory_space<hbm>>
    %dma_wait3A_842 = tpu.memref_squeeze %dma_wait3A_841 : memref<1x64x128xf32, #tpu.memory_space<hbm>> -> memref<64x128xf32, #tpu.memory_space<hbm>>
    %dma_wait3A_843 = arith.constant 0 : i32
    %dma_wait3A_844 = arith.constant 0 : i32
    %dma_wait3A_845 = tpu.memref_slice %arg8[%dma_wait3A_831, %dma_wait3A_843, %dma_wait3A_844] : memref<12x64x128xf32, #tpu.memory_space<vmem>> -> memref<1x64x128xf32, #tpu.memory_space<vmem>>
    %dma_wait3A_846 = tpu.memref_squeeze %dma_wait3A_845 : memref<1x64x128xf32, #tpu.memory_space<vmem>> -> memref<64x128xf32, #tpu.memory_space<vmem>>
    tpu.wait_dma2 semaphore(%arg10 : memref<!tpu.dma_semaphore, #tpu.memory_space<semaphore_mem>>) src(%dma_wait3A_846 : memref<64x128xf32, #tpu.memory_space<vmem>>) dst(%dma_wait3A_842 : memref<64x128xf32, #tpu.memory_space<hbm>>)
    %dma_wait3A_847 = arith.constant 8 : i32
    %dma_wait3A_848 = arith.constant 8 : i32
    %dma_wait3A_849 = arith.constant 0 : i32
    %dma_wait3A_850 = arith.constant 0 : i32
    %dma_wait3A_851 = tpu.memref_slice %arg8[%dma_wait3A_847, %dma_wait3A_849, %dma_wait3A_850] : memref<12x64x128xf32, #tpu.memory_space<vmem>> -> memref<1x64x128xf32, #tpu.memory_space<vmem>>
    %dma_wait3A_852 = tpu.memref_squeeze %dma_wait3A_851 : memref<1x64x128xf32, #tpu.memory_space<vmem>> -> memref<64x128xf32, #tpu.memory_space<vmem>>
    %dma_wait3A_853 = arith.constant 0 : i32
    %dma_wait3A_854 = tpu.memref_slice %arg5[%dma_wait3A_848, %mul3A_2, %dma_wait3A_853] : memref<12x2048x128xf32, #tpu.memory_space<hbm>> -> memref<1x64x128xf32, #tpu.memory_space<hbm>>
    %dma_wait3A_855 = tpu.memref_squeeze %dma_wait3A_854 : memref<1x64x128xf32, #tpu.memory_space<hbm>> -> memref<64x128xf32, #tpu.memory_space<hbm>>
    %dma_wait3A_856 = arith.constant 0 : i32
    %dma_wait3A_857 = tpu.memref_slice %arg5[%dma_wait3A_848, %mul3A_2, %dma_wait3A_856] : memref<12x2048x128xf32, #tpu.memory_space<hbm>> -> memref<1x64x128xf32, #tpu.memory_space<hbm>>
    %dma_wait3A_858 = tpu.memref_squeeze %dma_wait3A_857 : memref<1x64x128xf32, #tpu.memory_space<hbm>> -> memref<64x128xf32, #tpu.memory_space<hbm>>
    %dma_wait3A_859 = arith.constant 0 : i32
    %dma_wait3A_860 = arith.constant 0 : i32
    %dma_wait3A_861 = tpu.memref_slice %arg8[%dma_wait3A_847, %dma_wait3A_859, %dma_wait3A_860] : memref<12x64x128xf32, #tpu.memory_space<vmem>> -> memref<1x64x128xf32, #tpu.memory_space<vmem>>
    %dma_wait3A_862 = tpu.memref_squeeze %dma_wait3A_861 : memref<1x64x128xf32, #tpu.memory_space<vmem>> -> memref<64x128xf32, #tpu.memory_space<vmem>>
    tpu.wait_dma2 semaphore(%arg10 : memref<!tpu.dma_semaphore, #tpu.memory_space<semaphore_mem>>) src(%dma_wait3A_862 : memref<64x128xf32, #tpu.memory_space<vmem>>) dst(%dma_wait3A_858 : memref<64x128xf32, #tpu.memory_space<hbm>>)
    %dma_wait3A_863 = arith.constant 9 : i32
    %dma_wait3A_864 = arith.constant 9 : i32
    %dma_wait3A_865 = arith.constant 0 : i32
    %dma_wait3A_866 = arith.constant 0 : i32
    %dma_wait3A_867 = tpu.memref_slice %arg8[%dma_wait3A_863, %dma_wait3A_865, %dma_wait3A_866] : memref<12x64x128xf32, #tpu.memory_space<vmem>> -> memref<1x64x128xf32, #tpu.memory_space<vmem>>
    %dma_wait3A_868 = tpu.memref_squeeze %dma_wait3A_867 : memref<1x64x128xf32, #tpu.memory_space<vmem>> -> memref<64x128xf32, #tpu.memory_space<vmem>>
    %dma_wait3A_869 = arith.constant 0 : i32
    %dma_wait3A_870 = tpu.memref_slice %arg5[%dma_wait3A_864, %mul3A_2, %dma_wait3A_869] : memref<12x2048x128xf32, #tpu.memory_space<hbm>> -> memref<1x64x128xf32, #tpu.memory_space<hbm>>
    %dma_wait3A_871 = tpu.memref_squeeze %dma_wait3A_870 : memref<1x64x128xf32, #tpu.memory_space<hbm>> -> memref<64x128xf32, #tpu.memory_space<hbm>>
    %dma_wait3A_872 = arith.constant 0 : i32
    %dma_wait3A_873 = tpu.memref_slice %arg5[%dma_wait3A_864, %mul3A_2, %dma_wait3A_872] : memref<12x2048x128xf32, #tpu.memory_space<hbm>> -> memref<1x64x128xf32, #tpu.memory_space<hbm>>
    %dma_wait3A_874 = tpu.memref_squeeze %dma_wait3A_873 : memref<1x64x128xf32, #tpu.memory_space<hbm>> -> memref<64x128xf32, #tpu.memory_space<hbm>>
    %dma_wait3A_875 = arith.constant 0 : i32
    %dma_wait3A_876 = arith.constant 0 : i32
    %dma_wait3A_877 = tpu.memref_slice %arg8[%dma_wait3A_863, %dma_wait3A_875, %dma_wait3A_876] : memref<12x64x128xf32, #tpu.memory_space<vmem>> -> memref<1x64x128xf32, #tpu.memory_space<vmem>>
    %dma_wait3A_878 = tpu.memref_squeeze %dma_wait3A_877 : memref<1x64x128xf32, #tpu.memory_space<vmem>> -> memref<64x128xf32, #tpu.memory_space<vmem>>
    tpu.wait_dma2 semaphore(%arg10 : memref<!tpu.dma_semaphore, #tpu.memory_space<semaphore_mem>>) src(%dma_wait3A_878 : memref<64x128xf32, #tpu.memory_space<vmem>>) dst(%dma_wait3A_874 : memref<64x128xf32, #tpu.memory_space<hbm>>)
    %dma_wait3A_879 = arith.constant 10 : i32
    %dma_wait3A_880 = arith.constant 10 : i32
    %dma_wait3A_881 = arith.constant 0 : i32
    %dma_wait3A_882 = arith.constant 0 : i32
    %dma_wait3A_883 = tpu.memref_slice %arg8[%dma_wait3A_879, %dma_wait3A_881, %dma_wait3A_882] : memref<12x64x128xf32, #tpu.memory_space<vmem>> -> memref<1x64x128xf32, #tpu.memory_space<vmem>>
    %dma_wait3A_884 = tpu.memref_squeeze %dma_wait3A_883 : memref<1x64x128xf32, #tpu.memory_space<vmem>> -> memref<64x128xf32, #tpu.memory_space<vmem>>
    %dma_wait3A_885 = arith.constant 0 : i32
    %dma_wait3A_886 = tpu.memref_slice %arg5[%dma_wait3A_880, %mul3A_2, %dma_wait3A_885] : memref<12x2048x128xf32, #tpu.memory_space<hbm>> -> memref<1x64x128xf32, #tpu.memory_space<hbm>>
    %dma_wait3A_887 = tpu.memref_squeeze %dma_wait3A_886 : memref<1x64x128xf32, #tpu.memory_space<hbm>> -> memref<64x128xf32, #tpu.memory_space<hbm>>
    %dma_wait3A_888 = arith.constant 0 : i32
    %dma_wait3A_889 = tpu.memref_slice %arg5[%dma_wait3A_880, %mul3A_2, %dma_wait3A_888] : memref<12x2048x128xf32, #tpu.memory_space<hbm>> -> memref<1x64x128xf32, #tpu.memory_space<hbm>>
    %dma_wait3A_890 = tpu.memref_squeeze %dma_wait3A_889 : memref<1x64x128xf32, #tpu.memory_space<hbm>> -> memref<64x128xf32, #tpu.memory_space<hbm>>
    %dma_wait3A_891 = arith.constant 0 : i32
    %dma_wait3A_892 = arith.constant 0 : i32
    %dma_wait3A_893 = tpu.memref_slice %arg8[%dma_wait3A_879, %dma_wait3A_891, %dma_wait3A_892] : memref<12x64x128xf32, #tpu.memory_space<vmem>> -> memref<1x64x128xf32, #tpu.memory_space<vmem>>
    %dma_wait3A_894 = tpu.memref_squeeze %dma_wait3A_893 : memref<1x64x128xf32, #tpu.memory_space<vmem>> -> memref<64x128xf32, #tpu.memory_space<vmem>>
    tpu.wait_dma2 semaphore(%arg10 : memref<!tpu.dma_semaphore, #tpu.memory_space<semaphore_mem>>) src(%dma_wait3A_894 : memref<64x128xf32, #tpu.memory_space<vmem>>) dst(%dma_wait3A_890 : memref<64x128xf32, #tpu.memory_space<hbm>>)
    %dma_wait3A_895 = arith.constant 11 : i32
    %dma_wait3A_896 = arith.constant 11 : i32
    %dma_wait3A_897 = arith.constant 0 : i32
    %dma_wait3A_898 = arith.constant 0 : i32
    %dma_wait3A_899 = tpu.memref_slice %arg8[%dma_wait3A_895, %dma_wait3A_897, %dma_wait3A_898] : memref<12x64x128xf32, #tpu.memory_space<vmem>> -> memref<1x64x128xf32, #tpu.memory_space<vmem>>
    %dma_wait3A_900 = tpu.memref_squeeze %dma_wait3A_899 : memref<1x64x128xf32, #tpu.memory_space<vmem>> -> memref<64x128xf32, #tpu.memory_space<vmem>>
    %dma_wait3A_901 = arith.constant 0 : i32
    %dma_wait3A_902 = tpu.memref_slice %arg5[%dma_wait3A_896, %mul3A_2, %dma_wait3A_901] : memref<12x2048x128xf32, #tpu.memory_space<hbm>> -> memref<1x64x128xf32, #tpu.memory_space<hbm>>
    %dma_wait3A_903 = tpu.memref_squeeze %dma_wait3A_902 : memref<1x64x128xf32, #tpu.memory_space<hbm>> -> memref<64x128xf32, #tpu.memory_space<hbm>>
    %dma_wait3A_904 = arith.constant 0 : i32
    %dma_wait3A_905 = tpu.memref_slice %arg5[%dma_wait3A_896, %mul3A_2, %dma_wait3A_904] : memref<12x2048x128xf32, #tpu.memory_space<hbm>> -> memref<1x64x128xf32, #tpu.memory_space<hbm>>
    %dma_wait3A_906 = tpu.memref_squeeze %dma_wait3A_905 : memref<1x64x128xf32, #tpu.memory_space<hbm>> -> memref<64x128xf32, #tpu.memory_space<hbm>>
    %dma_wait3A_907 = arith.constant 0 : i32
    %dma_wait3A_908 = arith.constant 0 : i32
    %dma_wait3A_909 = tpu.memref_slice %arg8[%dma_wait3A_895, %dma_wait3A_907, %dma_wait3A_908] : memref<12x64x128xf32, #tpu.memory_space<vmem>> -> memref<1x64x128xf32, #tpu.memory_space<vmem>>
    %dma_wait3A_910 = tpu.memref_squeeze %dma_wait3A_909 : memref<1x64x128xf32, #tpu.memory_space<vmem>> -> memref<64x128xf32, #tpu.memory_space<vmem>>
    tpu.wait_dma2 semaphore(%arg10 : memref<!tpu.dma_semaphore, #tpu.memory_space<semaphore_mem>>) src(%dma_wait3A_910 : memref<64x128xf32, #tpu.memory_space<vmem>>) dst(%dma_wait3A_906 : memref<64x128xf32, #tpu.memory_space<hbm>>)
    return
  }
}

module attributes {stable_mosaic.version = 14 : i64} {
  func.func @_gi_kernel(%arg0: i32, %arg1: memref<256x768xf32, #tpu.memory_space<vmem>>, %arg2: memref<768x2304xf32, #tpu.memory_space<vmem>>, %arg3: memref<2304xf32, #tpu.memory_space<vmem>>, %arg4: memref<2304xf32, #tpu.memory_space<vmem>>, %arg5: memref<2304xf32, #tpu.memory_space<vmem>>, %arg6: memref<256x2304xf32, #tpu.memory_space<vmem>>) attributes {dimension_semantics = [#tpu.dimension_semantics<arbitrary>], iteration_bounds = array<i64: 8>, scalar_prefetch = 0 : i64, scratch_operands = 0 : i64, tpu.core_type = #tpu.core_type<tc>, window_params = [{transform_indices = @transform_0, window_bounds = array<i64: 256, 768>}, {pipeline_mode = #tpu.pipeline_mode<synchronous>, transform_indices = @transform_1, window_bounds = array<i64: 768, 2304>}, {pipeline_mode = #tpu.pipeline_mode<synchronous>, transform_indices = @transform_2, window_bounds = array<i64: 2304>}, {pipeline_mode = #tpu.pipeline_mode<synchronous>, transform_indices = @transform_3, window_bounds = array<i64: 2304>}, {pipeline_mode = #tpu.pipeline_mode<synchronous>, transform_indices = @transform_4, window_bounds = array<i64: 2304>}, {transform_indices = @transform_5, window_bounds = array<i64: 256, 2304>}]} {
    %get3A = arith.constant 0 : index
    %get3A_0 = arith.constant 0 : index
    %get3A_1 = vector.load %arg1[%get3A, %get3A_0] : memref<256x768xf32, #tpu.memory_space<vmem>>, vector<256x768xf32>
    %get3A_2 = arith.constant 0 : index
    %get3A_3 = arith.constant 0 : index
    %get3A_4 = vector.load %arg2[%get3A_2, %get3A_3] : memref<768x2304xf32, #tpu.memory_space<vmem>>, vector<768x2304xf32>
    %dot_general3A = arith.constant dense<0.000000e+00> : vector<256x2304xf32>
    %dot_general3A_5 = tpu.matmul %get3A_1, %get3A_4, %dot_general3A {dimension_numbers = #tpu.dot_dimension_numbers<[1], [0], [0], [1], [0, 0, 1, 1], [], []>, transpose_lhs_hint = false} : vector<256x768xf32>, vector<768x2304xf32>, vector<256x2304xf32> -> vector<256x2304xf32>
    %get3A_6 = arith.constant 0 : index
    %get3A_7 = vector.load %arg3[%get3A_6] : memref<2304xf32, #tpu.memory_space<vmem>>, vector<2304xf32>
    %broadcast_in_dim3A = vector.shape_cast %get3A_7 : vector<2304xf32> to vector<1x2304xf32>
    %add3A = vector.broadcast %broadcast_in_dim3A : vector<1x2304xf32> to vector<256x2304xf32>
    %add3A_8 = arith.addf %dot_general3A_5, %add3A : vector<256x2304xf32>
    %get3A_9 = arith.constant 0 : index
    %get3A_10 = vector.load %arg4[%get3A_9] : memref<2304xf32, #tpu.memory_space<vmem>>, vector<2304xf32>
    %get3A_11 = arith.constant 0 : index
    %get3A_12 = vector.load %arg5[%get3A_11] : memref<2304xf32, #tpu.memory_space<vmem>>, vector<2304xf32>
    %reduce_sum3A = arith.constant dense<0.000000e+00> : vector<256xf32>
    %reduce_sum3A_13 = vector.multi_reduction <add>, %add3A_8, %reduce_sum3A [1] : vector<256x2304xf32> to vector<256xf32>
    %broadcast_in_dim3A_14 = vector.shape_cast %reduce_sum3A_13 : vector<256xf32> to vector<256x1xf32>
    %div3A = arith.constant 2.304000e+03 : f32
    %div3A_15 = vector.broadcast %div3A : f32 to vector<256x1xf32>
    %div3A_16 = arith.divf %broadcast_in_dim3A_14, %div3A_15 : vector<256x1xf32>
    %sub3A = vector.broadcast %div3A_16 : vector<256x1xf32> to vector<256x2304xf32>
    %sub3A_17 = arith.subf %add3A_8, %sub3A : vector<256x2304xf32>
    %sub3A_18 = vector.broadcast %div3A_16 : vector<256x1xf32> to vector<256x2304xf32>
    %sub3A_19 = arith.subf %add3A_8, %sub3A_18 : vector<256x2304xf32>
    %mul3A = arith.mulf %sub3A_17, %sub3A_19 : vector<256x2304xf32>
    %reduce_sum3A_20 = arith.constant dense<0.000000e+00> : vector<256xf32>
    %reduce_sum3A_21 = vector.multi_reduction <add>, %mul3A, %reduce_sum3A_20 [1] : vector<256x2304xf32> to vector<256xf32>
    %broadcast_in_dim3A_22 = vector.shape_cast %reduce_sum3A_21 : vector<256xf32> to vector<256x1xf32>
    %div3A_23 = arith.constant 2.304000e+03 : f32
    %div3A_24 = vector.broadcast %div3A_23 : f32 to vector<256x1xf32>
    %div3A_25 = arith.divf %broadcast_in_dim3A_22, %div3A_24 : vector<256x1xf32>
    %sub3A_26 = vector.broadcast %div3A_16 : vector<256x1xf32> to vector<256x2304xf32>
    %sub3A_27 = arith.subf %add3A_8, %sub3A_26 : vector<256x2304xf32>
    %add3A_28 = arith.constant 9.99999974E-6 : f32
    %add3A_29 = vector.broadcast %add3A_28 : f32 to vector<256x1xf32>
    %add3A_30 = arith.addf %div3A_25, %add3A_29 : vector<256x1xf32>
    %sqrt3A = math.sqrt %add3A_30 : vector<256x1xf32>
    %div3A_31 = vector.broadcast %sqrt3A : vector<256x1xf32> to vector<256x2304xf32>
    %div3A_32 = arith.divf %sub3A_27, %div3A_31 : vector<256x2304xf32>
    %broadcast_in_dim3A_33 = vector.shape_cast %get3A_10 : vector<2304xf32> to vector<1x2304xf32>
    %mul3A_34 = vector.broadcast %broadcast_in_dim3A_33 : vector<1x2304xf32> to vector<256x2304xf32>
    %mul3A_35 = arith.mulf %div3A_32, %mul3A_34 : vector<256x2304xf32>
    %broadcast_in_dim3A_36 = vector.shape_cast %get3A_12 : vector<2304xf32> to vector<1x2304xf32>
    %add3A_37 = vector.broadcast %broadcast_in_dim3A_36 : vector<1x2304xf32> to vector<256x2304xf32>
    %add3A_38 = arith.addf %mul3A_35, %add3A_37 : vector<256x2304xf32>
    %swap3A = arith.constant 0 : index
    %swap3A_39 = arith.constant 0 : index
    %swap3A_40 = vector.load %arg6[%swap3A, %swap3A_39] : memref<256x2304xf32, #tpu.memory_space<vmem>>, vector<256x2304xf32>
    tpu.vector_store %arg6[%swap3A, %swap3A_39], %add3A_38 {strides = array<i32>} : memref<256x2304xf32, #tpu.memory_space<vmem>>, vector<256x2304xf32>,
    return
  }
  func.func @transform_0(%arg0: i32) -> (i32, i32) {
    %c0_i32 = arith.constant 0 : i32
    %c0_i32_0 = arith.constant 0 : i32
    return %arg0, %c0_i32 : i32, i32
  }
  func.func @transform_1(%arg0: i32) -> (i32, i32) {
    %c0_i32 = arith.constant 0 : i32
    %c0_i32_0 = arith.constant 0 : i32
    %c0_i32_1 = arith.constant 0 : i32
    return %c0_i32, %c0_i32_0 : i32, i32
  }
  func.func @transform_2(%arg0: i32) -> i32 {
    %c0_i32 = arith.constant 0 : i32
    %c0_i32_0 = arith.constant 0 : i32
    return %c0_i32 : i32
  }
  func.func @transform_3(%arg0: i32) -> i32 {
    %c0_i32 = arith.constant 0 : i32
    %c0_i32_0 = arith.constant 0 : i32
    return %c0_i32 : i32
  }
  func.func @transform_4(%arg0: i32) -> i32 {
    %c0_i32 = arith.constant 0 : i32
    %c0_i32_0 = arith.constant 0 : i32
    return %c0_i32 : i32
  }
  func.func @transform_5(%arg0: i32) -> (i32, i32) {
    %c0_i32 = arith.constant 0 : i32
    %c0_i32_0 = arith.constant 0 : i32
    return %arg0, %c0_i32 : i32, i32
  }
}

module attributes {stable_mosaic.version = 14 : i64} {
  func.func @_mlp_kernel(%arg0: i32, %arg1: memref<256x768xf32, #tpu.memory_space<vmem>>, %arg2: memref<768x768xf32, #tpu.memory_space<vmem>>, %arg3: memref<768xf32, #tpu.memory_space<vmem>>, %arg4: memref<768x128xf32, #tpu.memory_space<vmem>>, %arg5: memref<128xf32, #tpu.memory_space<vmem>>, %arg6: memref<256x128xf32, #tpu.memory_space<vmem>>) attributes {dimension_semantics = [#tpu.dimension_semantics<arbitrary>], iteration_bounds = array<i64: 8>, scalar_prefetch = 0 : i64, scratch_operands = 0 : i64, tpu.core_type = #tpu.core_type<tc>, window_params = [{transform_indices = @transform_0, window_bounds = array<i64: 256, 768>}, {pipeline_mode = #tpu.pipeline_mode<synchronous>, transform_indices = @transform_1, window_bounds = array<i64: 768, 768>}, {pipeline_mode = #tpu.pipeline_mode<synchronous>, transform_indices = @transform_2, window_bounds = array<i64: 768>}, {pipeline_mode = #tpu.pipeline_mode<synchronous>, transform_indices = @transform_3, window_bounds = array<i64: 768, 128>}, {pipeline_mode = #tpu.pipeline_mode<synchronous>, transform_indices = @transform_4, window_bounds = array<i64: 128>}, {transform_indices = @transform_5, window_bounds = array<i64: 256, 128>}]} {
    %get3A = arith.constant 0 : index
    %get3A_0 = arith.constant 0 : index
    %get3A_1 = vector.load %arg1[%get3A, %get3A_0] : memref<256x768xf32, #tpu.memory_space<vmem>>, vector<256x768xf32>
    %get3A_2 = arith.constant 0 : index
    %get3A_3 = arith.constant 0 : index
    %get3A_4 = vector.load %arg2[%get3A_2, %get3A_3] : memref<768x768xf32, #tpu.memory_space<vmem>>, vector<768x768xf32>
    %dot_general3A = arith.constant dense<0.000000e+00> : vector<256x768xf32>
    %dot_general3A_5 = tpu.matmul %get3A_1, %get3A_4, %dot_general3A {dimension_numbers = #tpu.dot_dimension_numbers<[1], [0], [0], [1], [0, 0, 1, 1], [], []>, transpose_lhs_hint = false} : vector<256x768xf32>, vector<768x768xf32>, vector<256x768xf32> -> vector<256x768xf32>
    %get3A_6 = arith.constant 0 : index
    %get3A_7 = vector.load %arg3[%get3A_6] : memref<768xf32, #tpu.memory_space<vmem>>, vector<768xf32>
    %broadcast_in_dim3A = vector.shape_cast %get3A_7 : vector<768xf32> to vector<1x768xf32>
    %add3A = vector.broadcast %broadcast_in_dim3A : vector<1x768xf32> to vector<256x768xf32>
    %add3A_8 = arith.addf %dot_general3A_5, %add3A : vector<256x768xf32>
    %mul3A = arith.constant 5.000000e-01 : f32
    %mul3A_9 = vector.broadcast %mul3A : f32 to vector<256x768xf32>
    %mul3A_10 = arith.mulf %mul3A_9, %add3A_8 : vector<256x768xf32>
    %mul3A_11 = arith.constant 0.707106769 : f32
    %mul3A_12 = vector.broadcast %mul3A_11 : f32 to vector<256x768xf32>
    %mul3A_13 = arith.mulf %add3A_8, %mul3A_12 : vector<256x768xf32>
    %erf3A = math.erf %mul3A_13 : vector<256x768xf32>
    %add3A_14 = arith.constant 1.000000e+00 : f32
    %add3A_15 = vector.broadcast %add3A_14 : f32 to vector<256x768xf32>
    %add3A_16 = arith.addf %add3A_15, %erf3A : vector<256x768xf32>
    %mul3A_17 = arith.mulf %mul3A_10, %add3A_16 : vector<256x768xf32>
    %get3A_18 = arith.constant 0 : index
    %get3A_19 = arith.constant 0 : index
    %get3A_20 = vector.load %arg4[%get3A_18, %get3A_19] : memref<768x128xf32, #tpu.memory_space<vmem>>, vector<768x128xf32>
    %dot_general3A_21 = arith.constant dense<0.000000e+00> : vector<256x128xf32>
    %dot_general3A_22 = tpu.matmul %mul3A_17, %get3A_20, %dot_general3A_21 {dimension_numbers = #tpu.dot_dimension_numbers<[1], [0], [0], [1], [0, 0, 1, 1], [], []>, transpose_lhs_hint = false} : vector<256x768xf32>, vector<768x128xf32>, vector<256x128xf32> -> vector<256x128xf32>
    %get3A_23 = arith.constant 0 : index
    %get3A_24 = vector.load %arg5[%get3A_23] : memref<128xf32, #tpu.memory_space<vmem>>, vector<128xf32>
    %broadcast_in_dim3A_25 = vector.shape_cast %get3A_24 : vector<128xf32> to vector<1x128xf32>
    %add3A_26 = vector.broadcast %broadcast_in_dim3A_25 : vector<1x128xf32> to vector<256x128xf32>
    %add3A_27 = arith.addf %dot_general3A_22, %add3A_26 : vector<256x128xf32>
    %swap3A = arith.constant 0 : index
    %swap3A_28 = arith.constant 0 : index
    %swap3A_29 = vector.load %arg6[%swap3A, %swap3A_28] : memref<256x128xf32, #tpu.memory_space<vmem>>, vector<256x128xf32>
    tpu.vector_store %arg6[%swap3A, %swap3A_28], %add3A_27 {strides = array<i32>} : memref<256x128xf32, #tpu.memory_space<vmem>>, vector<256x128xf32>,
    return
  }
  func.func @transform_0(%arg0: i32) -> (i32, i32) {
    %c0_i32 = arith.constant 0 : i32
    %c0_i32_0 = arith.constant 0 : i32
    return %arg0, %c0_i32 : i32, i32
  }
  func.func @transform_1(%arg0: i32) -> (i32, i32) {
    %c0_i32 = arith.constant 0 : i32
    %c0_i32_0 = arith.constant 0 : i32
    %c0_i32_1 = arith.constant 0 : i32
    return %c0_i32, %c0_i32_0 : i32, i32
  }
  func.func @transform_2(%arg0: i32) -> i32 {
    %c0_i32 = arith.constant 0 : i32
    %c0_i32_0 = arith.constant 0 : i32
    return %c0_i32 : i32
  }
  func.func @transform_3(%arg0: i32) -> (i32, i32) {
    %c0_i32 = arith.constant 0 : i32
    %c0_i32_0 = arith.constant 0 : i32
    %c0_i32_1 = arith.constant 0 : i32
    return %c0_i32, %c0_i32_0 : i32, i32
  }
  func.func @transform_4(%arg0: i32) -> i32 {
    %c0_i32 = arith.constant 0 : i32
    %c0_i32_0 = arith.constant 0 : i32
    return %c0_i32 : i32
  }
  func.func @transform_5(%arg0: i32) -> (i32, i32) {
    %c0_i32 = arith.constant 0 : i32
    %c0_i32_0 = arith.constant 0 : i32
    return %arg0, %c0_i32 : i32, i32
  }
}

module attributes {stable_mosaic.version = 14 : i64} {
  func.func @_gru_kernel(%arg0: i32, %arg1: memref<256x2304xf32, #tpu.memory_space<vmem>>, %arg2: memref<2048xi32, #tpu.memory_space<smem>>, %arg3: memref<768x2304xf32, #tpu.memory_space<vmem>>, %arg4: memref<2304xf32, #tpu.memory_space<vmem>>, %arg5: memref<2304xf32, #tpu.memory_space<vmem>>, %arg6: memref<2304xf32, #tpu.memory_space<vmem>>, %arg7: memref<256x768xf32, #tpu.memory_space<vmem>>, %arg8: memref<2056x768xf32, #tpu.memory_space<vmem>>, %arg9: memref<64x768xf32, #tpu.memory_space<vmem>>) attributes {dimension_semantics = [#tpu.dimension_semantics<arbitrary>], iteration_bounds = array<i64: 8>, scalar_prefetch = 0 : i64, scratch_operands = 2 : i64, tpu.core_type = #tpu.core_type<tc>, window_params = [{transform_indices = @transform_0, window_bounds = array<i64: 256, 2304>}, {transform_indices = @transform_1, window_bounds = array<i64: 2048>}, {pipeline_mode = #tpu.pipeline_mode<synchronous>, transform_indices = @transform_2, window_bounds = array<i64: 768, 2304>}, {pipeline_mode = #tpu.pipeline_mode<synchronous>, transform_indices = @transform_3, window_bounds = array<i64: 2304>}, {pipeline_mode = #tpu.pipeline_mode<synchronous>, transform_indices = @transform_4, window_bounds = array<i64: 2304>}, {pipeline_mode = #tpu.pipeline_mode<synchronous>, transform_indices = @transform_5, window_bounds = array<i64: 2304>}, {transform_indices = @transform_6, window_bounds = array<i64: 256, 768>}]} {
    %eq3A = arith.constant 0 : i32
    %eq3A_0 = arith.cmpi eq, %arg0, %eq3A : i32
    %convert_element_type3A = arith.extui %eq3A_0 : i1 to i32
    %cond3A = arith.constant 0 : i32
    %cond3A_1 = arith.cmpi ne, %convert_element_type3A, %cond3A : i32
    scf.if %cond3A_1 {
      %broadcast_in_dim3A = arith.constant 0.000000e+00 : f32
      %broadcast_in_dim3A_11 = vector.broadcast %broadcast_in_dim3A : f32 to vector<8x768xf32>
      %swap3A_12 = arith.constant 2048 : index
      %swap3A_13 = arith.constant 0 : index
      %swap3A_14 = vector.load %arg8[%swap3A_12, %swap3A_13] : memref<2056x768xf32, #tpu.memory_space<vmem>>, vector<8x768xf32>
      tpu.vector_store %arg8[%swap3A_12, %swap3A_13], %broadcast_in_dim3A_11 {strides = array<i32>} : memref<2056x768xf32, #tpu.memory_space<vmem>>, vector<8x768xf32>,
    } else {
    }
    %scan3A = arith.constant 0 : i32
    %scan3A_2 = arith.constant 4 : i32
    %scan3A_3 = arith.addi %scan3A, %scan3A_2 : i32
    %scan3A_4 = arith.constant 1 : i32
    scf.for %scan3A_11 = %scan3A to %scan3A_3 step %scan3A_4  : i32 {
      %mul3A_12 = arith.constant 256 : i32
      %mul3A_13 = arith.muli %arg0, %mul3A_12 : i32
      %mul3A_14 = arith.constant 64 : i32
      %mul3A_15 = arith.muli %scan3A_11, %mul3A_14 : i32
      %add3A = arith.addi %mul3A_13, %mul3A_15 : i32
      %mul3A_16 = arith.constant 64 : i32
      %mul3A_17 = arith.muli %scan3A_11, %mul3A_16 : i32
      %scan3A_18 = arith.constant 0 : i32
      %scan3A_19 = arith.constant 64 : i32
      %scan3A_20 = arith.addi %scan3A_18, %scan3A_19 : i32
      %scan3A_21 = arith.constant 8 : i32
      scf.for %scan3A_102 = %scan3A_18 to %scan3A_20 step %scan3A_21  : i32 {
        %add3A_103 = arith.addi %add3A, %scan3A_102 : i32
        %get3A_104 = arith.index_cast %add3A_103 : i32 to index
        %get3A_105 = memref.load %arg2[%get3A_104] : memref<2048xi32, #tpu.memory_space<smem>>
        %lt3A = arith.cmpi slt, %get3A_105, %add3A_103 : i32
        %convert_element_type3A_106 = arith.extui %lt3A : i1 to i32
        %cond3A_107 = arith.constant 0 : i32
        %cond3A_108 = arith.cmpi ne, %convert_element_type3A_106, %cond3A_107 : i32
        scf.if %cond3A_108 {
          %get3A_203 = arith.index_cast %get3A_105 : i32 to index
          %get3A_204 = arith.constant 0 : index
          %get3A_205 = vector.load %arg8[%get3A_203, %get3A_204] : memref<2056x768xf32, #tpu.memory_space<vmem>>, vector<1x768xf32>
          %swap3A_206 = arith.index_cast %scan3A_102 : i32 to index
          %swap3A_207 = arith.constant 0 : index
          %swap3A_208 = vector.load %arg9[%swap3A_206, %swap3A_207] : memref<64x768xf32, #tpu.memory_space<vmem>>, vector<1x768xf32>
          tpu.vector_store %arg9[%swap3A_206, %swap3A_207], %get3A_205 {strides = array<i32>} : memref<64x768xf32, #tpu.memory_space<vmem>>, vector<1x768xf32>,
        } else {
        }
        %ge3A = arith.cmpi sge, %get3A_105, %add3A_103 : i32
        %convert_element_type3A_109 = arith.extui %ge3A : i1 to i32
        %cond3A_110 = arith.constant 0 : i32
        %cond3A_111 = arith.cmpi ne, %convert_element_type3A_109, %cond3A_110 : i32
        scf.if %cond3A_111 {
          %broadcast_in_dim3A_203 = arith.constant 0.000000e+00 : f32
          %broadcast_in_dim3A_204 = vector.broadcast %broadcast_in_dim3A_203 : f32 to vector<1x768xf32>
          %swap3A_205 = arith.index_cast %scan3A_102 : i32 to index
          %swap3A_206 = arith.constant 0 : index
          %swap3A_207 = vector.load %arg9[%swap3A_205, %swap3A_206] : memref<64x768xf32, #tpu.memory_space<vmem>>, vector<1x768xf32>
          tpu.vector_store %arg9[%swap3A_205, %swap3A_206], %broadcast_in_dim3A_204 {strides = array<i32>} : memref<64x768xf32, #tpu.memory_space<vmem>>, vector<1x768xf32>,
        } else {
        }
        %scan3A_112 = arith.constant 1 : i32
        %scan3A_113 = arith.addi %scan3A_102, %scan3A_112 : i32
        %add3A_114 = arith.addi %add3A, %scan3A_113 : i32
        %get3A_115 = arith.index_cast %add3A_114 : i32 to index
        %get3A_116 = memref.load %arg2[%get3A_115] : memref<2048xi32, #tpu.memory_space<smem>>
        %lt3A_117 = arith.cmpi slt, %get3A_116, %add3A_114 : i32
        %convert_element_type3A_118 = arith.extui %lt3A_117 : i1 to i32
        %cond3A_119 = arith.constant 0 : i32
        %cond3A_120 = arith.cmpi ne, %convert_element_type3A_118, %cond3A_119 : i32
        scf.if %cond3A_120 {
          %get3A_203 = arith.index_cast %get3A_116 : i32 to index
          %get3A_204 = arith.constant 0 : index
          %get3A_205 = vector.load %arg8[%get3A_203, %get3A_204] : memref<2056x768xf32, #tpu.memory_space<vmem>>, vector<1x768xf32>
          %swap3A_206 = arith.index_cast %scan3A_113 : i32 to index
          %swap3A_207 = arith.constant 0 : index
          %swap3A_208 = vector.load %arg9[%swap3A_206, %swap3A_207] : memref<64x768xf32, #tpu.memory_space<vmem>>, vector<1x768xf32>
          tpu.vector_store %arg9[%swap3A_206, %swap3A_207], %get3A_205 {strides = array<i32>} : memref<64x768xf32, #tpu.memory_space<vmem>>, vector<1x768xf32>,
        } else {
        }
        %ge3A_121 = arith.cmpi sge, %get3A_116, %add3A_114 : i32
        %convert_element_type3A_122 = arith.extui %ge3A_121 : i1 to i32
        %cond3A_123 = arith.constant 0 : i32
        %cond3A_124 = arith.cmpi ne, %convert_element_type3A_122, %cond3A_123 : i32
        scf.if %cond3A_124 {
          %broadcast_in_dim3A_203 = arith.constant 0.000000e+00 : f32
          %broadcast_in_dim3A_204 = vector.broadcast %broadcast_in_dim3A_203 : f32 to vector<1x768xf32>
          %swap3A_205 = arith.index_cast %scan3A_113 : i32 to index
          %swap3A_206 = arith.constant 0 : index
          %swap3A_207 = vector.load %arg9[%swap3A_205, %swap3A_206] : memref<64x768xf32, #tpu.memory_space<vmem>>, vector<1x768xf32>
          tpu.vector_store %arg9[%swap3A_205, %swap3A_206], %broadcast_in_dim3A_204 {strides = array<i32>} : memref<64x768xf32, #tpu.memory_space<vmem>>, vector<1x768xf32>,
        } else {
        }
        %scan3A_125 = arith.constant 2 : i32
        %scan3A_126 = arith.addi %scan3A_102, %scan3A_125 : i32
        %add3A_127 = arith.addi %add3A, %scan3A_126 : i32
        %get3A_128 = arith.index_cast %add3A_127 : i32 to index
        %get3A_129 = memref.load %arg2[%get3A_128] : memref<2048xi32, #tpu.memory_space<smem>>
        %lt3A_130 = arith.cmpi slt, %get3A_129, %add3A_127 : i32
        %convert_element_type3A_131 = arith.extui %lt3A_130 : i1 to i32
        %cond3A_132 = arith.constant 0 : i32
        %cond3A_133 = arith.cmpi ne, %convert_element_type3A_131, %cond3A_132 : i32
        scf.if %cond3A_133 {
          %get3A_203 = arith.index_cast %get3A_129 : i32 to index
          %get3A_204 = arith.constant 0 : index
          %get3A_205 = vector.load %arg8[%get3A_203, %get3A_204] : memref<2056x768xf32, #tpu.memory_space<vmem>>, vector<1x768xf32>
          %swap3A_206 = arith.index_cast %scan3A_126 : i32 to index
          %swap3A_207 = arith.constant 0 : index
          %swap3A_208 = vector.load %arg9[%swap3A_206, %swap3A_207] : memref<64x768xf32, #tpu.memory_space<vmem>>, vector<1x768xf32>
          tpu.vector_store %arg9[%swap3A_206, %swap3A_207], %get3A_205 {strides = array<i32>} : memref<64x768xf32, #tpu.memory_space<vmem>>, vector<1x768xf32>,
        } else {
        }
        %ge3A_134 = arith.cmpi sge, %get3A_129, %add3A_127 : i32
        %convert_element_type3A_135 = arith.extui %ge3A_134 : i1 to i32
        %cond3A_136 = arith.constant 0 : i32
        %cond3A_137 = arith.cmpi ne, %convert_element_type3A_135, %cond3A_136 : i32
        scf.if %cond3A_137 {
          %broadcast_in_dim3A_203 = arith.constant 0.000000e+00 : f32
          %broadcast_in_dim3A_204 = vector.broadcast %broadcast_in_dim3A_203 : f32 to vector<1x768xf32>
          %swap3A_205 = arith.index_cast %scan3A_126 : i32 to index
          %swap3A_206 = arith.constant 0 : index
          %swap3A_207 = vector.load %arg9[%swap3A_205, %swap3A_206] : memref<64x768xf32, #tpu.memory_space<vmem>>, vector<1x768xf32>
          tpu.vector_store %arg9[%swap3A_205, %swap3A_206], %broadcast_in_dim3A_204 {strides = array<i32>} : memref<64x768xf32, #tpu.memory_space<vmem>>, vector<1x768xf32>,
        } else {
        }
        %scan3A_138 = arith.constant 3 : i32
        %scan3A_139 = arith.addi %scan3A_102, %scan3A_138 : i32
        %add3A_140 = arith.addi %add3A, %scan3A_139 : i32
        %get3A_141 = arith.index_cast %add3A_140 : i32 to index
        %get3A_142 = memref.load %arg2[%get3A_141] : memref<2048xi32, #tpu.memory_space<smem>>
        %lt3A_143 = arith.cmpi slt, %get3A_142, %add3A_140 : i32
        %convert_element_type3A_144 = arith.extui %lt3A_143 : i1 to i32
        %cond3A_145 = arith.constant 0 : i32
        %cond3A_146 = arith.cmpi ne, %convert_element_type3A_144, %cond3A_145 : i32
        scf.if %cond3A_146 {
          %get3A_203 = arith.index_cast %get3A_142 : i32 to index
          %get3A_204 = arith.constant 0 : index
          %get3A_205 = vector.load %arg8[%get3A_203, %get3A_204] : memref<2056x768xf32, #tpu.memory_space<vmem>>, vector<1x768xf32>
          %swap3A_206 = arith.index_cast %scan3A_139 : i32 to index
          %swap3A_207 = arith.constant 0 : index
          %swap3A_208 = vector.load %arg9[%swap3A_206, %swap3A_207] : memref<64x768xf32, #tpu.memory_space<vmem>>, vector<1x768xf32>
          tpu.vector_store %arg9[%swap3A_206, %swap3A_207], %get3A_205 {strides = array<i32>} : memref<64x768xf32, #tpu.memory_space<vmem>>, vector<1x768xf32>,
        } else {
        }
        %ge3A_147 = arith.cmpi sge, %get3A_142, %add3A_140 : i32
        %convert_element_type3A_148 = arith.extui %ge3A_147 : i1 to i32
        %cond3A_149 = arith.constant 0 : i32
        %cond3A_150 = arith.cmpi ne, %convert_element_type3A_148, %cond3A_149 : i32
        scf.if %cond3A_150 {
          %broadcast_in_dim3A_203 = arith.constant 0.000000e+00 : f32
          %broadcast_in_dim3A_204 = vector.broadcast %broadcast_in_dim3A_203 : f32 to vector<1x768xf32>
          %swap3A_205 = arith.index_cast %scan3A_139 : i32 to index
          %swap3A_206 = arith.constant 0 : index
          %swap3A_207 = vector.load %arg9[%swap3A_205, %swap3A_206] : memref<64x768xf32, #tpu.memory_space<vmem>>, vector<1x768xf32>
          tpu.vector_store %arg9[%swap3A_205, %swap3A_206], %broadcast_in_dim3A_204 {strides = array<i32>} : memref<64x768xf32, #tpu.memory_space<vmem>>, vector<1x768xf32>,
        } else {
        }
        %scan3A_151 = arith.constant 4 : i32
        %scan3A_152 = arith.addi %scan3A_102, %scan3A_151 : i32
        %add3A_153 = arith.addi %add3A, %scan3A_152 : i32
        %get3A_154 = arith.index_cast %add3A_153 : i32 to index
        %get3A_155 = memref.load %arg2[%get3A_154] : memref<2048xi32, #tpu.memory_space<smem>>
        %lt3A_156 = arith.cmpi slt, %get3A_155, %add3A_153 : i32
        %convert_element_type3A_157 = arith.extui %lt3A_156 : i1 to i32
        %cond3A_158 = arith.constant 0 : i32
        %cond3A_159 = arith.cmpi ne, %convert_element_type3A_157, %cond3A_158 : i32
        scf.if %cond3A_159 {
          %get3A_203 = arith.index_cast %get3A_155 : i32 to index
          %get3A_204 = arith.constant 0 : index
          %get3A_205 = vector.load %arg8[%get3A_203, %get3A_204] : memref<2056x768xf32, #tpu.memory_space<vmem>>, vector<1x768xf32>
          %swap3A_206 = arith.index_cast %scan3A_152 : i32 to index
          %swap3A_207 = arith.constant 0 : index
          %swap3A_208 = vector.load %arg9[%swap3A_206, %swap3A_207] : memref<64x768xf32, #tpu.memory_space<vmem>>, vector<1x768xf32>
          tpu.vector_store %arg9[%swap3A_206, %swap3A_207], %get3A_205 {strides = array<i32>} : memref<64x768xf32, #tpu.memory_space<vmem>>, vector<1x768xf32>,
        } else {
        }
        %ge3A_160 = arith.cmpi sge, %get3A_155, %add3A_153 : i32
        %convert_element_type3A_161 = arith.extui %ge3A_160 : i1 to i32
        %cond3A_162 = arith.constant 0 : i32
        %cond3A_163 = arith.cmpi ne, %convert_element_type3A_161, %cond3A_162 : i32
        scf.if %cond3A_163 {
          %broadcast_in_dim3A_203 = arith.constant 0.000000e+00 : f32
          %broadcast_in_dim3A_204 = vector.broadcast %broadcast_in_dim3A_203 : f32 to vector<1x768xf32>
          %swap3A_205 = arith.index_cast %scan3A_152 : i32 to index
          %swap3A_206 = arith.constant 0 : index
          %swap3A_207 = vector.load %arg9[%swap3A_205, %swap3A_206] : memref<64x768xf32, #tpu.memory_space<vmem>>, vector<1x768xf32>
          tpu.vector_store %arg9[%swap3A_205, %swap3A_206], %broadcast_in_dim3A_204 {strides = array<i32>} : memref<64x768xf32, #tpu.memory_space<vmem>>, vector<1x768xf32>,
        } else {
        }
        %scan3A_164 = arith.constant 5 : i32
        %scan3A_165 = arith.addi %scan3A_102, %scan3A_164 : i32
        %add3A_166 = arith.addi %add3A, %scan3A_165 : i32
        %get3A_167 = arith.index_cast %add3A_166 : i32 to index
        %get3A_168 = memref.load %arg2[%get3A_167] : memref<2048xi32, #tpu.memory_space<smem>>
        %lt3A_169 = arith.cmpi slt, %get3A_168, %add3A_166 : i32
        %convert_element_type3A_170 = arith.extui %lt3A_169 : i1 to i32
        %cond3A_171 = arith.constant 0 : i32
        %cond3A_172 = arith.cmpi ne, %convert_element_type3A_170, %cond3A_171 : i32
        scf.if %cond3A_172 {
          %get3A_203 = arith.index_cast %get3A_168 : i32 to index
          %get3A_204 = arith.constant 0 : index
          %get3A_205 = vector.load %arg8[%get3A_203, %get3A_204] : memref<2056x768xf32, #tpu.memory_space<vmem>>, vector<1x768xf32>
          %swap3A_206 = arith.index_cast %scan3A_165 : i32 to index
          %swap3A_207 = arith.constant 0 : index
          %swap3A_208 = vector.load %arg9[%swap3A_206, %swap3A_207] : memref<64x768xf32, #tpu.memory_space<vmem>>, vector<1x768xf32>
          tpu.vector_store %arg9[%swap3A_206, %swap3A_207], %get3A_205 {strides = array<i32>} : memref<64x768xf32, #tpu.memory_space<vmem>>, vector<1x768xf32>,
        } else {
        }
        %ge3A_173 = arith.cmpi sge, %get3A_168, %add3A_166 : i32
        %convert_element_type3A_174 = arith.extui %ge3A_173 : i1 to i32
        %cond3A_175 = arith.constant 0 : i32
        %cond3A_176 = arith.cmpi ne, %convert_element_type3A_174, %cond3A_175 : i32
        scf.if %cond3A_176 {
          %broadcast_in_dim3A_203 = arith.constant 0.000000e+00 : f32
          %broadcast_in_dim3A_204 = vector.broadcast %broadcast_in_dim3A_203 : f32 to vector<1x768xf32>
          %swap3A_205 = arith.index_cast %scan3A_165 : i32 to index
          %swap3A_206 = arith.constant 0 : index
          %swap3A_207 = vector.load %arg9[%swap3A_205, %swap3A_206] : memref<64x768xf32, #tpu.memory_space<vmem>>, vector<1x768xf32>
          tpu.vector_store %arg9[%swap3A_205, %swap3A_206], %broadcast_in_dim3A_204 {strides = array<i32>} : memref<64x768xf32, #tpu.memory_space<vmem>>, vector<1x768xf32>,
        } else {
        }
        %scan3A_177 = arith.constant 6 : i32
        %scan3A_178 = arith.addi %scan3A_102, %scan3A_177 : i32
        %add3A_179 = arith.addi %add3A, %scan3A_178 : i32
        %get3A_180 = arith.index_cast %add3A_179 : i32 to index
        %get3A_181 = memref.load %arg2[%get3A_180] : memref<2048xi32, #tpu.memory_space<smem>>
        %lt3A_182 = arith.cmpi slt, %get3A_181, %add3A_179 : i32
        %convert_element_type3A_183 = arith.extui %lt3A_182 : i1 to i32
        %cond3A_184 = arith.constant 0 : i32
        %cond3A_185 = arith.cmpi ne, %convert_element_type3A_183, %cond3A_184 : i32
        scf.if %cond3A_185 {
          %get3A_203 = arith.index_cast %get3A_181 : i32 to index
          %get3A_204 = arith.constant 0 : index
          %get3A_205 = vector.load %arg8[%get3A_203, %get3A_204] : memref<2056x768xf32, #tpu.memory_space<vmem>>, vector<1x768xf32>
          %swap3A_206 = arith.index_cast %scan3A_178 : i32 to index
          %swap3A_207 = arith.constant 0 : index
          %swap3A_208 = vector.load %arg9[%swap3A_206, %swap3A_207] : memref<64x768xf32, #tpu.memory_space<vmem>>, vector<1x768xf32>
          tpu.vector_store %arg9[%swap3A_206, %swap3A_207], %get3A_205 {strides = array<i32>} : memref<64x768xf32, #tpu.memory_space<vmem>>, vector<1x768xf32>,
        } else {
        }
        %ge3A_186 = arith.cmpi sge, %get3A_181, %add3A_179 : i32
        %convert_element_type3A_187 = arith.extui %ge3A_186 : i1 to i32
        %cond3A_188 = arith.constant 0 : i32
        %cond3A_189 = arith.cmpi ne, %convert_element_type3A_187, %cond3A_188 : i32
        scf.if %cond3A_189 {
          %broadcast_in_dim3A_203 = arith.constant 0.000000e+00 : f32
          %broadcast_in_dim3A_204 = vector.broadcast %broadcast_in_dim3A_203 : f32 to vector<1x768xf32>
          %swap3A_205 = arith.index_cast %scan3A_178 : i32 to index
          %swap3A_206 = arith.constant 0 : index
          %swap3A_207 = vector.load %arg9[%swap3A_205, %swap3A_206] : memref<64x768xf32, #tpu.memory_space<vmem>>, vector<1x768xf32>
          tpu.vector_store %arg9[%swap3A_205, %swap3A_206], %broadcast_in_dim3A_204 {strides = array<i32>} : memref<64x768xf32, #tpu.memory_space<vmem>>, vector<1x768xf32>,
        } else {
        }
        %scan3A_190 = arith.constant 7 : i32
        %scan3A_191 = arith.addi %scan3A_102, %scan3A_190 : i32
        %add3A_192 = arith.addi %add3A, %scan3A_191 : i32
        %get3A_193 = arith.index_cast %add3A_192 : i32 to index
        %get3A_194 = memref.load %arg2[%get3A_193] : memref<2048xi32, #tpu.memory_space<smem>>
        %lt3A_195 = arith.cmpi slt, %get3A_194, %add3A_192 : i32
        %convert_element_type3A_196 = arith.extui %lt3A_195 : i1 to i32
        %cond3A_197 = arith.constant 0 : i32
        %cond3A_198 = arith.cmpi ne, %convert_element_type3A_196, %cond3A_197 : i32
        scf.if %cond3A_198 {
          %get3A_203 = arith.index_cast %get3A_194 : i32 to index
          %get3A_204 = arith.constant 0 : index
          %get3A_205 = vector.load %arg8[%get3A_203, %get3A_204] : memref<2056x768xf32, #tpu.memory_space<vmem>>, vector<1x768xf32>
          %swap3A_206 = arith.index_cast %scan3A_191 : i32 to index
          %swap3A_207 = arith.constant 0 : index
          %swap3A_208 = vector.load %arg9[%swap3A_206, %swap3A_207] : memref<64x768xf32, #tpu.memory_space<vmem>>, vector<1x768xf32>
          tpu.vector_store %arg9[%swap3A_206, %swap3A_207], %get3A_205 {strides = array<i32>} : memref<64x768xf32, #tpu.memory_space<vmem>>, vector<1x768xf32>,
        } else {
        }
        %ge3A_199 = arith.cmpi sge, %get3A_194, %add3A_192 : i32
        %convert_element_type3A_200 = arith.extui %ge3A_199 : i1 to i32
        %cond3A_201 = arith.constant 0 : i32
        %cond3A_202 = arith.cmpi ne, %convert_element_type3A_200, %cond3A_201 : i32
        scf.if %cond3A_202 {
          %broadcast_in_dim3A_203 = arith.constant 0.000000e+00 : f32
          %broadcast_in_dim3A_204 = vector.broadcast %broadcast_in_dim3A_203 : f32 to vector<1x768xf32>
          %swap3A_205 = arith.index_cast %scan3A_191 : i32 to index
          %swap3A_206 = arith.constant 0 : index
          %swap3A_207 = vector.load %arg9[%swap3A_205, %swap3A_206] : memref<64x768xf32, #tpu.memory_space<vmem>>, vector<1x768xf32>
          tpu.vector_store %arg9[%swap3A_205, %swap3A_206], %broadcast_in_dim3A_204 {strides = array<i32>} : memref<64x768xf32, #tpu.memory_space<vmem>>, vector<1x768xf32>,
        } else {
        }
      }
      %scan3A_22 = arith.constant 64 : i32
      %get3A_23 = arith.constant 0 : index
      %get3A_24 = arith.constant 0 : index
      %get3A_25 = vector.load %arg9[%get3A_23, %get3A_24] : memref<64x768xf32, #tpu.memory_space<vmem>>, vector<64x768xf32>
      %get3A_26 = arith.constant 0 : index
      %get3A_27 = arith.constant 0 : index
      %get3A_28 = vector.load %arg3[%get3A_26, %get3A_27] : memref<768x2304xf32, #tpu.memory_space<vmem>>, vector<768x2304xf32>
      %dot_general3A = arith.constant dense<0.000000e+00> : vector<64x2304xf32>
      %dot_general3A_29 = tpu.matmul %get3A_25, %get3A_28, %dot_general3A {dimension_numbers = #tpu.dot_dimension_numbers<[1], [0], [0], [1], [0, 0, 1, 1], [], []>, transpose_lhs_hint = false} : vector<64x768xf32>, vector<768x2304xf32>, vector<64x2304xf32> -> vector<64x2304xf32>
      %get3A_30 = arith.constant 0 : index
      %get3A_31 = vector.load %arg4[%get3A_30] : memref<2304xf32, #tpu.memory_space<vmem>>, vector<2304xf32>
      %broadcast_in_dim3A = vector.shape_cast %get3A_31 : vector<2304xf32> to vector<1x2304xf32>
      %add3A_32 = vector.broadcast %broadcast_in_dim3A : vector<1x2304xf32> to vector<64x2304xf32>
      %add3A_33 = arith.addf %dot_general3A_29, %add3A_32 : vector<64x2304xf32>
      %get3A_34 = arith.index_cast %mul3A_17 : i32 to index
      %get3A_35 = arith.constant 0 : index
      %get3A_36 = vector.load %arg1[%get3A_34, %get3A_35] : memref<256x2304xf32, #tpu.memory_space<vmem>>, vector<64x2304xf32>
      %get3A_37 = arith.constant 0 : index
      %get3A_38 = vector.load %arg5[%get3A_37] : memref<2304xf32, #tpu.memory_space<vmem>>, vector<2304xf32>
      %get3A_39 = arith.constant 0 : index
      %get3A_40 = vector.load %arg6[%get3A_39] : memref<2304xf32, #tpu.memory_space<vmem>>, vector<2304xf32>
      %reduce_sum3A = arith.constant dense<0.000000e+00> : vector<64xf32>
      %reduce_sum3A_41 = vector.multi_reduction <add>, %add3A_33, %reduce_sum3A [1] : vector<64x2304xf32> to vector<64xf32>
      %broadcast_in_dim3A_42 = vector.shape_cast %reduce_sum3A_41 : vector<64xf32> to vector<64x1xf32>
      %div3A = arith.constant 2.304000e+03 : f32
      %div3A_43 = vector.broadcast %div3A : f32 to vector<64x1xf32>
      %div3A_44 = arith.divf %broadcast_in_dim3A_42, %div3A_43 : vector<64x1xf32>
      %sub3A = vector.broadcast %div3A_44 : vector<64x1xf32> to vector<64x2304xf32>
      %sub3A_45 = arith.subf %add3A_33, %sub3A : vector<64x2304xf32>
      %sub3A_46 = vector.broadcast %div3A_44 : vector<64x1xf32> to vector<64x2304xf32>
      %sub3A_47 = arith.subf %add3A_33, %sub3A_46 : vector<64x2304xf32>
      %mul3A_48 = arith.mulf %sub3A_45, %sub3A_47 : vector<64x2304xf32>
      %reduce_sum3A_49 = arith.constant dense<0.000000e+00> : vector<64xf32>
      %reduce_sum3A_50 = vector.multi_reduction <add>, %mul3A_48, %reduce_sum3A_49 [1] : vector<64x2304xf32> to vector<64xf32>
      %broadcast_in_dim3A_51 = vector.shape_cast %reduce_sum3A_50 : vector<64xf32> to vector<64x1xf32>
      %div3A_52 = arith.constant 2.304000e+03 : f32
      %div3A_53 = vector.broadcast %div3A_52 : f32 to vector<64x1xf32>
      %div3A_54 = arith.divf %broadcast_in_dim3A_51, %div3A_53 : vector<64x1xf32>
      %sub3A_55 = vector.broadcast %div3A_44 : vector<64x1xf32> to vector<64x2304xf32>
      %sub3A_56 = arith.subf %add3A_33, %sub3A_55 : vector<64x2304xf32>
      %add3A_57 = arith.constant 9.99999974E-6 : f32
      %add3A_58 = vector.broadcast %add3A_57 : f32 to vector<64x1xf32>
      %add3A_59 = arith.addf %div3A_54, %add3A_58 : vector<64x1xf32>
      %sqrt3A = math.sqrt %add3A_59 : vector<64x1xf32>
      %div3A_60 = vector.broadcast %sqrt3A : vector<64x1xf32> to vector<64x2304xf32>
      %div3A_61 = arith.divf %sub3A_56, %div3A_60 : vector<64x2304xf32>
      %broadcast_in_dim3A_62 = vector.shape_cast %get3A_38 : vector<2304xf32> to vector<1x2304xf32>
      %mul3A_63 = vector.broadcast %broadcast_in_dim3A_62 : vector<1x2304xf32> to vector<64x2304xf32>
      %mul3A_64 = arith.mulf %div3A_61, %mul3A_63 : vector<64x2304xf32>
      %broadcast_in_dim3A_65 = vector.shape_cast %get3A_40 : vector<2304xf32> to vector<1x2304xf32>
      %add3A_66 = vector.broadcast %broadcast_in_dim3A_65 : vector<1x2304xf32> to vector<64x2304xf32>
      %add3A_67 = arith.addf %mul3A_64, %add3A_66 : vector<64x2304xf32>
      %slice3A = vector.extract_strided_slice %get3A_36 {offsets = [0, 0], sizes = [64, 768], strides = [1, 1]} : vector<64x2304xf32> to vector<64x768xf32>
      %slice3A_68 = vector.extract_strided_slice %get3A_36 {offsets = [0, 768], sizes = [64, 768], strides = [1, 1]} : vector<64x2304xf32> to vector<64x768xf32>
      %slice3A_69 = vector.extract_strided_slice %get3A_36 {offsets = [0, 1536], sizes = [64, 768], strides = [1, 1]} : vector<64x2304xf32> to vector<64x768xf32>
      %slice3A_70 = vector.extract_strided_slice %add3A_67 {offsets = [0, 0], sizes = [64, 768], strides = [1, 1]} : vector<64x2304xf32> to vector<64x768xf32>
      %slice3A_71 = vector.extract_strided_slice %add3A_67 {offsets = [0, 768], sizes = [64, 768], strides = [1, 1]} : vector<64x2304xf32> to vector<64x768xf32>
      %slice3A_72 = vector.extract_strided_slice %add3A_67 {offsets = [0, 1536], sizes = [64, 768], strides = [1, 1]} : vector<64x2304xf32> to vector<64x768xf32>
      %add3A_73 = arith.addf %slice3A, %slice3A_70 : vector<64x768xf32>
      %logistic3A = arith.negf %add3A_73 : vector<64x768xf32>
      %logistic3A_74 = math.exp %logistic3A : vector<64x768xf32>
      %logistic3A_75 = arith.constant 1.000000e+00 : f32
      %logistic3A_76 = vector.broadcast %logistic3A_75 : f32 to vector<64x768xf32>
      %logistic3A_77 = arith.addf %logistic3A_76, %logistic3A_74 : vector<64x768xf32>
      %logistic3A_78 = arith.divf %logistic3A_76, %logistic3A_77 : vector<64x768xf32>
      %add3A_79 = arith.addf %slice3A_68, %slice3A_71 : vector<64x768xf32>
      %logistic3A_80 = arith.negf %add3A_79 : vector<64x768xf32>
      %logistic3A_81 = math.exp %logistic3A_80 : vector<64x768xf32>
      %logistic3A_82 = arith.constant 1.000000e+00 : f32
      %logistic3A_83 = vector.broadcast %logistic3A_82 : f32 to vector<64x768xf32>
      %logistic3A_84 = arith.addf %logistic3A_83, %logistic3A_81 : vector<64x768xf32>
      %logistic3A_85 = arith.divf %logistic3A_83, %logistic3A_84 : vector<64x768xf32>
      %mul3A_86 = arith.mulf %logistic3A_78, %slice3A_72 : vector<64x768xf32>
      %add3A_87 = arith.addf %slice3A_69, %mul3A_86 : vector<64x768xf32>
      %tanh3A = math.tanh %add3A_87 : vector<64x768xf32>
      %sub3A_88 = arith.constant 1.000000e+00 : f32
      %sub3A_89 = vector.broadcast %sub3A_88 : f32 to vector<64x768xf32>
      %sub3A_90 = arith.subf %sub3A_89, %logistic3A_85 : vector<64x768xf32>
      %mul3A_91 = arith.mulf %sub3A_90, %tanh3A : vector<64x768xf32>
      %mul3A_92 = arith.mulf %logistic3A_85, %get3A_25 : vector<64x768xf32>
      %add3A_93 = arith.addf %mul3A_91, %mul3A_92 : vector<64x768xf32>
      %swap3A_94 = arith.index_cast %add3A : i32 to index
      %swap3A_95 = arith.constant 0 : index
      %swap3A_96 = vector.load %arg8[%swap3A_94, %swap3A_95] : memref<2056x768xf32, #tpu.memory_space<vmem>>, vector<64x768xf32>
      tpu.vector_store %arg8[%swap3A_94, %swap3A_95], %add3A_93 {strides = array<i32>} : memref<2056x768xf32, #tpu.memory_space<vmem>>, vector<64x768xf32>,
      %scan3A_97 = arith.constant 0 : i32
      %scan3A_98 = arith.constant 64 : i32
      %scan3A_99 = arith.addi %scan3A_97, %scan3A_98 : i32
      %scan3A_100 = arith.constant 1 : i32
      scf.for %scan3A_102 = %scan3A_97 to %scan3A_99 step %scan3A_100  : i32 {
        %add3A_103 = arith.addi %add3A, %scan3A_102 : i32
        %get3A_104 = arith.index_cast %add3A_103 : i32 to index
        %get3A_105 = memref.load %arg2[%get3A_104] : memref<2048xi32, #tpu.memory_space<smem>>
        %ge3A = arith.cmpi sge, %get3A_105, %add3A : i32
        %lt3A = arith.cmpi slt, %get3A_105, %add3A_103 : i32
        %and3A = arith.andi %ge3A, %lt3A : i1
        %convert_element_type3A_106 = arith.extui %and3A : i1 to i32
        %cond3A_107 = arith.constant 0 : i32
        %cond3A_108 = arith.cmpi ne, %convert_element_type3A_106, %cond3A_107 : i32
        scf.if %cond3A_108 {
          %get3A_109 = arith.index_cast %get3A_105 : i32 to index
          %get3A_110 = arith.constant 0 : index
          %get3A_111 = vector.load %arg8[%get3A_109, %get3A_110] : memref<2056x768xf32, #tpu.memory_space<vmem>>, vector<1x768xf32>
          %get3A_112 = arith.constant 0 : index
          %get3A_113 = arith.constant 0 : index
          %get3A_114 = vector.load %arg3[%get3A_112, %get3A_113] : memref<768x2304xf32, #tpu.memory_space<vmem>>, vector<768x2304xf32>
          %dot_general3A_115 = arith.constant dense<0.000000e+00> : vector<1x2304xf32>
          %dot_general3A_116 = tpu.matmul %get3A_111, %get3A_114, %dot_general3A_115 {dimension_numbers = #tpu.dot_dimension_numbers<[1], [0], [0], [1], [0, 0, 1, 1], [], []>, transpose_lhs_hint = false} : vector<1x768xf32>, vector<768x2304xf32>, vector<1x2304xf32> -> vector<1x2304xf32>
          %get3A_117 = arith.constant 0 : index
          %get3A_118 = vector.load %arg4[%get3A_117] : memref<2304xf32, #tpu.memory_space<vmem>>, vector<2304xf32>
          %broadcast_in_dim3A_119 = vector.shape_cast %get3A_118 : vector<2304xf32> to vector<1x2304xf32>
          %add3A_120 = arith.addf %dot_general3A_116, %broadcast_in_dim3A_119 : vector<1x2304xf32>
          %add3A_121 = arith.addi %mul3A_17, %scan3A_102 : i32
          %get3A_122 = arith.index_cast %add3A_121 : i32 to index
          %get3A_123 = arith.constant 0 : index
          %get3A_124 = vector.load %arg1[%get3A_122, %get3A_123] : memref<256x2304xf32, #tpu.memory_space<vmem>>, vector<1x2304xf32>
          %get3A_125 = arith.constant 0 : index
          %get3A_126 = vector.load %arg5[%get3A_125] : memref<2304xf32, #tpu.memory_space<vmem>>, vector<2304xf32>
          %get3A_127 = arith.constant 0 : index
          %get3A_128 = vector.load %arg6[%get3A_127] : memref<2304xf32, #tpu.memory_space<vmem>>, vector<2304xf32>
          %reduce_sum3A_129 = arith.constant dense<0.000000e+00> : vector<1xf32>
          %reduce_sum3A_130 = vector.multi_reduction <add>, %add3A_120, %reduce_sum3A_129 [1] : vector<1x2304xf32> to vector<1xf32>
          %broadcast_in_dim3A_131 = vector.shape_cast %reduce_sum3A_130 : vector<1xf32> to vector<1x1xf32>
          %div3A_132 = arith.constant 2.304000e+03 : f32
          %div3A_133 = vector.broadcast %div3A_132 : f32 to vector<1x1xf32>
          %div3A_134 = arith.divf %broadcast_in_dim3A_131, %div3A_133 : vector<1x1xf32>
          %sub3A_135 = vector.broadcast %div3A_134 : vector<1x1xf32> to vector<1x2304xf32>
          %sub3A_136 = arith.subf %add3A_120, %sub3A_135 : vector<1x2304xf32>
          %sub3A_137 = vector.broadcast %div3A_134 : vector<1x1xf32> to vector<1x2304xf32>
          %sub3A_138 = arith.subf %add3A_120, %sub3A_137 : vector<1x2304xf32>
          %mul3A_139 = arith.mulf %sub3A_136, %sub3A_138 : vector<1x2304xf32>
          %reduce_sum3A_140 = arith.constant dense<0.000000e+00> : vector<1xf32>
          %reduce_sum3A_141 = vector.multi_reduction <add>, %mul3A_139, %reduce_sum3A_140 [1] : vector<1x2304xf32> to vector<1xf32>
          %broadcast_in_dim3A_142 = vector.shape_cast %reduce_sum3A_141 : vector<1xf32> to vector<1x1xf32>
          %div3A_143 = arith.constant 2.304000e+03 : f32
          %div3A_144 = vector.broadcast %div3A_143 : f32 to vector<1x1xf32>
          %div3A_145 = arith.divf %broadcast_in_dim3A_142, %div3A_144 : vector<1x1xf32>
          %sub3A_146 = vector.broadcast %div3A_134 : vector<1x1xf32> to vector<1x2304xf32>
          %sub3A_147 = arith.subf %add3A_120, %sub3A_146 : vector<1x2304xf32>
          %add3A_148 = arith.constant 9.99999974E-6 : f32
          %add3A_149 = vector.broadcast %add3A_148 : f32 to vector<1x1xf32>
          %add3A_150 = arith.addf %div3A_145, %add3A_149 : vector<1x1xf32>
          %sqrt3A_151 = math.sqrt %add3A_150 : vector<1x1xf32>
          %div3A_152 = vector.broadcast %sqrt3A_151 : vector<1x1xf32> to vector<1x2304xf32>
          %div3A_153 = arith.divf %sub3A_147, %div3A_152 : vector<1x2304xf32>
          %broadcast_in_dim3A_154 = vector.shape_cast %get3A_126 : vector<2304xf32> to vector<1x2304xf32>
          %mul3A_155 = arith.mulf %div3A_153, %broadcast_in_dim3A_154 : vector<1x2304xf32>
          %broadcast_in_dim3A_156 = vector.shape_cast %get3A_128 : vector<2304xf32> to vector<1x2304xf32>
          %add3A_157 = arith.addf %mul3A_155, %broadcast_in_dim3A_156 : vector<1x2304xf32>
          %slice3A_158 = vector.extract_strided_slice %get3A_124 {offsets = [0, 0], sizes = [1, 768], strides = [1, 1]} : vector<1x2304xf32> to vector<1x768xf32>
          %slice3A_159 = vector.extract_strided_slice %get3A_124 {offsets = [0, 768], sizes = [1, 768], strides = [1, 1]} : vector<1x2304xf32> to vector<1x768xf32>
          %slice3A_160 = vector.extract_strided_slice %get3A_124 {offsets = [0, 1536], sizes = [1, 768], strides = [1, 1]} : vector<1x2304xf32> to vector<1x768xf32>
          %slice3A_161 = vector.extract_strided_slice %add3A_157 {offsets = [0, 0], sizes = [1, 768], strides = [1, 1]} : vector<1x2304xf32> to vector<1x768xf32>
          %slice3A_162 = vector.extract_strided_slice %add3A_157 {offsets = [0, 768], sizes = [1, 768], strides = [1, 1]} : vector<1x2304xf32> to vector<1x768xf32>
          %slice3A_163 = vector.extract_strided_slice %add3A_157 {offsets = [0, 1536], sizes = [1, 768], strides = [1, 1]} : vector<1x2304xf32> to vector<1x768xf32>
          %add3A_164 = arith.addf %slice3A_158, %slice3A_161 : vector<1x768xf32>
          %logistic3A_165 = arith.negf %add3A_164 : vector<1x768xf32>
          %logistic3A_166 = math.exp %logistic3A_165 : vector<1x768xf32>
          %logistic3A_167 = arith.constant 1.000000e+00 : f32
          %logistic3A_168 = vector.broadcast %logistic3A_167 : f32 to vector<1x768xf32>
          %logistic3A_169 = arith.addf %logistic3A_168, %logistic3A_166 : vector<1x768xf32>
          %logistic3A_170 = arith.divf %logistic3A_168, %logistic3A_169 : vector<1x768xf32>
          %add3A_171 = arith.addf %slice3A_159, %slice3A_162 : vector<1x768xf32>
          %logistic3A_172 = arith.negf %add3A_171 : vector<1x768xf32>
          %logistic3A_173 = math.exp %logistic3A_172 : vector<1x768xf32>
          %logistic3A_174 = arith.constant 1.000000e+00 : f32
          %logistic3A_175 = vector.broadcast %logistic3A_174 : f32 to vector<1x768xf32>
          %logistic3A_176 = arith.addf %logistic3A_175, %logistic3A_173 : vector<1x768xf32>
          %logistic3A_177 = arith.divf %logistic3A_175, %logistic3A_176 : vector<1x768xf32>
          %mul3A_178 = arith.mulf %logistic3A_170, %slice3A_163 : vector<1x768xf32>
          %add3A_179 = arith.addf %slice3A_160, %mul3A_178 : vector<1x768xf32>
          %tanh3A_180 = math.tanh %add3A_179 : vector<1x768xf32>
          %sub3A_181 = arith.constant 1.000000e+00 : f32
          %sub3A_182 = vector.broadcast %sub3A_181 : f32 to vector<1x768xf32>
          %sub3A_183 = arith.subf %sub3A_182, %logistic3A_177 : vector<1x768xf32>
          %mul3A_184 = arith.mulf %sub3A_183, %tanh3A_180 : vector<1x768xf32>
          %mul3A_185 = arith.mulf %logistic3A_177, %get3A_111 : vector<1x768xf32>
          %add3A_186 = arith.addf %mul3A_184, %mul3A_185 : vector<1x768xf32>
          %swap3A_187 = arith.index_cast %add3A_103 : i32 to index
          %swap3A_188 = arith.constant 0 : index
          %swap3A_189 = vector.load %arg8[%swap3A_187, %swap3A_188] : memref<2056x768xf32, #tpu.memory_space<vmem>>, vector<1x768xf32>
          tpu.vector_store %arg8[%swap3A_187, %swap3A_188], %add3A_186 {strides = array<i32>} : memref<2056x768xf32, #tpu.memory_space<vmem>>, vector<1x768xf32>,
        } else {
        }
      }
      %scan3A_101 = arith.constant 64 : i32
    }
    %scan3A_5 = arith.constant 4 : i32
    %mul3A = arith.constant 256 : i32
    %mul3A_6 = arith.muli %arg0, %mul3A : i32
    %get3A = arith.index_cast %mul3A_6 : i32 to index
    %get3A_7 = arith.constant 0 : index
    %get3A_8 = vector.load %arg8[%get3A, %get3A_7] : memref<2056x768xf32, #tpu.memory_space<vmem>>, vector<256x768xf32>
    %swap3A = arith.constant 0 : index
    %swap3A_9 = arith.constant 0 : index
    %swap3A_10 = vector.load %arg7[%swap3A, %swap3A_9] : memref<256x768xf32, #tpu.memory_space<vmem>>, vector<256x768xf32>
    tpu.vector_store %arg7[%swap3A, %swap3A_9], %get3A_8 {strides = array<i32>} : memref<256x768xf32, #tpu.memory_space<vmem>>, vector<256x768xf32>,
    return
  }
  func.func @transform_0(%arg0: i32) -> (i32, i32) {
    %c0_i32 = arith.constant 0 : i32
    %c0_i32_0 = arith.constant 0 : i32
    return %arg0, %c0_i32 : i32, i32
  }
  func.func @transform_1(%arg0: i32) -> i32 {
    %c0_i32 = arith.constant 0 : i32
    %c0_i32_0 = arith.constant 0 : i32
    return %c0_i32 : i32
  }
  func.func @transform_2(%arg0: i32) -> (i32, i32) {
    %c0_i32 = arith.constant 0 : i32
    %c0_i32_0 = arith.constant 0 : i32
    %c0_i32_1 = arith.constant 0 : i32
    return %c0_i32, %c0_i32_0 : i32, i32
  }
  func.func @transform_3(%arg0: i32) -> i32 {
    %c0_i32 = arith.constant 0 : i32
    %c0_i32_0 = arith.constant 0 : i32
    return %c0_i32 : i32
  }
  func.func @transform_4(%arg0: i32) -> i32 {
    %c0_i32 = arith.constant 0 : i32
    %c0_i32_0 = arith.constant 0 : i32
    return %c0_i32 : i32
  }
  func.func @transform_5(%arg0: i32) -> i32 {
    %c0_i32 = arith.constant 0 : i32
    %c0_i32_0 = arith.constant 0 : i32
    return %c0_i32 : i32
  }
  func.func @transform_6(%arg0: i32) -> (i32, i32) {
    %c0_i32 = arith.constant 0 : i32
    %c0_i32_0 = arith.constant 0 : i32
    return %arg0, %c0_i32 : i32, i32
  }
}

module attributes {stable_mosaic.version = 14 : i64} {
  func.func @_out_kernel(%arg0: i32, %arg1: memref<256x768xf32, #tpu.memory_space<vmem>>, %arg2: memref<12x256x128xf32, #tpu.memory_space<vmem>>, %arg3: memref<12x256xf32, #tpu.memory_space<vmem>>, %arg4: memref<768x768xf32, #tpu.memory_space<vmem>>, %arg5: memref<12x128x768xf32, #tpu.memory_space<vmem>>, %arg6: memref<768xf32, #tpu.memory_space<vmem>>, %arg7: memref<256x768xf32, #tpu.memory_space<vmem>>) attributes {dimension_semantics = [#tpu.dimension_semantics<arbitrary>], iteration_bounds = array<i64: 8>, scalar_prefetch = 0 : i64, scratch_operands = 0 : i64, tpu.core_type = #tpu.core_type<tc>, window_params = [{transform_indices = @transform_0, window_bounds = array<i64: 256, 768>}, {transform_indices = @transform_1, window_bounds = array<i64: 12, 256, 128>}, {transform_indices = @transform_2, window_bounds = array<i64: 12, 256>}, {pipeline_mode = #tpu.pipeline_mode<synchronous>, transform_indices = @transform_3, window_bounds = array<i64: 768, 768>}, {pipeline_mode = #tpu.pipeline_mode<synchronous>, transform_indices = @transform_4, window_bounds = array<i64: 12, 128, 768>}, {pipeline_mode = #tpu.pipeline_mode<synchronous>, transform_indices = @transform_5, window_bounds = array<i64: 768>}, {transform_indices = @transform_6, window_bounds = array<i64: 256, 768>}]} {
    %get3A = arith.constant 0 : index
    %get3A_0 = arith.constant 0 : index
    %get3A_1 = vector.load %arg1[%get3A, %get3A_0] : memref<256x768xf32, #tpu.memory_space<vmem>>, vector<256x768xf32>
    %get3A_2 = arith.constant 0 : index
    %get3A_3 = arith.constant 0 : index
    %get3A_4 = vector.load %arg4[%get3A_2, %get3A_3] : memref<768x768xf32, #tpu.memory_space<vmem>>, vector<768x768xf32>
    %dot_general3A = arith.constant dense<0.000000e+00> : vector<256x768xf32>
    %dot_general3A_5 = tpu.matmul %get3A_1, %get3A_4, %dot_general3A {dimension_numbers = #tpu.dot_dimension_numbers<[1], [0], [0], [1], [0, 0, 1, 1], [], []>, transpose_lhs_hint = false} : vector<256x768xf32>, vector<768x768xf32>, vector<256x768xf32> -> vector<256x768xf32>
    %get3A_6 = arith.constant 0 : index
    %get3A_7 = arith.constant 0 : index
    %get3A_8 = arith.constant 0 : index
    %get3A_9 = vector.load %arg2[%get3A_6, %get3A_7, %get3A_8] : memref<12x256x128xf32, #tpu.memory_space<vmem>>, vector<1x256x128xf32>
    %get3A_10 = vector.shape_cast %get3A_9 : vector<1x256x128xf32> to vector<256x128xf32>
    %get3A_11 = arith.constant 0 : index
    %get3A_12 = arith.constant 0 : index
    %get3A_13 = vector.load %arg3[%get3A_11, %get3A_12] : memref<12x256xf32, #tpu.memory_space<vmem>>, vector<1x256xf32>
    %get3A_14 = vector.shape_cast %get3A_13 : vector<1x256xf32> to vector<256xf32>
    %broadcast_in_dim3A = vector.shape_cast %get3A_14 : vector<256xf32> to vector<256x1xf32>
    %mul3A = vector.broadcast %broadcast_in_dim3A : vector<256x1xf32> to vector<256x128xf32>
    %mul3A_15 = arith.mulf %get3A_10, %mul3A : vector<256x128xf32>
    %get3A_16 = arith.constant 0 : index
    %get3A_17 = arith.constant 0 : index
    %get3A_18 = arith.constant 0 : index
    %get3A_19 = vector.load %arg5[%get3A_16, %get3A_17, %get3A_18] : memref<12x128x768xf32, #tpu.memory_space<vmem>>, vector<1x128x768xf32>
    %get3A_20 = vector.shape_cast %get3A_19 : vector<1x128x768xf32> to vector<128x768xf32>
    %dot_general3A_21 = arith.constant dense<0.000000e+00> : vector<256x768xf32>
    %dot_general3A_22 = tpu.matmul %mul3A_15, %get3A_20, %dot_general3A_21 {dimension_numbers = #tpu.dot_dimension_numbers<[1], [0], [0], [1], [0, 0, 1, 1], [], []>, transpose_lhs_hint = false} : vector<256x128xf32>, vector<128x768xf32>, vector<256x768xf32> -> vector<256x768xf32>
    %add3A = arith.addf %dot_general3A_5, %dot_general3A_22 : vector<256x768xf32>
    %get3A_23 = arith.constant 1 : index
    %get3A_24 = arith.constant 0 : index
    %get3A_25 = arith.constant 0 : index
    %get3A_26 = vector.load %arg2[%get3A_23, %get3A_24, %get3A_25] : memref<12x256x128xf32, #tpu.memory_space<vmem>>, vector<1x256x128xf32>
    %get3A_27 = vector.shape_cast %get3A_26 : vector<1x256x128xf32> to vector<256x128xf32>
    %get3A_28 = arith.constant 1 : index
    %get3A_29 = arith.constant 0 : index
    %get3A_30 = vector.load %arg3[%get3A_28, %get3A_29] : memref<12x256xf32, #tpu.memory_space<vmem>>, vector<1x256xf32>
    %get3A_31 = vector.shape_cast %get3A_30 : vector<1x256xf32> to vector<256xf32>
    %broadcast_in_dim3A_32 = vector.shape_cast %get3A_31 : vector<256xf32> to vector<256x1xf32>
    %mul3A_33 = vector.broadcast %broadcast_in_dim3A_32 : vector<256x1xf32> to vector<256x128xf32>
    %mul3A_34 = arith.mulf %get3A_27, %mul3A_33 : vector<256x128xf32>
    %get3A_35 = arith.constant 1 : index
    %get3A_36 = arith.constant 0 : index
    %get3A_37 = arith.constant 0 : index
    %get3A_38 = vector.load %arg5[%get3A_35, %get3A_36, %get3A_37] : memref<12x128x768xf32, #tpu.memory_space<vmem>>, vector<1x128x768xf32>
    %get3A_39 = vector.shape_cast %get3A_38 : vector<1x128x768xf32> to vector<128x768xf32>
    %dot_general3A_40 = arith.constant dense<0.000000e+00> : vector<256x768xf32>
    %dot_general3A_41 = tpu.matmul %mul3A_34, %get3A_39, %dot_general3A_40 {dimension_numbers = #tpu.dot_dimension_numbers<[1], [0], [0], [1], [0, 0, 1, 1], [], []>, transpose_lhs_hint = false} : vector<256x128xf32>, vector<128x768xf32>, vector<256x768xf32> -> vector<256x768xf32>
    %add3A_42 = arith.addf %add3A, %dot_general3A_41 : vector<256x768xf32>
    %get3A_43 = arith.constant 2 : index
    %get3A_44 = arith.constant 0 : index
    %get3A_45 = arith.constant 0 : index
    %get3A_46 = vector.load %arg2[%get3A_43, %get3A_44, %get3A_45] : memref<12x256x128xf32, #tpu.memory_space<vmem>>, vector<1x256x128xf32>
    %get3A_47 = vector.shape_cast %get3A_46 : vector<1x256x128xf32> to vector<256x128xf32>
    %get3A_48 = arith.constant 2 : index
    %get3A_49 = arith.constant 0 : index
    %get3A_50 = vector.load %arg3[%get3A_48, %get3A_49] : memref<12x256xf32, #tpu.memory_space<vmem>>, vector<1x256xf32>
    %get3A_51 = vector.shape_cast %get3A_50 : vector<1x256xf32> to vector<256xf32>
    %broadcast_in_dim3A_52 = vector.shape_cast %get3A_51 : vector<256xf32> to vector<256x1xf32>
    %mul3A_53 = vector.broadcast %broadcast_in_dim3A_52 : vector<256x1xf32> to vector<256x128xf32>
    %mul3A_54 = arith.mulf %get3A_47, %mul3A_53 : vector<256x128xf32>
    %get3A_55 = arith.constant 2 : index
    %get3A_56 = arith.constant 0 : index
    %get3A_57 = arith.constant 0 : index
    %get3A_58 = vector.load %arg5[%get3A_55, %get3A_56, %get3A_57] : memref<12x128x768xf32, #tpu.memory_space<vmem>>, vector<1x128x768xf32>
    %get3A_59 = vector.shape_cast %get3A_58 : vector<1x128x768xf32> to vector<128x768xf32>
    %dot_general3A_60 = arith.constant dense<0.000000e+00> : vector<256x768xf32>
    %dot_general3A_61 = tpu.matmul %mul3A_54, %get3A_59, %dot_general3A_60 {dimension_numbers = #tpu.dot_dimension_numbers<[1], [0], [0], [1], [0, 0, 1, 1], [], []>, transpose_lhs_hint = false} : vector<256x128xf32>, vector<128x768xf32>, vector<256x768xf32> -> vector<256x768xf32>
    %add3A_62 = arith.addf %add3A_42, %dot_general3A_61 : vector<256x768xf32>
    %get3A_63 = arith.constant 3 : index
    %get3A_64 = arith.constant 0 : index
    %get3A_65 = arith.constant 0 : index
    %get3A_66 = vector.load %arg2[%get3A_63, %get3A_64, %get3A_65] : memref<12x256x128xf32, #tpu.memory_space<vmem>>, vector<1x256x128xf32>
    %get3A_67 = vector.shape_cast %get3A_66 : vector<1x256x128xf32> to vector<256x128xf32>
    %get3A_68 = arith.constant 3 : index
    %get3A_69 = arith.constant 0 : index
    %get3A_70 = vector.load %arg3[%get3A_68, %get3A_69] : memref<12x256xf32, #tpu.memory_space<vmem>>, vector<1x256xf32>
    %get3A_71 = vector.shape_cast %get3A_70 : vector<1x256xf32> to vector<256xf32>
    %broadcast_in_dim3A_72 = vector.shape_cast %get3A_71 : vector<256xf32> to vector<256x1xf32>
    %mul3A_73 = vector.broadcast %broadcast_in_dim3A_72 : vector<256x1xf32> to vector<256x128xf32>
    %mul3A_74 = arith.mulf %get3A_67, %mul3A_73 : vector<256x128xf32>
    %get3A_75 = arith.constant 3 : index
    %get3A_76 = arith.constant 0 : index
    %get3A_77 = arith.constant 0 : index
    %get3A_78 = vector.load %arg5[%get3A_75, %get3A_76, %get3A_77] : memref<12x128x768xf32, #tpu.memory_space<vmem>>, vector<1x128x768xf32>
    %get3A_79 = vector.shape_cast %get3A_78 : vector<1x128x768xf32> to vector<128x768xf32>
    %dot_general3A_80 = arith.constant dense<0.000000e+00> : vector<256x768xf32>
    %dot_general3A_81 = tpu.matmul %mul3A_74, %get3A_79, %dot_general3A_80 {dimension_numbers = #tpu.dot_dimension_numbers<[1], [0], [0], [1], [0, 0, 1, 1], [], []>, transpose_lhs_hint = false} : vector<256x128xf32>, vector<128x768xf32>, vector<256x768xf32> -> vector<256x768xf32>
    %add3A_82 = arith.addf %add3A_62, %dot_general3A_81 : vector<256x768xf32>
    %get3A_83 = arith.constant 4 : index
    %get3A_84 = arith.constant 0 : index
    %get3A_85 = arith.constant 0 : index
    %get3A_86 = vector.load %arg2[%get3A_83, %get3A_84, %get3A_85] : memref<12x256x128xf32, #tpu.memory_space<vmem>>, vector<1x256x128xf32>
    %get3A_87 = vector.shape_cast %get3A_86 : vector<1x256x128xf32> to vector<256x128xf32>
    %get3A_88 = arith.constant 4 : index
    %get3A_89 = arith.constant 0 : index
    %get3A_90 = vector.load %arg3[%get3A_88, %get3A_89] : memref<12x256xf32, #tpu.memory_space<vmem>>, vector<1x256xf32>
    %get3A_91 = vector.shape_cast %get3A_90 : vector<1x256xf32> to vector<256xf32>
    %broadcast_in_dim3A_92 = vector.shape_cast %get3A_91 : vector<256xf32> to vector<256x1xf32>
    %mul3A_93 = vector.broadcast %broadcast_in_dim3A_92 : vector<256x1xf32> to vector<256x128xf32>
    %mul3A_94 = arith.mulf %get3A_87, %mul3A_93 : vector<256x128xf32>
    %get3A_95 = arith.constant 4 : index
    %get3A_96 = arith.constant 0 : index
    %get3A_97 = arith.constant 0 : index
    %get3A_98 = vector.load %arg5[%get3A_95, %get3A_96, %get3A_97] : memref<12x128x768xf32, #tpu.memory_space<vmem>>, vector<1x128x768xf32>
    %get3A_99 = vector.shape_cast %get3A_98 : vector<1x128x768xf32> to vector<128x768xf32>
    %dot_general3A_100 = arith.constant dense<0.000000e+00> : vector<256x768xf32>
    %dot_general3A_101 = tpu.matmul %mul3A_94, %get3A_99, %dot_general3A_100 {dimension_numbers = #tpu.dot_dimension_numbers<[1], [0], [0], [1], [0, 0, 1, 1], [], []>, transpose_lhs_hint = false} : vector<256x128xf32>, vector<128x768xf32>, vector<256x768xf32> -> vector<256x768xf32>
    %add3A_102 = arith.addf %add3A_82, %dot_general3A_101 : vector<256x768xf32>
    %get3A_103 = arith.constant 5 : index
    %get3A_104 = arith.constant 0 : index
    %get3A_105 = arith.constant 0 : index
    %get3A_106 = vector.load %arg2[%get3A_103, %get3A_104, %get3A_105] : memref<12x256x128xf32, #tpu.memory_space<vmem>>, vector<1x256x128xf32>
    %get3A_107 = vector.shape_cast %get3A_106 : vector<1x256x128xf32> to vector<256x128xf32>
    %get3A_108 = arith.constant 5 : index
    %get3A_109 = arith.constant 0 : index
    %get3A_110 = vector.load %arg3[%get3A_108, %get3A_109] : memref<12x256xf32, #tpu.memory_space<vmem>>, vector<1x256xf32>
    %get3A_111 = vector.shape_cast %get3A_110 : vector<1x256xf32> to vector<256xf32>
    %broadcast_in_dim3A_112 = vector.shape_cast %get3A_111 : vector<256xf32> to vector<256x1xf32>
    %mul3A_113 = vector.broadcast %broadcast_in_dim3A_112 : vector<256x1xf32> to vector<256x128xf32>
    %mul3A_114 = arith.mulf %get3A_107, %mul3A_113 : vector<256x128xf32>
    %get3A_115 = arith.constant 5 : index
    %get3A_116 = arith.constant 0 : index
    %get3A_117 = arith.constant 0 : index
    %get3A_118 = vector.load %arg5[%get3A_115, %get3A_116, %get3A_117] : memref<12x128x768xf32, #tpu.memory_space<vmem>>, vector<1x128x768xf32>
    %get3A_119 = vector.shape_cast %get3A_118 : vector<1x128x768xf32> to vector<128x768xf32>
    %dot_general3A_120 = arith.constant dense<0.000000e+00> : vector<256x768xf32>
    %dot_general3A_121 = tpu.matmul %mul3A_114, %get3A_119, %dot_general3A_120 {dimension_numbers = #tpu.dot_dimension_numbers<[1], [0], [0], [1], [0, 0, 1, 1], [], []>, transpose_lhs_hint = false} : vector<256x128xf32>, vector<128x768xf32>, vector<256x768xf32> -> vector<256x768xf32>
    %add3A_122 = arith.addf %add3A_102, %dot_general3A_121 : vector<256x768xf32>
    %get3A_123 = arith.constant 6 : index
    %get3A_124 = arith.constant 0 : index
    %get3A_125 = arith.constant 0 : index
    %get3A_126 = vector.load %arg2[%get3A_123, %get3A_124, %get3A_125] : memref<12x256x128xf32, #tpu.memory_space<vmem>>, vector<1x256x128xf32>
    %get3A_127 = vector.shape_cast %get3A_126 : vector<1x256x128xf32> to vector<256x128xf32>
    %get3A_128 = arith.constant 6 : index
    %get3A_129 = arith.constant 0 : index
    %get3A_130 = vector.load %arg3[%get3A_128, %get3A_129] : memref<12x256xf32, #tpu.memory_space<vmem>>, vector<1x256xf32>
    %get3A_131 = vector.shape_cast %get3A_130 : vector<1x256xf32> to vector<256xf32>
    %broadcast_in_dim3A_132 = vector.shape_cast %get3A_131 : vector<256xf32> to vector<256x1xf32>
    %mul3A_133 = vector.broadcast %broadcast_in_dim3A_132 : vector<256x1xf32> to vector<256x128xf32>
    %mul3A_134 = arith.mulf %get3A_127, %mul3A_133 : vector<256x128xf32>
    %get3A_135 = arith.constant 6 : index
    %get3A_136 = arith.constant 0 : index
    %get3A_137 = arith.constant 0 : index
    %get3A_138 = vector.load %arg5[%get3A_135, %get3A_136, %get3A_137] : memref<12x128x768xf32, #tpu.memory_space<vmem>>, vector<1x128x768xf32>
    %get3A_139 = vector.shape_cast %get3A_138 : vector<1x128x768xf32> to vector<128x768xf32>
    %dot_general3A_140 = arith.constant dense<0.000000e+00> : vector<256x768xf32>
    %dot_general3A_141 = tpu.matmul %mul3A_134, %get3A_139, %dot_general3A_140 {dimension_numbers = #tpu.dot_dimension_numbers<[1], [0], [0], [1], [0, 0, 1, 1], [], []>, transpose_lhs_hint = false} : vector<256x128xf32>, vector<128x768xf32>, vector<256x768xf32> -> vector<256x768xf32>
    %add3A_142 = arith.addf %add3A_122, %dot_general3A_141 : vector<256x768xf32>
    %get3A_143 = arith.constant 7 : index
    %get3A_144 = arith.constant 0 : index
    %get3A_145 = arith.constant 0 : index
    %get3A_146 = vector.load %arg2[%get3A_143, %get3A_144, %get3A_145] : memref<12x256x128xf32, #tpu.memory_space<vmem>>, vector<1x256x128xf32>
    %get3A_147 = vector.shape_cast %get3A_146 : vector<1x256x128xf32> to vector<256x128xf32>
    %get3A_148 = arith.constant 7 : index
    %get3A_149 = arith.constant 0 : index
    %get3A_150 = vector.load %arg3[%get3A_148, %get3A_149] : memref<12x256xf32, #tpu.memory_space<vmem>>, vector<1x256xf32>
    %get3A_151 = vector.shape_cast %get3A_150 : vector<1x256xf32> to vector<256xf32>
    %broadcast_in_dim3A_152 = vector.shape_cast %get3A_151 : vector<256xf32> to vector<256x1xf32>
    %mul3A_153 = vector.broadcast %broadcast_in_dim3A_152 : vector<256x1xf32> to vector<256x128xf32>
    %mul3A_154 = arith.mulf %get3A_147, %mul3A_153 : vector<256x128xf32>
    %get3A_155 = arith.constant 7 : index
    %get3A_156 = arith.constant 0 : index
    %get3A_157 = arith.constant 0 : index
    %get3A_158 = vector.load %arg5[%get3A_155, %get3A_156, %get3A_157] : memref<12x128x768xf32, #tpu.memory_space<vmem>>, vector<1x128x768xf32>
    %get3A_159 = vector.shape_cast %get3A_158 : vector<1x128x768xf32> to vector<128x768xf32>
    %dot_general3A_160 = arith.constant dense<0.000000e+00> : vector<256x768xf32>
    %dot_general3A_161 = tpu.matmul %mul3A_154, %get3A_159, %dot_general3A_160 {dimension_numbers = #tpu.dot_dimension_numbers<[1], [0], [0], [1], [0, 0, 1, 1], [], []>, transpose_lhs_hint = false} : vector<256x128xf32>, vector<128x768xf32>, vector<256x768xf32> -> vector<256x768xf32>
    %add3A_162 = arith.addf %add3A_142, %dot_general3A_161 : vector<256x768xf32>
    %get3A_163 = arith.constant 8 : index
    %get3A_164 = arith.constant 0 : index
    %get3A_165 = arith.constant 0 : index
    %get3A_166 = vector.load %arg2[%get3A_163, %get3A_164, %get3A_165] : memref<12x256x128xf32, #tpu.memory_space<vmem>>, vector<1x256x128xf32>
    %get3A_167 = vector.shape_cast %get3A_166 : vector<1x256x128xf32> to vector<256x128xf32>
    %get3A_168 = arith.constant 8 : index
    %get3A_169 = arith.constant 0 : index
    %get3A_170 = vector.load %arg3[%get3A_168, %get3A_169] : memref<12x256xf32, #tpu.memory_space<vmem>>, vector<1x256xf32>
    %get3A_171 = vector.shape_cast %get3A_170 : vector<1x256xf32> to vector<256xf32>
    %broadcast_in_dim3A_172 = vector.shape_cast %get3A_171 : vector<256xf32> to vector<256x1xf32>
    %mul3A_173 = vector.broadcast %broadcast_in_dim3A_172 : vector<256x1xf32> to vector<256x128xf32>
    %mul3A_174 = arith.mulf %get3A_167, %mul3A_173 : vector<256x128xf32>
    %get3A_175 = arith.constant 8 : index
    %get3A_176 = arith.constant 0 : index
    %get3A_177 = arith.constant 0 : index
    %get3A_178 = vector.load %arg5[%get3A_175, %get3A_176, %get3A_177] : memref<12x128x768xf32, #tpu.memory_space<vmem>>, vector<1x128x768xf32>
    %get3A_179 = vector.shape_cast %get3A_178 : vector<1x128x768xf32> to vector<128x768xf32>
    %dot_general3A_180 = arith.constant dense<0.000000e+00> : vector<256x768xf32>
    %dot_general3A_181 = tpu.matmul %mul3A_174, %get3A_179, %dot_general3A_180 {dimension_numbers = #tpu.dot_dimension_numbers<[1], [0], [0], [1], [0, 0, 1, 1], [], []>, transpose_lhs_hint = false} : vector<256x128xf32>, vector<128x768xf32>, vector<256x768xf32> -> vector<256x768xf32>
    %add3A_182 = arith.addf %add3A_162, %dot_general3A_181 : vector<256x768xf32>
    %get3A_183 = arith.constant 9 : index
    %get3A_184 = arith.constant 0 : index
    %get3A_185 = arith.constant 0 : index
    %get3A_186 = vector.load %arg2[%get3A_183, %get3A_184, %get3A_185] : memref<12x256x128xf32, #tpu.memory_space<vmem>>, vector<1x256x128xf32>
    %get3A_187 = vector.shape_cast %get3A_186 : vector<1x256x128xf32> to vector<256x128xf32>
    %get3A_188 = arith.constant 9 : index
    %get3A_189 = arith.constant 0 : index
    %get3A_190 = vector.load %arg3[%get3A_188, %get3A_189] : memref<12x256xf32, #tpu.memory_space<vmem>>, vector<1x256xf32>
    %get3A_191 = vector.shape_cast %get3A_190 : vector<1x256xf32> to vector<256xf32>
    %broadcast_in_dim3A_192 = vector.shape_cast %get3A_191 : vector<256xf32> to vector<256x1xf32>
    %mul3A_193 = vector.broadcast %broadcast_in_dim3A_192 : vector<256x1xf32> to vector<256x128xf32>
    %mul3A_194 = arith.mulf %get3A_187, %mul3A_193 : vector<256x128xf32>
    %get3A_195 = arith.constant 9 : index
    %get3A_196 = arith.constant 0 : index
    %get3A_197 = arith.constant 0 : index
    %get3A_198 = vector.load %arg5[%get3A_195, %get3A_196, %get3A_197] : memref<12x128x768xf32, #tpu.memory_space<vmem>>, vector<1x128x768xf32>
    %get3A_199 = vector.shape_cast %get3A_198 : vector<1x128x768xf32> to vector<128x768xf32>
    %dot_general3A_200 = arith.constant dense<0.000000e+00> : vector<256x768xf32>
    %dot_general3A_201 = tpu.matmul %mul3A_194, %get3A_199, %dot_general3A_200 {dimension_numbers = #tpu.dot_dimension_numbers<[1], [0], [0], [1], [0, 0, 1, 1], [], []>, transpose_lhs_hint = false} : vector<256x128xf32>, vector<128x768xf32>, vector<256x768xf32> -> vector<256x768xf32>
    %add3A_202 = arith.addf %add3A_182, %dot_general3A_201 : vector<256x768xf32>
    %get3A_203 = arith.constant 10 : index
    %get3A_204 = arith.constant 0 : index
    %get3A_205 = arith.constant 0 : index
    %get3A_206 = vector.load %arg2[%get3A_203, %get3A_204, %get3A_205] : memref<12x256x128xf32, #tpu.memory_space<vmem>>, vector<1x256x128xf32>
    %get3A_207 = vector.shape_cast %get3A_206 : vector<1x256x128xf32> to vector<256x128xf32>
    %get3A_208 = arith.constant 10 : index
    %get3A_209 = arith.constant 0 : index
    %get3A_210 = vector.load %arg3[%get3A_208, %get3A_209] : memref<12x256xf32, #tpu.memory_space<vmem>>, vector<1x256xf32>
    %get3A_211 = vector.shape_cast %get3A_210 : vector<1x256xf32> to vector<256xf32>
    %broadcast_in_dim3A_212 = vector.shape_cast %get3A_211 : vector<256xf32> to vector<256x1xf32>
    %mul3A_213 = vector.broadcast %broadcast_in_dim3A_212 : vector<256x1xf32> to vector<256x128xf32>
    %mul3A_214 = arith.mulf %get3A_207, %mul3A_213 : vector<256x128xf32>
    %get3A_215 = arith.constant 10 : index
    %get3A_216 = arith.constant 0 : index
    %get3A_217 = arith.constant 0 : index
    %get3A_218 = vector.load %arg5[%get3A_215, %get3A_216, %get3A_217] : memref<12x128x768xf32, #tpu.memory_space<vmem>>, vector<1x128x768xf32>
    %get3A_219 = vector.shape_cast %get3A_218 : vector<1x128x768xf32> to vector<128x768xf32>
    %dot_general3A_220 = arith.constant dense<0.000000e+00> : vector<256x768xf32>
    %dot_general3A_221 = tpu.matmul %mul3A_214, %get3A_219, %dot_general3A_220 {dimension_numbers = #tpu.dot_dimension_numbers<[1], [0], [0], [1], [0, 0, 1, 1], [], []>, transpose_lhs_hint = false} : vector<256x128xf32>, vector<128x768xf32>, vector<256x768xf32> -> vector<256x768xf32>
    %add3A_222 = arith.addf %add3A_202, %dot_general3A_221 : vector<256x768xf32>
    %get3A_223 = arith.constant 11 : index
    %get3A_224 = arith.constant 0 : index
    %get3A_225 = arith.constant 0 : index
    %get3A_226 = vector.load %arg2[%get3A_223, %get3A_224, %get3A_225] : memref<12x256x128xf32, #tpu.memory_space<vmem>>, vector<1x256x128xf32>
    %get3A_227 = vector.shape_cast %get3A_226 : vector<1x256x128xf32> to vector<256x128xf32>
    %get3A_228 = arith.constant 11 : index
    %get3A_229 = arith.constant 0 : index
    %get3A_230 = vector.load %arg3[%get3A_228, %get3A_229] : memref<12x256xf32, #tpu.memory_space<vmem>>, vector<1x256xf32>
    %get3A_231 = vector.shape_cast %get3A_230 : vector<1x256xf32> to vector<256xf32>
    %broadcast_in_dim3A_232 = vector.shape_cast %get3A_231 : vector<256xf32> to vector<256x1xf32>
    %mul3A_233 = vector.broadcast %broadcast_in_dim3A_232 : vector<256x1xf32> to vector<256x128xf32>
    %mul3A_234 = arith.mulf %get3A_227, %mul3A_233 : vector<256x128xf32>
    %get3A_235 = arith.constant 11 : index
    %get3A_236 = arith.constant 0 : index
    %get3A_237 = arith.constant 0 : index
    %get3A_238 = vector.load %arg5[%get3A_235, %get3A_236, %get3A_237] : memref<12x128x768xf32, #tpu.memory_space<vmem>>, vector<1x128x768xf32>
    %get3A_239 = vector.shape_cast %get3A_238 : vector<1x128x768xf32> to vector<128x768xf32>
    %dot_general3A_240 = arith.constant dense<0.000000e+00> : vector<256x768xf32>
    %dot_general3A_241 = tpu.matmul %mul3A_234, %get3A_239, %dot_general3A_240 {dimension_numbers = #tpu.dot_dimension_numbers<[1], [0], [0], [1], [0, 0, 1, 1], [], []>, transpose_lhs_hint = false} : vector<256x128xf32>, vector<128x768xf32>, vector<256x768xf32> -> vector<256x768xf32>
    %add3A_242 = arith.addf %add3A_222, %dot_general3A_241 : vector<256x768xf32>
    %get3A_243 = arith.constant 0 : index
    %get3A_244 = vector.load %arg6[%get3A_243] : memref<768xf32, #tpu.memory_space<vmem>>, vector<768xf32>
    %broadcast_in_dim3A_245 = vector.shape_cast %get3A_244 : vector<768xf32> to vector<1x768xf32>
    %add3A_246 = vector.broadcast %broadcast_in_dim3A_245 : vector<1x768xf32> to vector<256x768xf32>
    %add3A_247 = arith.addf %add3A_242, %add3A_246 : vector<256x768xf32>
    %swap3A = arith.constant 0 : index
    %swap3A_248 = arith.constant 0 : index
    %swap3A_249 = vector.load %arg7[%swap3A, %swap3A_248] : memref<256x768xf32, #tpu.memory_space<vmem>>, vector<256x768xf32>
    tpu.vector_store %arg7[%swap3A, %swap3A_248], %add3A_247 {strides = array<i32>} : memref<256x768xf32, #tpu.memory_space<vmem>>, vector<256x768xf32>,
    return
  }
  func.func @transform_0(%arg0: i32) -> (i32, i32) {
    %c0_i32 = arith.constant 0 : i32
    %c0_i32_0 = arith.constant 0 : i32
    return %arg0, %c0_i32 : i32, i32
  }
  func.func @transform_1(%arg0: i32) -> (i32, i32, i32) {
    %c0_i32 = arith.constant 0 : i32
    %c0_i32_0 = arith.constant 0 : i32
    %c0_i32_1 = arith.constant 0 : i32
    return %c0_i32, %arg0, %c0_i32_0 : i32, i32, i32
  }
  func.func @transform_2(%arg0: i32) -> (i32, i32) {
    %c0_i32 = arith.constant 0 : i32
    %c0_i32_0 = arith.constant 0 : i32
    return %c0_i32, %arg0 : i32, i32
  }
  func.func @transform_3(%arg0: i32) -> (i32, i32) {
    %c0_i32 = arith.constant 0 : i32
    %c0_i32_0 = arith.constant 0 : i32
    %c0_i32_1 = arith.constant 0 : i32
    return %c0_i32, %c0_i32_0 : i32, i32
  }
  func.func @transform_4(%arg0: i32) -> (i32, i32, i32) {
    %c0_i32 = arith.constant 0 : i32
    %c0_i32_0 = arith.constant 0 : i32
    %c0_i32_1 = arith.constant 0 : i32
    %c0_i32_2 = arith.constant 0 : i32
    return %c0_i32, %c0_i32_0, %c0_i32_1 : i32, i32, i32
  }
  func.func @transform_5(%arg0: i32) -> i32 {
    %c0_i32 = arith.constant 0 : i32
    %c0_i32_0 = arith.constant 0 : i32
    return %c0_i32 : i32
  }
  func.func @transform_6(%arg0: i32) -> (i32, i32) {
    %c0_i32 = arith.constant 0 : i32
    %c0_i32_0 = arith.constant 0 : i32
    return %arg0, %c0_i32 : i32, i32
  }
}

</mosaic_0001>

<sc_bundles>
// kernel: kernel.7.cloned.1.call-start
scs
__scs_entry_jumppad:
0x0: {  	(pc) =	sbr.rel $0x88, $3  }
0x1: {  	(tag) =	ssettag $0x0;
	lr =	simm.s32 $0x1  }
0x2: {  	[smem:$0x3F91] =	sst lr;
	_ =	strace $0xD0000000  }
0x3: {  	_ = 	snop  }
0x4: {  	_ = 	snop  }
0x5: {  	_ = 	snop  }
0x6: {  	_ = 	snop  }
0x7: {  	_ = 	snop  }
__scs_overlays_trampoline_lowered:
0x8: {  	[smem:$0x3FA0] =	sst s0  }
0x9: {  	[smem:$0x3FA1] =	sst s1  }
0xa: {  	[smem:$0x3FA2] =	sst s2  }
0xb: {  	[smem:$0x3FA3] =	sst s3  }
0xc: {  	[smem:$0x3FA4] =	sst s4  }
0xd: {  	[smem:$0x3FA5] =	sst s5  }
0xe: {  	[smem:$0x3FA6] =	sst s6  }
0xf: {  	[smem:$0x3FA7] =	sst s7  }
0x10: {  	[smem:$0x3FA8] =	sst s8  }
0x11: {  	[smem:$0x3FA9] =	sst s9;
	s0 =	simm.s32 @!p0 $0x0  }
0x12: {  	s1 =	sld [smem:$0x3F8F];
	s0 =	simm.s32 @p0 $0x1  }
0x13: {  	[smem:$0x3FAA] =	sst s0;
	s0 =	simm.s32 @!p1 $0x0  }
0x14: {  	s2 =	sld [smem:$0x3F8E];
	s0 =	simm.s32 @p1 $0x1  }
0x15: {  	[smem:$0x3FAB] =	sst s0;
	s0 =	simm.s32 @!p2 $0x0  }
0x16: {  	s3 =	sld [smem:$0x3FDB];
	s0 =	simm.s32 @p2 $0x1  }
0x17: {  	s4 =	simm.s32 $0x1BF5;
	[smem:$0x3FAD] =	sst s0  }
0x18: {  	s0 =	sld [smem:$0x3F90];
	_ =	swait.ge [sflag:s4], $0x0  }
0x19: {  	s7 =	sld [smem:$0x3F91]  }
0x1a: {  	s8 =	sadd.s32 $0xFFFFE003, lr  }
0x1b: {  	s9 =	sadd.s32 $0xFFFFFEF7, lr;
	s5 =	simm.s32 $0xFFFFFFFF;
	p2 =	slt.u32 s8, $0xFFFFF086  }
0x1c: {  	p1 =	slt.u32 s9, $0xF7A;
	s5 =	simm.s32 @!p2 $0x0  }
0x1d: {  	s5 =	simm.s32 @p1 $0x1;
	p0 =	seq.s32 s7, s2  }
0x1e: {  	s7 =	smul.u32 @!p0 $0xF7A, s2;
	p2 =	seq.s32 @!p0 s5, $0x0  }
0x1f: {  	s9 =	smul.u32 $0xF7A, s1;
	s8 =	simm.s32 @!p0 $0x1BF5;
	p2 =	por !p2, p0  }
0x20: {  	[sflag:s8] =	ssyncset.s32 @!p0 $0xFFFFF086;
	s6 =	sadd.s32 @!p0 s3, s7;
	s7 =	simm.s32 @!p0 $0x108  }
0x21: {  	s3 =	sadd.s32 s3, s9;
	s6 =	sadd.s32 @!p0 $0x88, s6;
	s7 =	simm.s32 @p2 $0x1082  }
0x22: {  	[simem:s7], [sflag:s8] =	dma.local @!p0 [hbm:s6], $0xF7A  }
0x23: {  	s9 =	sor.u32 $0xD0000000, s2;
	s6 =	simm.s32 $0x108;
	_ =	swait.ge @!p0 [sflag:s8], $0x0  }
0x24: {  	s3 =	sadd.s32 $0x88, s3;
	s6 =	simm.s32 @!p1 $0x1082;
	[sflag:s4] =	ssyncset.s32 $0xFFFFF086  }
0x25: {  	[simem:s6], [sflag:s4] =	dma.local [hbm:s3], $0xF7A  }
0x26: {  	[smem:$0x3F91] =	sst s1;
	(tag) =	ssettag s2;
	_ =	strace s9  }
0x27: {  	s1 =	sld [smem:$0x3FA1]  }
0x28: {  	s2 =	sld [smem:$0x3FA2]  }
0x29: {  	s4 =	sld [smem:$0x3FA4]  }
0x2a: {  	p0 =	seq.s32 s5, $0x0;
	s5 =	sld [smem:$0x3FA5]  }
0x2b: {  	s6 =	sld [smem:$0x3FA6]  }
0x2c: {  	s7 =	sld [smem:$0x3FA7]  }
0x2d: {  	s3 =	simm.s32 $0x108;
	s8 =	sld [smem:$0x3FA8]  }
0x2e: {  	s3 =	simm.s32 @!p0 $0x1082;
	s9 =	sld [smem:$0x3FA9]  }
0x2f: {  	lr =	sadd.s32 s0, s3;
	s0 =	sld [smem:$0x3FA0]  }
0x30: {  	s3 =	sld [smem:$0x3FA3]  }
0x31: {  	[smem:$0x3FAC] =	sst s10  }
0x32: {  	s10 =	sld [smem:$0x3FAA];
	_ =	sdelay $0x3  }
0x33: {  	p0 =	seq.s32 s10, $0x1;
	s10 =	sld [smem:$0x3FAC];
	_ =	sdelay $0x3  }
0x34: {  	[smem:$0x3FAC] =	sst s10  }
0x35: {  	s10 =	sld [smem:$0x3FAB];
	_ =	sdelay $0x3  }
0x36: {  	p1 =	seq.s32 s10, $0x1;
	s10 =	sld [smem:$0x3FAC];
	_ =	sdelay $0x3  }
0x37: {  	[smem:$0x3FAC] =	sst s10  }
0x38: {  	s10 =	sld [smem:$0x3FAD]  }
0x39: {  	_ = 	snop;
	(pc) =	sbr.ind lr, $3  }
0x3a: {  	_ = 	snop  }
0x3b: {  	_ = 	snop  }
0x3c: {  	p2 =	seq.s32 s10, $0x1;
	s10 =	sld [smem:$0x3FAC]  }
0x3d: {  	_ =	shalt  }
0x3e: {  	_ =	shalt  }
0x3f: {  	_ =	shalt  }
0x40: {  	_ =	shalt  }
0x41: {  	_ =	shalt  }
0x42: {  	_ =	shalt  }
0x43: {  	_ =	shalt  }
0x44: {  	_ =	shalt  }
0x45: {  	_ =	shalt  }
0x46: {  	_ =	shalt  }
0x47: {  	_ =	shalt  }
0x48: {  	_ =	shalt  }
0x49: {  	_ =	shalt  }
0x4a: {  	_ =	shalt  }
0x4b: {  	_ =	shalt  }
0x4c: {  	_ =	shalt  }
0x4d: {  	_ =	shalt  }
0x4e: {  	_ =	shalt  }
0x4f: {  	_ =	shalt  }
0x50: {  	_ =	shalt  }
0x51: {  	_ =	shalt  }
0x52: {  	_ =	shalt  }
0x53: {  	_ =	shalt  }
0x54: {  	_ =	shalt  }
0x55: {  	_ =	shalt  }
0x56: {  	_ =	shalt  }
0x57: {  	_ =	shalt  }
0x58: {  	_ =	shalt  }
0x59: {  	_ =	shalt  }
0x5a: {  	_ =	shalt  }
0x5b: {  	_ =	shalt  }
0x5c: {  	_ =	shalt  }
0x5d: {  	_ =	shalt  }
0x5e: {  	_ =	shalt  }
0x5f: {  	_ =	shalt  }
0x60: {  	_ =	shalt  }
0x61: {  	_ =	shalt  }
0x62: {  	_ =	shalt  }
0x63: {  	_ =	shalt  }
0x64: {  	_ =	shalt  }
0x65: {  	_ =	shalt  }
0x66: {  	_ =	shalt  }
0x67: {  	_ =	shalt  }
0x68: {  	_ =	shalt  }
0x69: {  	_ =	shalt  }
0x6a: {  	_ =	shalt  }
0x6b: {  	_ =	shalt  }
0x6c: {  	_ =	shalt  }
0x6d: {  	_ =	shalt  }
0x6e: {  	_ =	shalt  }
0x6f: {  	_ =	shalt  }
0x70: {  	_ =	shalt  }
0x71: {  	_ =	shalt  }
0x72: {  	_ =	shalt  }
0x73: {  	_ =	shalt  }
0x74: {  	_ =	shalt  }
0x75: {  	_ =	shalt  }
0x76: {  	_ =	shalt  }
0x77: {  	_ =	shalt  }
0x78: {  	_ =	shalt  }
0x79: {  	_ =	shalt  }
0x7a: {  	_ =	shalt  }
0x7b: {  	_ =	shalt  }
0x7c: {  	_ =	shalt  }
0x7d: {  	_ =	shalt  }
0x7e: {  	_ =	shalt  }
0x7f: {  	_ =	shalt  }
0x80: {  	_ =	shalt  }
0x81: {  	_ =	shalt  }
0x82: {  	_ =	shalt  }
0x83: {  	_ =	shalt  }
0x84: {  	_ =	shalt  }
0x85: {  	_ =	shalt  }
0x86: {  	_ =	shalt  }
0x87: {  	_ =	shalt  }
.Lfunc_end0:
.L_simem_size_0:
called_computation_lowered:
.L_overlay_start_0:
0x88: {  	s2 =	sld [smem:$0x3FD9]  }
0x89: {  	s3 =	sld [smem:$0x3FFE];
	_ =	sdelay $0x1  }
0x8a: {  	s1 =	srdreg.scid  }
0x8b: {  	s0 =	sand.u32 $0x1, s1  }
0x8c: {  	s17 =	sshll.u32 s0, $0xA;
	s2 =	sadd.s32 s3, s2  }
0x8d: {  	s2 =	sadd.s32 s2, s17  }
0x8e: {  	[smem:$0x3FB8] =	sst s2  }
0x8f: {  	_ = 	snop  }
0x90: {  	s2 =	sld [smem:$0x3FD0];
	(tm) =	ssettm $0x1  }
0x91: {  	s18 =	sld [smem:$0x3FFB];
	_ =	sdelay $0x3  }
0x92: {  	_ =	strace s18  }
0x93: {  	s3 =	sld [smem:$0x3FFC];
	_ =	sdelay $0x3  }
0x94: {  	_ =	strace s3  }
0x95: {  	s3 =	sld [smem:$0x3FFD];
	_ =	sdelay $0x3  }
0x96: {  	_ =	strace s3  }
0x97: {  	_ =	strace $0x8FFFFFFF  }
0x98: {  	s19 =	sld [smem:$0x3FDB];
	_ =	sdelay $0x1  }
0x99: {  	s4 =	simm.s32 $_scs_section_size  }
0x9a: {  	s5 =	simm.s32 $_size__tile_overlayer_lowered;
	s6 =	simm.s32 $_tile_overlayer_lowered  }
0x9b: {  	s22 =	simm.s32 $0x1BFF;
	s21 =	sshll.u32 s6, $0x1;
	s3 =	sadd.s32 s4, s19  }
0x9c: {  	s7 =	simm.s32 $0x0;
	s20 =	sshll.u32 s5, $0x1;
	s5 =	sadd.s32 s21, s3  }
0x9d: {  	[timem:s7], [sflag:s22] =	dma.local [hbm:s5], s20  }
0x9e: {  	_ =	swait.ge [sflag:s22], s20  }
0x9f: {  	s4 =	ssub.s32 $0x0, s20;
	[sflag:s22] =	ssyncset.done $0x0  }
0xa0: {  	[sflag:s22] =	ssyncadd.s32 s4;
	_ =	sdelay $0x1  }
0xa1: {  	s23 =	simm.s32 $0x1B8B  }
0xa2: {  	_ =	swait.ge [sflag:s23], $0x1  }
0xa3: {  	[sflag:s23] =	ssyncset.done $0x0  }
0xa4: {  	s25 =	simm.s32 $0x1B8E;
	s24 =	sld [smem:$0x3FFE];
	[sflag:s23] =	ssyncadd.s32 $0xFFFFFFFF  }
0xa5: {  	s26 =	simm.s32 $execute0_lowered;
	[smem:$0x3FD2] =	sst s25  }
0xa6: {  	s5 =	sshll.u32 s26, $0x1;
	_ =	strace $0x80000046;
	[dreg:$0x1] =	wrdreg $0xFFFFFFFF  }
0xa7: {  	s28 =	simm.s32 $_size_execute0_lowered;
	s3 =	sadd.s32 s3, s5;
	[dreg:$0x0] =	wrdreg $0x0  }
0xa8: {  	s5 =	sshll.u32 s28, $0x1;
	[dreg:$0x2] =	wrdreg s3  }
0xa9: {  	[dreg:$0x3] =	wrdreg s5  }
0xaa: {  	[dreg:$0x4] =	wrdreg $0xC0  }
0xab: {  	_ =	task [dreg:s7], $0x5FFFF  }
0xac: {  	[dreg:$0x1] =	wrdreg $0xFFFFFFFF  }
0xad: {  	[dreg:$0x0] =	wrdreg $0x60  }
0xae: {  	[dreg:$0x2] =	wrdreg s24  }
0xaf: {  	[dreg:$0x3] =	wrdreg s2  }
0xb0: {  	[dreg:$0x4] =	wrdreg $0x9  }
0xb1: {  	_ =	task.clear_ibuf [dreg:s7], $0x5FFFF;
	_ =	strace $0x90000046  }
0xb2: {  	s29 =	simm.s32 $0x9;
	_ =	strace $0x80000048  }
0xb3: {  	_ =	swait.ge [sflag:s29], $0x1  }
0xb4: {  	[sflag:s29] =	ssyncadd.s32 $0xFFFFFFFF  }
0xb5: {  	_ =	strace $0x90000048  }
0xb6: {  	_ =	sfence  }
0xb7: {  	s30 =	sld [smem:$0x0];
	_ =	sdelay $0x2  }
0xb8: {  	s31 =	sshll.u32 s1, $0xD;
	s1 =	sshrl.u32 s1, $0x2  }
0xb9: {  	s3 =	sand.u32 $0x4000, s31;
	s1 =	sadd.s32 s1, s30  }
0xba: {  	s0 =	sor.u32 s3, s0;
	s1 =	sshll.u32 s1, $0x11  }
0xbb: {  	s0 =	sor.u32 s1, s0  }
0xbc: {  	s0 =	sadd.s32 $0x8F2B, s0  }
0xbd: {  	[sflag:s0] =	ssyncadd.remote.s32 $0x1  }
0xbe: {  	_ =	sfence.sel $0xFFFF  }
0xbf: {  	[dreg:$0x0] =	wrdreg $0xFFFFFFFF;
	(pc) =	sbr.abs _section_cstart, $3  }
0xc0: {  	[dreg:$0x1] =	wrdreg $0xFFFFFFFF  }
0xc1: {  	_ =	task.clear_ibuf [dreg:s7], $0x2FFFF;
	_ =	strace $0x9FFFFFFF  }
0xc2: {  	(tm) =	ssettm $0x7FFFFFFF  }
0xc3: {  	_ =	shalt  }
tec
execute0_lowered:
.L_overlay_start_1:
0x0: {  	(tag) =	ssettag $0x1  }
0x1: {  	s0 =	rddreg [dreg:$0x0];
	s1 =	srdreg.scid  }
0x2: {  	s2 =	stileid.u32;
	s4 =	rddreg [dreg:$0x1];
	s12 =	simm.s32 $0x4  }
0x3: {  	s1 =	sand.u32 $0x1, s1;
	s3 =	sshll.u32 s2, $0x1;
	s2 =	simm.s32 $0x0  }
0x4: {  	s11 =	simm.s32 $0x180;
	s3 =	sor.u32 s1, s3;
	[smem:$0x7FF] =	sst s2  }
0x5: {  	s5 =	sshll.u32 s3, $0x3;
	_ =	strace $0x80000047;
	s6 =	sshll.u32 s3, $0xA  }
0x6: {  	s3 =	sshll.u32 s3, $0x8;
	s5 =	sadd.s32 s5, s0;
	s15 =	sadd.s32 s4, s6  }
0x7: {  	s3 =	sadd.s32 s3, s0;
	s5 =	sadd.s32 $0x3400, s5;
	[dreg:$0x4] =	wrdreg s15  }
0x8: {  	s6 =	sadd.s32 s6, s0;
	s3 =	sadd.s32 $0x3600, s3;
	[dreg:$0x3] =	wrdreg s5  }
0x9: {  	s10 =	simm.s32 $0x200;
	s16 =	sadd.s32 $0x5600, s6;
	[dreg:$0x5] =	wrdreg s3  }
0xa: {  	s9 =	simm.s32 $0x300;
	s17 =	sadd.s32 $0xD600, s6;
	[dreg:$0x6] =	wrdreg s16  }
0xb: {  	s8 =	simm.s32 $0x380;
	s18 =	sadd.s32 $0x15600, s6;
	[dreg:$0x7] =	wrdreg s17  }
0xc: {  	p0 =	por $0x0, $0x0;
	s19 =	sadd.s32 $0x1D600, s6;
	[dreg:$0x8] =	wrdreg s18  }
0xd: {  	s1 =	ssub.s32 $0x2, s1;
	s20 =	sadd.s32 $0x25600, s6;
	[dreg:$0x9] =	wrdreg s19  }
0xe: {  	s28 =	sshrl.u32 s1, $0x1;
	s21 =	sadd.s32 $0x2D600, s6;
	[dreg:$0xa] =	wrdreg s20  }
0xf: {  	s30 =	ssub.s32 s1, s28;
	s22 =	sadd.s32 $0x35600, s6;
	[dreg:$0xb] =	wrdreg s21  }
0x10: {  	s1 =	simm.s32 $0x100;
	s23 =	sadd.s32 $0x3D600, s6;
	[dreg:$0xc] =	wrdreg s22  }
0x11: {  	s24 =	sadd.s32 $0x45600, s6;
	s25 =	sadd.s32 $0x4D600, s6;
	[dreg:$0xd] =	wrdreg s23  }
0x12: {  	s26 =	sadd.s32 $0x55600, s6;
	s31 =	smax.u32 s30, $0x1;
	[dreg:$0xe] =	wrdreg s24  }
0x13: {  	s29 =	sadd.s32 $0x5D600, s6;
	[dreg:$0xf] =	wrdreg s25;
	p1 =	sne.s32 s31, $0x1  }
.Ltmp0:
0x14: {  	s6 =	simm.s32 $0x1;
	[dreg:$0x10] =	wrdreg s26;
	(pc) =	sbr.rel @!p1 .LBB2_5-.Ltmp0, $4  }
0x15: {  	s18 =	sadd.s32 $0x3200, s0;
	[dreg:$0x11] =	wrdreg s29;
	s19 =	simm.s32 $0x40  }
0x16: {  	s0 =	simm.s32 $0x80;
	s20 =	simm.s32 $0x3;
	s23 =	simm.s32 $0x280  }
0x17: {  	s22 =	simm.s32 $0x400;
	s13 =	sadd.s32 $0xFFFFFFFF, s31;
	s17 =	simm.s32 $0x480  }
0x18: {  	s5 =	simm.s32 $0x500;
	s3 =	simm.s32 $0x2;
	s7 =	rddreg [dreg:$0x3]  }
0x19: {  	[tilespmem:s2], [sflag:$0x4] =	stream.linear.gather [hbm4b:s7+s2], $0x40, $0x38;
	[tilespmem:$0x18800] =	vst v63  }
0x1a: {  	_ =	swait.ge [sflag:s12], $0x40  }
0x1b: {  	[sflag:s12] =	ssyncset.done $0x0  }
0x1c: {  	s21 =	simm.s32 $0x800;
	s25 =	rddreg [dreg:$0x4];
	[sflag:s12] =	ssyncadd.s32 $0xFFFFFFC0  }
0x1d: {  	[tilespmem:s21], [sflag:$0x1] =	stream.linear.gather [hbm4b:s25+s2], $0x2000, $0x38;
	[tilespmem:$0x18800] =	vst v63  }
0x1e: {  	_ = 	snop  }
0x1f: {  	[tilespmem:s0], [sflag:$0x3] =	stream.indirect.gather [hbm4b:s18+s19], $0x1, s2, s19, $0xb8;
	[tilespmem:$0x18800] =	vst v63  }
0x20: {  	_ =	swait.ge [sflag:s20], $0x40  }
0x21: {  	[sflag:s20] =	ssyncset.done $0x0  }
0x22: {  	s15 =	simm.s32 $0x2800;
	[sflag:s20] =	ssyncadd.s32 $0xFFFFFFC0  }
0x23: {  	[tilespmem:s15], [sflag:$0x1] =	stream.indirect.gather [hbm4b:s4+s19], $0x80, s0, s19, $0xb8;
	[tilespmem:$0x18800] =	vst v63  }
0x24: {  	_ = 	snop  }
0x25: {  	[tilespmem:s1], [sflag:$0x3] =	stream.indirect.gather [hbm4b:s18+s19], $0x1, s0, s19, $0xb8;
	[tilespmem:$0x18800] =	vst v63  }
0x26: {  	_ =	swait.ge [sflag:s20], $0x40  }
0x27: {  	[sflag:s20] =	ssyncset.done $0x0  }
0x28: {  	s16 =	simm.s32 $0x4800;
	[sflag:s20] =	ssyncadd.s32 $0xFFFFFFC0  }
0x29: {  	[tilespmem:s16], [sflag:$0x1] =	stream.indirect.gather [hbm4b:s4+s19], $0x80, s1, s19, $0xb8;
	[tilespmem:$0x18800] =	vst v63  }
0x2a: {  	_ = 	snop  }
0x2b: {  	[tilespmem:s11], [sflag:$0x3] =	stream.indirect.gather [hbm4b:s18+s19], $0x1, s1, s19, $0xb8;
	[tilespmem:$0x18800] =	vst v63  }
0x2c: {  	_ =	swait.ge [sflag:s20], $0x40  }
0x2d: {  	[sflag:s20] =	ssyncset.done $0x0  }
0x2e: {  	s12 =	smov.u32 s13;
	s13 =	simm.s32 $0x6800;
	[sflag:s20] =	ssyncadd.s32 $0xFFFFFFC0  }
0x2f: {  	[tilespmem:s13], [sflag:$0x1] =	stream.indirect.gather [hbm4b:s4+s19], $0x80, s11, s19, $0xb8;
	[tilespmem:$0x18800] =	vst v63  }
0x30: {  	_ = 	snop  }
0x31: {  	[tilespmem:s10], [sflag:$0x3] =	stream.indirect.gather [hbm4b:s18+s19], $0x1, s11, s19, $0xb8;
	[tilespmem:$0x18800] =	vst v63  }
0x32: {  	_ =	swait.ge [sflag:s20], $0x40  }
0x33: {  	[sflag:s20] =	ssyncset.done $0x0  }
0x34: {  	s14 =	simm.s32 $0x8800;
	[sflag:s20] =	ssyncadd.s32 $0xFFFFFFC0  }
0x35: {  	[tilespmem:s14], [sflag:$0x1] =	stream.indirect.gather [hbm4b:s4+s19], $0x80, s10, s19, $0xb8;
	[tilespmem:$0x18800] =	vst v63  }
0x36: {  	_ = 	snop  }
0x37: {  	[tilespmem:s23], [sflag:$0x3] =	stream.indirect.gather [hbm4b:s18+s19], $0x1, s10, s19, $0xb8;
	[tilespmem:$0x18800] =	vst v63  }
0x38: {  	_ =	swait.ge [sflag:s20], $0x40  }
0x39: {  	[sflag:s20] =	ssyncset.done $0x0  }
0x3a: {  	s10 =	simm.s32 $0xA800;
	[sflag:s20] =	ssyncadd.s32 $0xFFFFFFC0  }
0x3b: {  	[tilespmem:s10], [sflag:$0x1] =	stream.indirect.gather [hbm4b:s4+s19], $0x80, s23, s19, $0xb8;
	[tilespmem:$0x18800] =	vst v63  }
0x3c: {  	_ = 	snop  }
0x3d: {  	[tilespmem:s9], [sflag:$0x3] =	stream.indirect.gather [hbm4b:s18+s19], $0x1, s23, s19, $0xb8;
	[tilespmem:$0x18800] =	vst v63  }
0x3e: {  	_ =	swait.ge [sflag:s20], $0x40  }
0x3f: {  	[sflag:s20] =	ssyncset.done $0x0  }
0x40: {  	s26 =	simm.s32 $0xC800;
	[sflag:s20] =	ssyncadd.s32 $0xFFFFFFC0  }
0x41: {  	[tilespmem:s26], [sflag:$0x1] =	stream.indirect.gather [hbm4b:s4+s19], $0x80, s9, s19, $0xb8;
	[tilespmem:$0x18800] =	vst v63  }
0x42: {  	_ = 	snop  }
0x43: {  	[tilespmem:s8], [sflag:$0x3] =	stream.indirect.gather [hbm4b:s18+s19], $0x1, s9, s19, $0xb8;
	[tilespmem:$0x18800] =	vst v63  }
0x44: {  	_ =	swait.ge [sflag:s20], $0x40  }
0x45: {  	[sflag:s20] =	ssyncset.done $0x0  }
0x46: {  	s11 =	simm.s32 $0xE800;
	[sflag:s20] =	ssyncadd.s32 $0xFFFFFFC0  }
0x47: {  	[tilespmem:s11], [sflag:$0x1] =	stream.indirect.gather [hbm4b:s4+s19], $0x80, s8, s19, $0xb8;
	[tilespmem:$0x18800] =	vst v63  }
0x48: {  	_ = 	snop  }
0x49: {  	[tilespmem:s22], [sflag:$0x3] =	stream.indirect.gather [hbm4b:s18+s19], $0x1, s8, s19, $0xb8;
	[tilespmem:$0x18800] =	vst v63  }
0x4a: {  	_ =	swait.ge [sflag:s20], $0x40  }
0x4b: {  	[sflag:s20] =	ssyncset.done $0x0  }
0x4c: {  	s9 =	simm.s32 $0x10800;
	[sflag:s20] =	ssyncadd.s32 $0xFFFFFFC0  }
0x4d: {  	[tilespmem:s9], [sflag:$0x1] =	stream.indirect.gather [hbm4b:s4+s19], $0x80, s22, s19, $0xb8;
	[tilespmem:$0x18800] =	vst v63  }
0x4e: {  	_ = 	snop  }
0x4f: {  	[tilespmem:s17], [sflag:$0x3] =	stream.indirect.gather [hbm4b:s18+s19], $0x1, s22, s19, $0xb8;
	[tilespmem:$0x18800] =	vst v63  }
0x50: {  	_ =	swait.ge [sflag:s20], $0x40  }
0x51: {  	[sflag:s20] =	ssyncset.done $0x0  }
0x52: {  	s8 =	simm.s32 $0x12800;
	[sflag:s20] =	ssyncadd.s32 $0xFFFFFFC0  }
0x53: {  	[tilespmem:s8], [sflag:$0x1] =	stream.indirect.gather [hbm4b:s4+s19], $0x80, s17, s19, $0xb8;
	[tilespmem:$0x18800] =	vst v63  }
0x54: {  	_ = 	snop  }
0x55: {  	[tilespmem:s5], [sflag:$0x3] =	stream.indirect.gather [hbm4b:s18+s19], $0x1, s17, s19, $0xb8;
	[tilespmem:$0x18800] =	vst v63  }
0x56: {  	_ =	swait.ge [sflag:s20], $0x40  }
0x57: {  	[sflag:s20] =	ssyncset.done $0x0  }
0x58: {  	s17 =	simm.s32 $0x14800;
	[sflag:s20] =	ssyncadd.s32 $0xFFFFFFC0  }
0x59: {  	[tilespmem:s17], [sflag:$0x1] =	stream.indirect.gather [hbm4b:s4+s19], $0x80, s5, s19, $0xb8;
	[tilespmem:$0x18800] =	vst v63  }
0x5a: {  	s23 =	simm.s32 $0x500;
	s5 =	simm.s32 $0x580  }
0x5b: {  	[tilespmem:s5], [sflag:$0x3] =	stream.indirect.gather [hbm4b:s18+s19], $0x1, s23, s19, $0xb8;
	[tilespmem:$0x18800] =	vst v63  }
0x5c: {  	_ =	swait.ge [sflag:s20], $0x40  }
0x5d: {  	[sflag:s20] =	ssyncset.done $0x0  }
0x5e: {  	s24 =	simm.s32 $0x16800;
	[sflag:s20] =	ssyncadd.s32 $0xFFFFFFC0  }
0x5f: {  	[tilespmem:s24], [sflag:$0x1] =	stream.indirect.gather [hbm4b:s4+s19], $0x80, s5, s19, $0xb8;
	[tilespmem:$0x18800] =	vst v63  }
0x60: {  	s7 =	rddreg [dreg:$0x5]  }
0x61: {  	[hbm4b:s7+s2] =	stream.linear.scatter [tilespmem:s2], [sflag:$0x2], $0x600, $0x38;
	[tilespmem:$0x18800] =	vst v63  }
0x62: {  	_ =	swait.ge [sflag:s6], $0x2000  }
0x63: {  	[sflag:s6] =	ssyncset.done $0x0  }
0x64: {  	s5 =	rddreg [dreg:$0x6];
	[sflag:s6] =	ssyncadd.s32 $0xFFFFE000  }
0x65: {  	[hbm4b:s5+s2] =	stream.linear.scatter [tilespmem:s21], [sflag:$0x2], $0x2000, $0x38;
	[tilespmem:$0x18800] =	vst v63  }
0x66: {  	_ =	swait.ge [sflag:s6], $0x2000  }
0x67: {  	[sflag:s6] =	ssyncset.done $0x0  }
0x68: {  	s21 =	rddreg [dreg:$0x7];
	[sflag:s6] =	ssyncadd.s32 $0xFFFFE000  }
0x69: {  	[hbm4b:s21+s2] =	stream.linear.scatter [tilespmem:s15], [sflag:$0x2], $0x2000, $0x38;
	[tilespmem:$0x18800] =	vst v63  }
0x6a: {  	_ =	swait.ge [sflag:s6], $0x2000  }
0x6b: {  	[sflag:s6] =	ssyncset.done $0x0  }
0x6c: {  	s5 =	rddreg [dreg:$0x8];
	[sflag:s6] =	ssyncadd.s32 $0xFFFFE000  }
0x6d: {  	[hbm4b:s5+s2] =	stream.linear.scatter [tilespmem:s16], [sflag:$0x2], $0x2000, $0x38;
	[tilespmem:$0x18800] =	vst v63  }
0x6e: {  	_ =	swait.ge [sflag:s6], $0x2000  }
0x6f: {  	[sflag:s6] =	ssyncset.done $0x0  }
0x70: {  	s15 =	rddreg [dreg:$0x9];
	[sflag:s6] =	ssyncadd.s32 $0xFFFFE000  }
0x71: {  	[hbm4b:s15+s2] =	stream.linear.scatter [tilespmem:s13], [sflag:$0x2], $0x2000, $0x38;
	[tilespmem:$0x18800] =	vst v63  }
0x72: {  	_ =	swait.ge [sflag:s6], $0x2000  }
0x73: {  	[sflag:s6] =	ssyncset.done $0x0  }
0x74: {  	s16 =	rddreg [dreg:$0xa];
	[sflag:s6] =	ssyncadd.s32 $0xFFFFE000  }
0x75: {  	[hbm4b:s16+s2] =	stream.linear.scatter [tilespmem:s14], [sflag:$0x2], $0x2000, $0x38;
	[tilespmem:$0x18800] =	vst v63  }
0x76: {  	_ =	swait.ge [sflag:s6], $0x2000  }
0x77: {  	[sflag:s6] =	ssyncset.done $0x0  }
0x78: {  	s21 =	rddreg [dreg:$0xb];
	[sflag:s6] =	ssyncadd.s32 $0xFFFFE000  }
0x79: {  	[hbm4b:s21+s2] =	stream.linear.scatter [tilespmem:s10], [sflag:$0x2], $0x2000, $0x38;
	[tilespmem:$0x18800] =	vst v63  }
0x7a: {  	_ =	swait.ge [sflag:s6], $0x2000  }
0x7b: {  	[sflag:s6] =	ssyncset.done $0x0  }
0x7c: {  	s10 =	simm.s32 $0xC800;
	s5 =	rddreg [dreg:$0xc];
	[sflag:s6] =	ssyncadd.s32 $0xFFFFE000  }
0x7d: {  	[hbm4b:s5+s2] =	stream.linear.scatter [tilespmem:s10], [sflag:$0x2], $0x2000, $0x38;
	[tilespmem:$0x18800] =	vst v63  }
0x7e: {  	_ =	swait.ge [sflag:s6], $0x2000  }
0x7f: {  	[sflag:s6] =	ssyncset.done $0x0  }
0x80: {  	s13 =	rddreg [dreg:$0xd];
	[sflag:s6] =	ssyncadd.s32 $0xFFFFE000  }
0x81: {  	[hbm4b:s13+s2] =	stream.linear.scatter [tilespmem:s11], [sflag:$0x2], $0x2000, $0x38;
	[tilespmem:$0x18800] =	vst v63  }
0x82: {  	_ =	swait.ge [sflag:s6], $0x2000  }
0x83: {  	[sflag:s6] =	ssyncset.done $0x0  }
0x84: {  	s14 =	rddreg [dreg:$0xe];
	[sflag:s6] =	ssyncadd.s32 $0xFFFFE000  }
0x85: {  	[hbm4b:s14+s2] =	stream.linear.scatter [tilespmem:s9], [sflag:$0x2], $0x2000, $0x38;
	[tilespmem:$0x18800] =	vst v63  }
0x86: {  	_ =	swait.ge [sflag:s6], $0x2000  }
0x87: {  	[sflag:s6] =	ssyncset.done $0x0  }
0x88: {  	s15 =	rddreg [dreg:$0xf];
	[sflag:s6] =	ssyncadd.s32 $0xFFFFE000  }
0x89: {  	[hbm4b:s15+s2] =	stream.linear.scatter [tilespmem:s8], [sflag:$0x2], $0x2000, $0x38;
	[tilespmem:$0x18800] =	vst v63  }
0x8a: {  	_ =	swait.ge [sflag:s6], $0x2000  }
0x8b: {  	[sflag:s6] =	ssyncset.done $0x0  }
0x8c: {  	s16 =	rddreg [dreg:$0x10];
	[sflag:s6] =	ssyncadd.s32 $0xFFFFE000  }
0x8d: {  	[hbm4b:s16+s2] =	stream.linear.scatter [tilespmem:s17], [sflag:$0x2], $0x2000, $0x38;
	[tilespmem:$0x18800] =	vst v63  }
0x8e: {  	_ =	swait.ge [sflag:s6], $0x2000  }
0x8f: {  	[sflag:s6] =	ssyncset.done $0x0  }
0x90: {  	s21 =	rddreg [dreg:$0x11];
	[sflag:s6] =	ssyncadd.s32 $0xFFFFE000  }
0x91: {  	[hbm4b:s21+s2] =	stream.linear.scatter [tilespmem:s24], [sflag:$0x2], $0x2000, $0x38;
	[tilespmem:$0x18800] =	vst v63  }
0x92: {  	_ =	swait.ge [sflag:s3], $0x600  }
0x93: {  	[sflag:s3] =	ssyncset.done $0x0  }
0x94: {  	[sflag:s3] =	ssyncadd.s32 $0xFFFFFA00  }
0x95: {  	_ =	swait.ge [sflag:s3], $0x2000  }
0x96: {  	[sflag:s3] =	ssyncset.done $0x0  }
0x97: {  	[sflag:s3] =	ssyncadd.s32 $0xFFFFE000  }
0x98: {  	_ =	swait.ge [sflag:s3], $0x2000  }
0x99: {  	[sflag:s3] =	ssyncset.done $0x0  }
0x9a: {  	[sflag:s3] =	ssyncadd.s32 $0xFFFFE000  }
0x9b: {  	_ =	swait.ge [sflag:s3], $0x2000  }
0x9c: {  	[sflag:s3] =	ssyncset.done $0x0  }
0x9d: {  	[sflag:s3] =	ssyncadd.s32 $0xFFFFE000  }
0x9e: {  	_ =	swait.ge [sflag:s3], $0x2000  }
0x9f: {  	[sflag:s3] =	ssyncset.done $0x0  }
0xa0: {  	[sflag:s3] =	ssyncadd.s32 $0xFFFFE000  }
0xa1: {  	_ =	swait.ge [sflag:s3], $0x2000  }
0xa2: {  	[sflag:s3] =	ssyncset.done $0x0  }
0xa3: {  	[sflag:s3] =	ssyncadd.s32 $0xFFFFE000  }
0xa4: {  	_ =	swait.ge [sflag:s3], $0x2000  }
0xa5: {  	[sflag:s3] =	ssyncset.done $0x0  }
0xa6: {  	[sflag:s3] =	ssyncadd.s32 $0xFFFFE000  }
0xa7: {  	_ =	swait.ge [sflag:s3], $0x2000  }
0xa8: {  	[sflag:s3] =	ssyncset.done $0x0  }
0xa9: {  	[sflag:s3] =	ssyncadd.s32 $0xFFFFE000  }
0xaa: {  	_ =	swait.ge [sflag:s3], $0x2000  }
0xab: {  	[sflag:s3] =	ssyncset.done $0x0  }
0xac: {  	[sflag:s3] =	ssyncadd.s32 $0xFFFFE000  }
0xad: {  	_ =	swait.ge [sflag:s3], $0x2000  }
0xae: {  	[sflag:s3] =	ssyncset.done $0x0  }
0xaf: {  	[sflag:s3] =	ssyncadd.s32 $0xFFFFE000  }
0xb0: {  	_ =	swait.ge [sflag:s3], $0x2000  }
0xb1: {  	s30 =	simm.s32 $0x4;
	[sflag:s3] =	ssyncset.done $0x0  }
0xb2: {  	s31 =	simm.s32 $0x180;
	p1 =	sne.s32 s12, $0x1;
	[sflag:s3] =	ssyncadd.s32 $0xFFFFE000  }
.Ltmp1:
0xb3: {  	s28 =	simm.s32 $0x300;
	_ =	swait.ge [sflag:s3], $0x2000;
	(pc) =	sbr.rel @!p1 .LBB2_6-.Ltmp1, $4  }
0xb4: {  	s29 =	simm.s32 $0x280;
	p0 =	por $0x1, $0x1;
	[sflag:s3] =	ssyncset.done $0x0  }
0xb5: {  	s25 =	simm.s32 $0x480;
	s0 =	simm.s32 $0x80;
	[sflag:s3] =	ssyncadd.s32 $0xFFFFE000  }
0xb6: {  	s1 =	simm.s32 $0x100;
	s26 =	simm.s32 $0x380;
	_ =	swait.ge [sflag:s3], $0x2000  }
0xb7: {  	s5 =	sadd.s32 $0xFFFFFFFF, s12;
	s7 =	rddreg [dreg:$0x3];
	[sflag:s3] =	ssyncset.done $0x0  }
0xb8: {  	s21 =	simm.s32 $0x800;
	s15 =	simm.s32 $0x2800;
	s16 =	simm.s32 $0x4800  }
0xb9: {  	s13 =	simm.s32 $0x6800;
	s14 =	simm.s32 $0x8800;
	s10 =	simm.s32 $0xA800  }
0xba: {  	s12 =	simm.s32 $0xC800;
	s11 =	simm.s32 $0xE800;
	s9 =	simm.s32 $0x10800  }
0xbb: {  	s8 =	simm.s32 $0x12800;
	s17 =	simm.s32 $0x14800;
	s24 =	simm.s32 $0x16800  }
.LBB2_3:
0xbc: {  	[sflag:s3] =	ssyncadd.s32 $0xFFFFE000  }
0xbd: {  	[tilespmem:s2], [sflag:$0x4] =	stream.linear.gather [hbm4b:s7+s2], $0x40, $0x38;
	[tilespmem:$0x18800] =	vst v63  }
0xbe: {  	_ =	swait.ge [sflag:s30], $0x40  }
0xbf: {  	[sflag:s30] =	ssyncset.done $0x0  }
0xc0: {  	s7 =	rddreg [dreg:$0x4];
	[sflag:s30] =	ssyncadd.s32 $0xFFFFFFC0  }
0xc1: {  	[tilespmem:s21], [sflag:$0x1] =	stream.linear.gather [hbm4b:s7+s2], $0x2000, $0x38;
	[tilespmem:$0x18800] =	vst v63  }
0xc2: {  	_ = 	snop  }
0xc3: {  	[tilespmem:s0], [sflag:$0x3] =	stream.indirect.gather [hbm4b:s18+s19], $0x1, s2, s19, $0xb8;
	[tilespmem:$0x18800] =	vst v63  }
0xc4: {  	_ =	swait.ge [sflag:s20], $0x40  }
0xc5: {  	[sflag:s20] =	ssyncset.done $0x0  }
0xc6: {  	[sflag:s20] =	ssyncadd.s32 $0xFFFFFFC0  }
0xc7: {  	[tilespmem:s15], [sflag:$0x1] =	stream.indirect.gather [hbm4b:s4+s19], $0x80, s0, s19, $0xb8;
	[tilespmem:$0x18800] =	vst v63  }
0xc8: {  	_ = 	snop  }
0xc9: {  	[tilespmem:s1], [sflag:$0x3] =	stream.indirect.gather [hbm4b:s18+s19], $0x1, s0, s19, $0xb8;
	[tilespmem:$0x18800] =	vst v63  }
0xca: {  	_ =	swait.ge [sflag:s20], $0x40  }
0xcb: {  	[sflag:s20] =	ssyncset.done $0x0  }
0xcc: {  	[sflag:s20] =	ssyncadd.s32 $0xFFFFFFC0  }
0xcd: {  	[tilespmem:s16], [sflag:$0x1] =	stream.indirect.gather [hbm4b:s4+s19], $0x80, s1, s19, $0xb8;
	[tilespmem:$0x18800] =	vst v63  }
0xce: {  	_ = 	snop  }
0xcf: {  	[tilespmem:s31], [sflag:$0x3] =	stream.indirect.gather [hbm4b:s18+s19], $0x1, s1, s19, $0xb8;
	[tilespmem:$0x18800] =	vst v63  }
0xd0: {  	_ =	swait.ge [sflag:s20], $0x40  }
0xd1: {  	[sflag:s20] =	ssyncset.done $0x0  }
0xd2: {  	[sflag:s20] =	ssyncadd.s32 $0xFFFFFFC0  }
0xd3: {  	[tilespmem:s13], [sflag:$0x1] =	stream.indirect.gather [hbm4b:s4+s19], $0x80, s31, s19, $0xb8;
	[tilespmem:$0x18800] =	vst v63  }
0xd4: {  	s7 =	simm.s32 $0x200  }
0xd5: {  	[tilespmem:s7], [sflag:$0x3] =	stream.indirect.gather [hbm4b:s18+s19], $0x1, s31, s19, $0xb8;
	[tilespmem:$0x18800] =	vst v63  }
0xd6: {  	_ =	swait.ge [sflag:s20], $0x40  }
0xd7: {  	[sflag:s20] =	ssyncset.done $0x0  }
0xd8: {  	[sflag:s20] =	ssyncadd.s32 $0xFFFFFFC0  }
0xd9: {  	[tilespmem:s14], [sflag:$0x1] =	stream.indirect.gather [hbm4b:s4+s19], $0x80, s7, s19, $0xb8;
	[tilespmem:$0x18800] =	vst v63  }
0xda: {  	_ = 	snop  }
0xdb: {  	[tilespmem:s29], [sflag:$0x3] =	stream.indirect.gather [hbm4b:s18+s19], $0x1, s7, s19, $0xb8;
	[tilespmem:$0x18800] =	vst v63  }
0xdc: {  	_ =	swait.ge [sflag:s20], $0x40  }
0xdd: {  	[sflag:s20] =	ssyncset.done $0x0  }
0xde: {  	[sflag:s20] =	ssyncadd.s32 $0xFFFFFFC0  }
0xdf: {  	[tilespmem:s10], [sflag:$0x1] =	stream.indirect.gather [hbm4b:s4+s19], $0x80, s29, s19, $0xb8;
	[tilespmem:$0x18800] =	vst v63  }
0xe0: {  	_ = 	snop  }
0xe1: {  	[tilespmem:s28], [sflag:$0x3] =	stream.indirect.gather [hbm4b:s18+s19], $0x1, s29, s19, $0xb8;
	[tilespmem:$0x18800] =	vst v63  }
0xe2: {  	_ =	swait.ge [sflag:s20], $0x40  }
0xe3: {  	[sflag:s20] =	ssyncset.done $0x0  }
0xe4: {  	[sflag:s20] =	ssyncadd.s32 $0xFFFFFFC0  }
0xe5: {  	[tilespmem:s12], [sflag:$0x1] =	stream.indirect.gather [hbm4b:s4+s19], $0x80, s28, s19, $0xb8;
	[tilespmem:$0x18800] =	vst v63  }
0xe6: {  	_ = 	snop  }
0xe7: {  	[tilespmem:s26], [sflag:$0x3] =	stream.indirect.gather [hbm4b:s18+s19], $0x1, s28, s19, $0xb8;
	[tilespmem:$0x18800] =	vst v63  }
0xe8: {  	_ =	swait.ge [sflag:s20], $0x40  }
0xe9: {  	[sflag:s20] =	ssyncset.done $0x0  }
0xea: {  	[sflag:s20] =	ssyncadd.s32 $0xFFFFFFC0  }
0xeb: {  	[tilespmem:s11], [sflag:$0x1] =	stream.indirect.gather [hbm4b:s4+s19], $0x80, s26, s19, $0xb8;
	[tilespmem:$0x18800] =	vst v63  }
0xec: {  	_ = 	snop  }
0xed: {  	[tilespmem:s22], [sflag:$0x3] =	stream.indirect.gather [hbm4b:s18+s19], $0x1, s26, s19, $0xb8;
	[tilespmem:$0x18800] =	vst v63  }
0xee: {  	_ =	swait.ge [sflag:s20], $0x40  }
0xef: {  	[sflag:s20] =	ssyncset.done $0x0  }
0xf0: {  	[sflag:s20] =	ssyncadd.s32 $0xFFFFFFC0  }
0xf1: {  	[tilespmem:s9], [sflag:$0x1] =	stream.indirect.gather [hbm4b:s4+s19], $0x80, s22, s19, $0xb8;
	[tilespmem:$0x18800] =	vst v63  }
0xf2: {  	_ = 	snop  }
0xf3: {  	[tilespmem:s25], [sflag:$0x3] =	stream.indirect.gather [hbm4b:s18+s19], $0x1, s22, s19, $0xb8;
	[tilespmem:$0x18800] =	vst v63  }
0xf4: {  	_ =	swait.ge [sflag:s20], $0x40  }
0xf5: {  	[sflag:s20] =	ssyncset.done $0x0  }
0xf6: {  	[sflag:s20] =	ssyncadd.s32 $0xFFFFFFC0  }
0xf7: {  	[tilespmem:s8], [sflag:$0x1] =	stream.indirect.gather [hbm4b:s4+s19], $0x80, s25, s19, $0xb8;
	[tilespmem:$0x18800] =	vst v63  }
0xf8: {  	_ = 	snop  }
0xf9: {  	[tilespmem:s23], [sflag:$0x3] =	stream.indirect.gather [hbm4b:s18+s19], $0x1, s25, s19, $0xb8;
	[tilespmem:$0x18800] =	vst v63  }
0xfa: {  	_ =	swait.ge [sflag:s20], $0x40  }
0xfb: {  	[sflag:s20] =	ssyncset.done $0x0  }
0xfc: {  	[sflag:s20] =	ssyncadd.s32 $0xFFFFFFC0  }
0xfd: {  	[tilespmem:s17], [sflag:$0x1] =	stream.indirect.gather [hbm4b:s4+s19], $0x80, s23, s19, $0xb8;
	[tilespmem:$0x18800] =	vst v63  }
0xfe: {  	s22 =	simm.s32 $0x580  }
0xff: {  	[tilespmem:s22], [sflag:$0x3] =	stream.indirect.gather [hbm4b:s18+s19], $0x1, s23, s19, $0xb8;
	[tilespmem:$0x18800] =	vst v63  }
0x100: {  	_ =	swait.ge [sflag:s20], $0x40  }
0x101: {  	[sflag:s20] =	ssyncset.done $0x0  }
0x102: {  	[sflag:s20] =	ssyncadd.s32 $0xFFFFFFC0  }
0x103: {  	[tilespmem:s24], [sflag:$0x1] =	stream.indirect.gather [hbm4b:s4+s19], $0x80, s22, s19, $0xb8;
	[tilespmem:$0x18800] =	vst v63  }
0x104: {  	s7 =	rddreg [dreg:$0x5]  }
0x105: {  	[hbm4b:s7+s2] =	stream.linear.scatter [tilespmem:s2], [sflag:$0x2], $0x600, $0x38;
	[tilespmem:$0x18800] =	vst v63  }
0x106: {  	_ =	swait.ge [sflag:s6], $0x2000  }
0x107: {  	[sflag:s6] =	ssyncset.done $0x0  }
0x108: {  	s7 =	rddreg [dreg:$0x6];
	[sflag:s6] =	ssyncadd.s32 $0xFFFFE000  }
0x109: {  	[hbm4b:s7+s2] =	stream.linear.scatter [tilespmem:s21], [sflag:$0x2], $0x2000, $0x38;
	[tilespmem:$0x18800] =	vst v63  }
0x10a: {  	_ =	swait.ge [sflag:s6], $0x2000  }
0x10b: {  	[sflag:s6] =	ssyncset.done $0x0  }
0x10c: {  	s7 =	rddreg [dreg:$0x7];
	[sflag:s6] =	ssyncadd.s32 $0xFFFFE000  }
0x10d: {  	[hbm4b:s7+s2] =	stream.linear.scatter [tilespmem:s15], [sflag:$0x2], $0x2000, $0x38;
	[tilespmem:$0x18800] =	vst v63  }
0x10e: {  	_ =	swait.ge [sflag:s6], $0x2000  }
0x10f: {  	[sflag:s6] =	ssyncset.done $0x0  }
0x110: {  	s7 =	rddreg [dreg:$0x8];
	[sflag:s6] =	ssyncadd.s32 $0xFFFFE000  }
0x111: {  	[hbm4b:s7+s2] =	stream.linear.scatter [tilespmem:s16], [sflag:$0x2], $0x2000, $0x38;
	[tilespmem:$0x18800] =	vst v63  }
0x112: {  	_ =	swait.ge [sflag:s6], $0x2000  }
0x113: {  	[sflag:s6] =	ssyncset.done $0x0  }
0x114: {  	s7 =	rddreg [dreg:$0x9];
	[sflag:s6] =	ssyncadd.s32 $0xFFFFE000  }
0x115: {  	[hbm4b:s7+s2] =	stream.linear.scatter [tilespmem:s13], [sflag:$0x2], $0x2000, $0x38;
	[tilespmem:$0x18800] =	vst v63  }
0x116: {  	_ =	swait.ge [sflag:s6], $0x2000  }
0x117: {  	[sflag:s6] =	ssyncset.done $0x0  }
0x118: {  	s7 =	rddreg [dreg:$0xa];
	[sflag:s6] =	ssyncadd.s32 $0xFFFFE000  }
0x119: {  	[hbm4b:s7+s2] =	stream.linear.scatter [tilespmem:s14], [sflag:$0x2], $0x2000, $0x38;
	[tilespmem:$0x18800] =	vst v63  }
0x11a: {  	_ =	swait.ge [sflag:s6], $0x2000  }
0x11b: {  	[sflag:s6] =	ssyncset.done $0x0  }
0x11c: {  	s7 =	rddreg [dreg:$0xb];
	[sflag:s6] =	ssyncadd.s32 $0xFFFFE000  }
0x11d: {  	[hbm4b:s7+s2] =	stream.linear.scatter [tilespmem:s10], [sflag:$0x2], $0x2000, $0x38;
	[tilespmem:$0x18800] =	vst v63  }
0x11e: {  	_ =	swait.ge [sflag:s6], $0x2000  }
0x11f: {  	[sflag:s6] =	ssyncset.done $0x0  }
0x120: {  	s7 =	rddreg [dreg:$0xc];
	[sflag:s6] =	ssyncadd.s32 $0xFFFFE000  }
0x121: {  	[hbm4b:s7+s2] =	stream.linear.scatter [tilespmem:s12], [sflag:$0x2], $0x2000, $0x38;
	[tilespmem:$0x18800] =	vst v63  }
0x122: {  	_ =	swait.ge [sflag:s6], $0x2000  }
0x123: {  	[sflag:s6] =	ssyncset.done $0x0  }
0x124: {  	s7 =	rddreg [dreg:$0xd];
	[sflag:s6] =	ssyncadd.s32 $0xFFFFE000  }
0x125: {  	[hbm4b:s7+s2] =	stream.linear.scatter [tilespmem:s11], [sflag:$0x2], $0x2000, $0x38;
	[tilespmem:$0x18800] =	vst v63  }
0x126: {  	_ =	swait.ge [sflag:s6], $0x2000  }
0x127: {  	[sflag:s6] =	ssyncset.done $0x0  }
0x128: {  	s7 =	rddreg [dreg:$0xe];
	[sflag:s6] =	ssyncadd.s32 $0xFFFFE000  }
0x129: {  	[hbm4b:s7+s2] =	stream.linear.scatter [tilespmem:s9], [sflag:$0x2], $0x2000, $0x38;
	[tilespmem:$0x18800] =	vst v63  }
0x12a: {  	_ =	swait.ge [sflag:s6], $0x2000  }
0x12b: {  	[sflag:s6] =	ssyncset.done $0x0  }
0x12c: {  	s7 =	rddreg [dreg:$0xf];
	[sflag:s6] =	ssyncadd.s32 $0xFFFFE000  }
0x12d: {  	[hbm4b:s7+s2] =	stream.linear.scatter [tilespmem:s8], [sflag:$0x2], $0x2000, $0x38;
	[tilespmem:$0x18800] =	vst v63  }
0x12e: {  	_ =	swait.ge [sflag:s6], $0x2000  }
0x12f: {  	[sflag:s6] =	ssyncset.done $0x0  }
0x130: {  	s7 =	rddreg [dreg:$0x10];
	[sflag:s6] =	ssyncadd.s32 $0xFFFFE000  }
0x131: {  	[hbm4b:s7+s2] =	stream.linear.scatter [tilespmem:s17], [sflag:$0x2], $0x2000, $0x38;
	[tilespmem:$0x18800] =	vst v63  }
0x132: {  	_ =	swait.ge [sflag:s6], $0x2000  }
0x133: {  	[sflag:s6] =	ssyncset.done $0x0  }
0x134: {  	s7 =	rddreg [dreg:$0x11];
	[sflag:s6] =	ssyncadd.s32 $0xFFFFE000  }
0x135: {  	[hbm4b:s7+s2] =	stream.linear.scatter [tilespmem:s24], [sflag:$0x2], $0x2000, $0x38;
	[tilespmem:$0x18800] =	vst v63  }
0x136: {  	_ =	swait.ge [sflag:s3], $0x600  }
0x137: {  	[sflag:s3] =	ssyncset.done $0x0  }
0x138: {  	[sflag:s3] =	ssyncadd.s32 $0xFFFFFA00  }
0x139: {  	_ =	swait.ge [sflag:s3], $0x2000  }
0x13a: {  	[sflag:s3] =	ssyncset.done $0x0  }
0x13b: {  	[sflag:s3] =	ssyncadd.s32 $0xFFFFE000  }
0x13c: {  	_ =	swait.ge [sflag:s3], $0x2000  }
0x13d: {  	[sflag:s3] =	ssyncset.done $0x0  }
0x13e: {  	[sflag:s3] =	ssyncadd.s32 $0xFFFFE000  }
0x13f: {  	_ =	swait.ge [sflag:s3], $0x2000  }
0x140: {  	[sflag:s3] =	ssyncset.done $0x0  }
0x141: {  	[sflag:s3] =	ssyncadd.s32 $0xFFFFE000  }
0x142: {  	_ =	swait.ge [sflag:s3], $0x2000  }
0x143: {  	[sflag:s3] =	ssyncset.done $0x0  }
0x144: {  	[sflag:s3] =	ssyncadd.s32 $0xFFFFE000  }
0x145: {  	_ =	swait.ge [sflag:s3], $0x2000  }
0x146: {  	[sflag:s3] =	ssyncset.done $0x0  }
0x147: {  	[sflag:s3] =	ssyncadd.s32 $0xFFFFE000  }
0x148: {  	_ =	swait.ge [sflag:s3], $0x2000  }
0x149: {  	[sflag:s3] =	ssyncset.done $0x0  }
0x14a: {  	[sflag:s3] =	ssyncadd.s32 $0xFFFFE000  }
0x14b: {  	_ =	swait.ge [sflag:s3], $0x2000  }
0x14c: {  	[sflag:s3] =	ssyncset.done $0x0  }
0x14d: {  	[sflag:s3] =	ssyncadd.s32 $0xFFFFE000  }
0x14e: {  	_ =	swait.ge [sflag:s3], $0x2000  }
0x14f: {  	[sflag:s3] =	ssyncset.done $0x0  }
0x150: {  	[sflag:s3] =	ssyncadd.s32 $0xFFFFE000  }
0x151: {  	_ =	swait.ge [sflag:s3], $0x2000  }
0x152: {  	[sflag:s3] =	ssyncset.done $0x0  }
0x153: {  	[sflag:s3] =	ssyncadd.s32 $0xFFFFE000  }
0x154: {  	_ =	swait.ge [sflag:s3], $0x2000  }
0x155: {  	[sflag:s3] =	ssyncset.done $0x0  }
0x156: {  	p1 =	sne.s32 s5, $0x1;
	[sflag:s3] =	ssyncadd.s32 $0xFFFFE000  }
.Ltmp2:
0x157: {  	_ =	swait.ge [sflag:s3], $0x2000;
	(pc) =	sbr.rel @p1 .LBB2_3-.Ltmp2, $4  }
0x158: {  	[sflag:s3] =	ssyncset.done $0x0  }
0x159: {  	[sflag:s3] =	ssyncadd.s32 $0xFFFFE000  }
0x15a: {  	s5 =	sadd.s32 $0xFFFFFFFF, s5;
	_ =	swait.ge [sflag:s3], $0x2000  }
0x15b: {  	s22 =	simm.s32 $0x400;
	s7 =	rddreg [dreg:$0x3];
	[sflag:s3] =	ssyncset.done $0x0  }
0x15c: {  	s17 =	simm.s32 $0x480;
	s8 =	simm.s32 $0x380;
	s9 =	simm.s32 $0x300  }
0x15d: {  	s23 =	simm.s32 $0x280;
	s10 =	simm.s32 $0x200;
	s11 =	simm.s32 $0x180  }
0x15e: {  	s1 =	simm.s32 $0x100;
	s0 =	simm.s32 $0x80;
	s12 =	simm.s32 $0x4  }
.LBB2_5:
0x15f: {  	[sflag:s3] =	ssyncadd.s32 @p0 $0xFFFFE000  }
0x160: {  	[tilespmem:s2], [sflag:$0x4] =	stream.linear.gather [hbm4b:s7+s2], $0x40, $0x38;
	[tilespmem:$0x18800] =	vst v63  }
0x161: {  	_ =	swait.ge [sflag:s12], $0x40  }
0x162: {  	[sflag:s12] =	ssyncset.done $0x0  }
0x163: {  	s16 =	simm.s32 $0x800;
	s5 =	rddreg [dreg:$0x4];
	[sflag:s12] =	ssyncadd.s32 $0xFFFFFFC0  }
0x164: {  	[tilespmem:s16], [sflag:$0x1] =	stream.linear.gather [hbm4b:s5+s2], $0x2000, $0x38;
	[tilespmem:$0x18800] =	vst v63  }
0x165: {  	_ = 	snop  }
0x166: {  	[tilespmem:s0], [sflag:$0x3] =	stream.indirect.gather [hbm4b:s18+s19], $0x1, s2, s19, $0xb8;
	[tilespmem:$0x18800] =	vst v63  }
0x167: {  	_ =	swait.ge [sflag:s20], $0x40  }
0x168: {  	[sflag:s20] =	ssyncset.done $0x0  }
0x169: {  	s15 =	simm.s32 $0x2800;
	[sflag:s20] =	ssyncadd.s32 $0xFFFFFFC0  }
0x16a: {  	[tilespmem:s15], [sflag:$0x1] =	stream.indirect.gather [hbm4b:s4+s19], $0x80, s0, s19, $0xb8;
	[tilespmem:$0x18800] =	vst v63  }
0x16b: {  	_ = 	snop  }
0x16c: {  	[tilespmem:s1], [sflag:$0x3] =	stream.indirect.gather [hbm4b:s18+s19], $0x1, s0, s19, $0xb8;
	[tilespmem:$0x18800] =	vst v63  }
0x16d: {  	_ =	swait.ge [sflag:s20], $0x40  }
0x16e: {  	[sflag:s20] =	ssyncset.done $0x0  }
0x16f: {  	s14 =	simm.s32 $0x4800;
	[sflag:s20] =	ssyncadd.s32 $0xFFFFFFC0  }
0x170: {  	[tilespmem:s14], [sflag:$0x1] =	stream.indirect.gather [hbm4b:s4+s19], $0x80, s1, s19, $0xb8;
	[tilespmem:$0x18800] =	vst v63  }
0x171: {  	_ = 	snop  }
0x172: {  	[tilespmem:s11], [sflag:$0x3] =	stream.indirect.gather [hbm4b:s18+s19], $0x1, s1, s19, $0xb8;
	[tilespmem:$0x18800] =	vst v63  }
0x173: {  	_ =	swait.ge [sflag:s20], $0x40  }
0x174: {  	[sflag:s20] =	ssyncset.done $0x0  }
0x175: {  	s13 =	simm.s32 $0x6800;
	[sflag:s20] =	ssyncadd.s32 $0xFFFFFFC0  }
0x176: {  	[tilespmem:s13], [sflag:$0x1] =	stream.indirect.gather [hbm4b:s4+s19], $0x80, s11, s19, $0xb8;
	[tilespmem:$0x18800] =	vst v63  }
0x177: {  	_ = 	snop  }
0x178: {  	[tilespmem:s10], [sflag:$0x3] =	stream.indirect.gather [hbm4b:s18+s19], $0x1, s11, s19, $0xb8;
	[tilespmem:$0x18800] =	vst v63  }
0x179: {  	_ =	swait.ge [sflag:s20], $0x40  }
0x17a: {  	[sflag:s20] =	ssyncset.done $0x0  }
0x17b: {  	s11 =	simm.s32 $0x8800;
	[sflag:s20] =	ssyncadd.s32 $0xFFFFFFC0  }
0x17c: {  	[tilespmem:s11], [sflag:$0x1] =	stream.indirect.gather [hbm4b:s4+s19], $0x80, s10, s19, $0xb8;
	[tilespmem:$0x18800] =	vst v63  }
0x17d: {  	_ = 	snop  }
0x17e: {  	[tilespmem:s23], [sflag:$0x3] =	stream.indirect.gather [hbm4b:s18+s19], $0x1, s10, s19, $0xb8;
	[tilespmem:$0x18800] =	vst v63  }
0x17f: {  	_ =	swait.ge [sflag:s20], $0x40  }
0x180: {  	[sflag:s20] =	ssyncset.done $0x0  }
0x181: {  	s24 =	simm.s32 $0xA800;
	[sflag:s20] =	ssyncadd.s32 $0xFFFFFFC0  }
0x182: {  	[tilespmem:s24], [sflag:$0x1] =	stream.indirect.gather [hbm4b:s4+s19], $0x80, s23, s19, $0xb8;
	[tilespmem:$0x18800] =	vst v63  }
0x183: {  	_ = 	snop  }
0x184: {  	[tilespmem:s9], [sflag:$0x3] =	stream.indirect.gather [hbm4b:s18+s19], $0x1, s23, s19, $0xb8;
	[tilespmem:$0x18800] =	vst v63  }
0x185: {  	_ =	swait.ge [sflag:s20], $0x40  }
0x186: {  	[sflag:s20] =	ssyncset.done $0x0  }
0x187: {  	s25 =	simm.s32 $0xC800;
	[sflag:s20] =	ssyncadd.s32 $0xFFFFFFC0  }
0x188: {  	[tilespmem:s25], [sflag:$0x1] =	stream.indirect.gather [hbm4b:s4+s19], $0x80, s9, s19, $0xb8;
	[tilespmem:$0x18800] =	vst v63  }
0x189: {  	_ = 	snop  }
0x18a: {  	[tilespmem:s8], [sflag:$0x3] =	stream.indirect.gather [hbm4b:s18+s19], $0x1, s9, s19, $0xb8;
	[tilespmem:$0x18800] =	vst v63  }
0x18b: {  	_ =	swait.ge [sflag:s20], $0x40  }
0x18c: {  	[sflag:s20] =	ssyncset.done $0x0  }
0x18d: {  	s26 =	simm.s32 $0xE800;
	[sflag:s20] =	ssyncadd.s32 $0xFFFFFFC0  }
0x18e: {  	[tilespmem:s26], [sflag:$0x1] =	stream.indirect.gather [hbm4b:s4+s19], $0x80, s8, s19, $0xb8;
	[tilespmem:$0x18800] =	vst v63  }
0x18f: {  	_ = 	snop  }
0x190: {  	[tilespmem:s22], [sflag:$0x3] =	stream.indirect.gather [hbm4b:s18+s19], $0x1, s8, s19, $0xb8;
	[tilespmem:$0x18800] =	vst v63  }
0x191: {  	_ =	swait.ge [sflag:s20], $0x40  }
0x192: {  	[sflag:s20] =	ssyncset.done $0x0  }
0x193: {  	s28 =	simm.s32 $0x10800;
	[sflag:s20] =	ssyncadd.s32 $0xFFFFFFC0  }
0x194: {  	[tilespmem:s28], [sflag:$0x1] =	stream.indirect.gather [hbm4b:s4+s19], $0x80, s22, s19, $0xb8;
	[tilespmem:$0x18800] =	vst v63  }
0x195: {  	_ = 	snop  }
0x196: {  	[tilespmem:s17], [sflag:$0x3] =	stream.indirect.gather [hbm4b:s18+s19], $0x1, s22, s19, $0xb8;
	[tilespmem:$0x18800] =	vst v63  }
0x197: {  	_ =	swait.ge [sflag:s20], $0x40  }
0x198: {  	[sflag:s20] =	ssyncset.done $0x0  }
0x199: {  	s5 =	simm.s32 $0x12800;
	[sflag:s20] =	ssyncadd.s32 $0xFFFFFFC0  }
0x19a: {  	[tilespmem:s5], [sflag:$0x1] =	stream.indirect.gather [hbm4b:s4+s19], $0x80, s17, s19, $0xb8;
	[tilespmem:$0x18800] =	vst v63  }
0x19b: {  	s31 =	simm.s32 $0x500  }
0x19c: {  	[tilespmem:s31], [sflag:$0x3] =	stream.indirect.gather [hbm4b:s18+s19], $0x1, s17, s19, $0xb8;
	[tilespmem:$0x18800] =	vst v63  }
0x19d: {  	_ =	swait.ge [sflag:s20], $0x40  }
0x19e: {  	[sflag:s20] =	ssyncset.done $0x0  }
0x19f: {  	s1 =	simm.s32 $0x14800;
	[sflag:s20] =	ssyncadd.s32 $0xFFFFFFC0  }
0x1a0: {  	[tilespmem:s1], [sflag:$0x1] =	stream.indirect.gather [hbm4b:s4+s19], $0x80, s31, s19, $0xb8;
	[tilespmem:$0x18800] =	vst v63  }
0x1a1: {  	s29 =	simm.s32 $0x580  }
0x1a2: {  	[tilespmem:s29], [sflag:$0x3] =	stream.indirect.gather [hbm4b:s18+s19], $0x1, s31, s19, $0xb8;
	[tilespmem:$0x18800] =	vst v63  }
0x1a3: {  	_ =	swait.ge [sflag:s20], $0x40  }
0x1a4: {  	[sflag:s20] =	ssyncset.done $0x0  }
0x1a5: {  	s31 =	simm.s32 $0x16800;
	[sflag:s20] =	ssyncadd.s32 $0xFFFFFFC0  }
0x1a6: {  	[tilespmem:s31], [sflag:$0x1] =	stream.indirect.gather [hbm4b:s4+s19], $0x80, s29, s19, $0xb8;
	[tilespmem:$0x18800] =	vst v63  }
0x1a7: {  	s30 =	rddreg [dreg:$0x5]  }
0x1a8: {  	[hbm4b:s30+s2] =	stream.linear.scatter [tilespmem:s2], [sflag:$0x2], $0x600, $0x38;
	[tilespmem:$0x18800] =	vst v63  }
0x1a9: {  	_ =	swait.ge [sflag:s6], $0x2000  }
0x1aa: {  	[sflag:s6] =	ssyncset.done $0x0  }
0x1ab: {  	s18 =	rddreg [dreg:$0x6];
	[sflag:s6] =	ssyncadd.s32 $0xFFFFE000  }
0x1ac: {  	[hbm4b:s18+s2] =	stream.linear.scatter [tilespmem:s16], [sflag:$0x2], $0x2000, $0x38;
	[tilespmem:$0x18800] =	vst v63  }
0x1ad: {  	_ =	swait.ge [sflag:s6], $0x2000  }
0x1ae: {  	[sflag:s6] =	ssyncset.done $0x0  }
0x1af: {  	s19 =	rddreg [dreg:$0x7];
	[sflag:s6] =	ssyncadd.s32 $0xFFFFE000  }
0x1b0: {  	[hbm4b:s19+s2] =	stream.linear.scatter [tilespmem:s15], [sflag:$0x2], $0x2000, $0x38;
	[tilespmem:$0x18800] =	vst v63  }
0x1b1: {  	_ =	swait.ge [sflag:s6], $0x2000  }
0x1b2: {  	[sflag:s6] =	ssyncset.done $0x0  }
0x1b3: {  	s20 =	rddreg [dreg:$0x8];
	[sflag:s6] =	ssyncadd.s32 $0xFFFFE000  }
0x1b4: {  	[hbm4b:s20+s2] =	stream.linear.scatter [tilespmem:s14], [sflag:$0x2], $0x2000, $0x38;
	[tilespmem:$0x18800] =	vst v63  }
0x1b5: {  	_ =	swait.ge [sflag:s6], $0x2000  }
0x1b6: {  	[sflag:s6] =	ssyncset.done $0x0  }
0x1b7: {  	s21 =	rddreg [dreg:$0x9];
	[sflag:s6] =	ssyncadd.s32 $0xFFFFE000  }
0x1b8: {  	[hbm4b:s21+s2] =	stream.linear.scatter [tilespmem:s13], [sflag:$0x2], $0x2000, $0x38;
	[tilespmem:$0x18800] =	vst v63  }
0x1b9: {  	_ =	swait.ge [sflag:s6], $0x2000  }
0x1ba: {  	[sflag:s6] =	ssyncset.done $0x0  }
0x1bb: {  	s22 =	rddreg [dreg:$0xa];
	[sflag:s6] =	ssyncadd.s32 $0xFFFFE000  }
0x1bc: {  	[hbm4b:s22+s2] =	stream.linear.scatter [tilespmem:s11], [sflag:$0x2], $0x2000, $0x38;
	[tilespmem:$0x18800] =	vst v63  }
0x1bd: {  	_ =	swait.ge [sflag:s6], $0x2000  }
0x1be: {  	[sflag:s6] =	ssyncset.done $0x0  }
0x1bf: {  	s23 =	rddreg [dreg:$0xb];
	[sflag:s6] =	ssyncadd.s32 $0xFFFFE000  }
0x1c0: {  	[hbm4b:s23+s2] =	stream.linear.scatter [tilespmem:s24], [sflag:$0x2], $0x2000, $0x38;
	[tilespmem:$0x18800] =	vst v63  }
0x1c1: {  	_ =	swait.ge [sflag:s6], $0x2000  }
0x1c2: {  	[sflag:s6] =	ssyncset.done $0x0  }
0x1c3: {  	s24 =	rddreg [dreg:$0xc];
	[sflag:s6] =	ssyncadd.s32 $0xFFFFE000  }
0x1c4: {  	[hbm4b:s24+s2] =	stream.linear.scatter [tilespmem:s25], [sflag:$0x2], $0x2000, $0x38;
	[tilespmem:$0x18800] =	vst v63  }
0x1c5: {  	_ =	swait.ge [sflag:s6], $0x2000  }
0x1c6: {  	[sflag:s6] =	ssyncset.done $0x0  }
0x1c7: {  	s25 =	rddreg [dreg:$0xd];
	[sflag:s6] =	ssyncadd.s32 $0xFFFFE000  }
0x1c8: {  	[hbm4b:s25+s2] =	stream.linear.scatter [tilespmem:s26], [sflag:$0x2], $0x2000, $0x38;
	[tilespmem:$0x18800] =	vst v63  }
0x1c9: {  	_ =	swait.ge [sflag:s6], $0x2000  }
0x1ca: {  	[sflag:s6] =	ssyncset.done $0x0  }
0x1cb: {  	s26 =	rddreg [dreg:$0xe];
	[sflag:s6] =	ssyncadd.s32 $0xFFFFE000  }
0x1cc: {  	[hbm4b:s26+s2] =	stream.linear.scatter [tilespmem:s28], [sflag:$0x2], $0x2000, $0x38;
	[tilespmem:$0x18800] =	vst v63  }
0x1cd: {  	_ =	swait.ge [sflag:s6], $0x2000  }
0x1ce: {  	[sflag:s6] =	ssyncset.done $0x0  }
0x1cf: {  	s28 =	rddreg [dreg:$0xf];
	[sflag:s6] =	ssyncadd.s32 $0xFFFFE000  }
0x1d0: {  	[hbm4b:s28+s2] =	stream.linear.scatter [tilespmem:s5], [sflag:$0x2], $0x2000, $0x38;
	[tilespmem:$0x18800] =	vst v63  }
0x1d1: {  	_ =	swait.ge [sflag:s6], $0x2000  }
0x1d2: {  	[sflag:s6] =	ssyncset.done $0x0  }
0x1d3: {  	s29 =	rddreg [dreg:$0x10];
	[sflag:s6] =	ssyncadd.s32 $0xFFFFE000  }
0x1d4: {  	[hbm4b:s29+s2] =	stream.linear.scatter [tilespmem:s1], [sflag:$0x2], $0x2000, $0x38;
	[tilespmem:$0x18800] =	vst v63  }
0x1d5: {  	_ =	swait.ge [sflag:s6], $0x2000  }
0x1d6: {  	[sflag:s6] =	ssyncset.done $0x0  }
0x1d7: {  	s30 =	rddreg [dreg:$0x11];
	[sflag:s6] =	ssyncadd.s32 $0xFFFFE000  }
0x1d8: {  	[hbm4b:s30+s2] =	stream.linear.scatter [tilespmem:s31], [sflag:$0x2], $0x2000, $0x38;
	[tilespmem:$0x18800] =	vst v63  }
0x1d9: {  	_ =	swait.ge [sflag:s3], $0x600  }
0x1da: {  	[sflag:s3] =	ssyncset.done $0x0  }
0x1db: {  	[sflag:s3] =	ssyncadd.s32 $0xFFFFFA00  }
0x1dc: {  	_ =	swait.ge [sflag:s3], $0x2000  }
0x1dd: {  	[sflag:s3] =	ssyncset.done $0x0  }
0x1de: {  	[sflag:s3] =	ssyncadd.s32 $0xFFFFE000  }
0x1df: {  	_ =	swait.ge [sflag:s3], $0x2000  }
0x1e0: {  	[sflag:s3] =	ssyncset.done $0x0  }
0x1e1: {  	[sflag:s3] =	ssyncadd.s32 $0xFFFFE000  }
0x1e2: {  	_ =	swait.ge [sflag:s3], $0x2000  }
0x1e3: {  	[sflag:s3] =	ssyncset.done $0x0  }
0x1e4: {  	[sflag:s3] =	ssyncadd.s32 $0xFFFFE000  }
0x1e5: {  	_ =	swait.ge [sflag:s3], $0x2000  }
0x1e6: {  	[sflag:s3] =	ssyncset.done $0x0  }
0x1e7: {  	[sflag:s3] =	ssyncadd.s32 $0xFFFFE000  }
0x1e8: {  	_ =	swait.ge [sflag:s3], $0x2000  }
0x1e9: {  	[sflag:s3] =	ssyncset.done $0x0  }
0x1ea: {  	[sflag:s3] =	ssyncadd.s32 $0xFFFFE000  }
0x1eb: {  	_ =	swait.ge [sflag:s3], $0x2000  }
0x1ec: {  	[sflag:s3] =	ssyncset.done $0x0  }
0x1ed: {  	[sflag:s3] =	ssyncadd.s32 $0xFFFFE000  }
0x1ee: {  	_ =	swait.ge [sflag:s3], $0x2000  }
0x1ef: {  	[sflag:s3] =	ssyncset.done $0x0  }
0x1f0: {  	[sflag:s3] =	ssyncadd.s32 $0xFFFFE000  }
0x1f1: {  	_ =	swait.ge [sflag:s3], $0x2000  }
0x1f2: {  	[sflag:s3] =	ssyncset.done $0x0  }
0x1f3: {  	[sflag:s3] =	ssyncadd.s32 $0xFFFFE000  }
0x1f4: {  	_ =	swait.ge [sflag:s3], $0x2000  }
0x1f5: {  	[sflag:s3] =	ssyncset.done $0x0  }
0x1f6: {  	[sflag:s3] =	ssyncadd.s32 $0xFFFFE000  }
0x1f7: {  	_ =	swait.ge [sflag:s3], $0x2000  }
0x1f8: {  	[sflag:s3] =	ssyncset.done $0x0  }
0x1f9: {  	[sflag:s3] =	ssyncadd.s32 $0xFFFFE000  }
0x1fa: {  	_ =	swait.ge [sflag:s3], $0x2000  }
0x1fb: {  	[sflag:s3] =	ssyncset.done $0x0  }
0x1fc: {  	[sflag:s3] =	ssyncadd.s32 $0xFFFFE000  }
0x1fd: {  	_ =	swait.ge [sflag:s3], $0x2000  }
0x1fe: {  	[sflag:s3] =	ssyncset.done $0x0  }
0x1ff: {  	[sflag:s3] =	ssyncadd.s32 $0xFFFFE000  }
0x200: {  	_ =	sfence.sel $0x180000  }
0x201: {  	[bflag:$0x0] =	sbarrier.arrive $0xFFFF  }
0x202: {  	_ =	strace $0x90000047  }
0x203: {  	s31 =	stileid.u32;
	[bflag:$0x2] =	sbarrier.arrive $0xFFFF  }
0x204: {  	p0 =	sne.s32 s31, $0x0;
	s0 =	rddreg [dreg:$0x2]  }
0x205: {  	s0 =	sadd.s32 @!p0 $0x100000, s0  }
0x206: {  	[sflag:s0] =	ssyncadd.tile.s32 @!p0 $0x1;
	_ =	shalt  }
.LBB2_6:
.Ltmp3:
0x207: {  	(pc) =	sbr.rel .LBB2_5-.Ltmp3, $4  }
0x208: {  	_ = 	snop  }
0x209: {  	s17 =	simm.s32 $0x480;
	s8 =	simm.s32 $0x380;
	s9 =	simm.s32 $0x300  }
0x20a: {  	s23 =	simm.s32 $0x280;
	s10 =	simm.s32 $0x200;
	s11 =	simm.s32 $0x180  }
0x20b: {  	s1 =	simm.s32 $0x100;
	s0 =	simm.s32 $0x80;
	s12 =	simm.s32 $0x4  }
.Lfunc_end2:
_tile_overlayer_lowered:
.L_overlay_start_2:
0x20c: {  	(tag) =	ssettag $0x2  }
0x20d: {  	s0 =	rddreg [dreg:$0x0];
	s2 =	stileid.u32  }
0x20e: {  	s1 =	rddreg [dreg:$0x1];
	p0 =	sne.s32 s2, $0x0  }
0x20f: {  	s3 =	rddreg [dreg:$0x2];
	[bflag:$0x3] =	sbarrier.arrive $0xFFFF;
	s2 =	simm.s32 @!p0 $0x1C04  }
0x210: {  	[timem:s3], [sflag:s2] =	dma.local @!p0 [hbm:s0], s1  }
0x211: {  	s0 =	simm.s32 @!p0 $0x4  }
0x212: {  	_ =	swait.ge @!p0 [sflag:s0], s1  }
0x213: {  	s1 =	ssub.s32 @!p0 $0x0, s1;
	[sflag:s0] =	ssyncset.done @!p0 $0x0  }
0x214: {  	[sflag:s0] =	ssyncadd.s32 @!p0 s1  }
0x215: {  	[bflag:$0x3] =	sbarrier.arrive $0xFFFF  }
0x216: {  	_ =	shalt  }

</sc_bundles>
